<compile_context>
chip_gen: v7x
topology: tpu7x:2x2x1
jax: 0.10.2.dev20260603
libtpu: 0.0.44.dev20260713+nightly
codegen_flags: <defaults>
</compile_context>

<pallas_src>
import functools

import jax
import jax.numpy as jnp
from jax import lax
from jax.experimental import pallas as pl
from jax.experimental.pallas import tpu as pltpu
from jax.experimental.pallas import tpu_sc as plsc

VOCAB = 1000000
D = 64
B = 16384
NEG = 20
NC = 2
NS = 16
NW = NC * NS
NB = B // NW
SUB = 16
NSUB = NB // SUB
IDXW = 80
NIR = SUB * NEG // IDXW
NROW = SUB * NEG
CW = 2 * D

TRC = 2048
TRG = (VOCAB + TRC - 1) // TRC


def _tr_body(ut_ref, vt_ref, o_ref):
    o_ref[:, pl.ds(0, D)] = ut_ref[...].T
    o_ref[:, pl.ds(D, D)] = vt_ref[...].T


_tr_call = pl.pallas_call(
    _tr_body,
    grid=(TRG,),
    in_specs=[pl.BlockSpec((D, TRC), lambda i: (0, i)),
              pl.BlockSpec((D, TRC), lambda i: (0, i))],
    out_specs=pl.BlockSpec((TRC, CW), lambda i: (i, 0)),
    out_shape=jax.ShapeDtypeStruct((VOCAB, CW), jnp.float32),
)



def _sc_body(uidx_h, vidx_h, nidx_h, C_h, score_h, negsc_h,
             uidx_v, vidx_v, nidx_v, ubuf, vbuf, nbuf, pbuf, qbuf,
             sstage, qstage, sem0, sem1):
    cid = lax.axis_index("c")
    sid = lax.axis_index("s")
    wid = sid * NC + cid
    r0 = wid * (NB // 128)

    pltpu.sync_copy(uidx_h.at[pl.ds(wid * NSUB, NSUB)], uidx_v)
    pltpu.sync_copy(vidx_h.at[pl.ds(wid * NSUB, NSUB)], vidx_v)
    pltpu.sync_copy(nidx_h.at[pl.ds(wid * 128, 128)], nidx_v)

    sems = (sem0, sem1)

    def issue(s, slot):
        sem = sems[slot]
        pltpu.async_copy(C_h.at[uidx_v.at[s]], ubuf.at[slot], sem)
        pltpu.async_copy(C_h.at[vidx_v.at[s]], vbuf.at[slot], sem)
        for j in range(NIR):
            pltpu.async_copy(C_h.at[nidx_v.at[s * NIR + j]],
                             nbuf.at[slot].at[pl.ds(j * IDXW, IDXW)], sem)

    def drain(s, slot):
        sem = sems[slot]
        pltpu.make_async_copy(C_h.at[uidx_v.at[s]], ubuf.at[slot], sem).wait()
        pltpu.make_async_copy(C_h.at[vidx_v.at[s]], vbuf.at[slot], sem).wait()
        for j in range(NIR):
            pltpu.make_async_copy(C_h.at[nidx_v.at[s * NIR + j]],
                                  nbuf.at[slot].at[pl.ds(j * IDXW, IDXW)],
                                  sem).wait()

    issue(0, 0)

    rows16 = lax.iota(jnp.int32, 16)

    def compute(s, slot):
        nslot = nbuf.at[slot]
        ub = ubuf.at[slot]
        vb = vbuf.at[slot]

        def bbody(i, carry):
            u = [ub[i, pl.ds(16 * k, 16)] for k in range(4)]
            v = [vb[i, pl.ds(D + 16 * k, 16)] for k in range(4)]
            p = u[0] * v[0] + u[1] * v[1] + u[2] * v[2] + u[3] * v[3]
            base = i * NEG
            acc = [nslot[base, pl.ds(D + 16 * k, 16)] for k in range(4)]
            for n in range(1, NEG):
                for k in range(4):
                    acc[k] = acc[k] + nslot[base + n, pl.ds(D + 16 * k, 16)]
            q = (u[0] * acc[0] + u[1] * acc[1]
                 + u[2] * acc[2] + u[3] * acc[3])
            pbuf[i] = p
            qbuf[i] = q
            return carry

        lax.fori_loop(0, SUB, bbody, 0)

        sc = jnp.zeros((16,), jnp.float32)
        qc = jnp.zeros((16,), jnp.float32)
        for k in range(16):
            kk = jnp.full((16,), k, jnp.int32)
            sc = sc + plsc.load_gather(pbuf, [rows16, kk])
            qc = qc + plsc.load_gather(qbuf, [rows16, kk])
        b0 = s * SUB
        rr = b0 // 128
        cc = b0 % 128
        sstage[rr, pl.ds(cc, 16)] = sc
        qstage[rr, pl.ds(cc, 16)] = qc

    def step(t, carry):
        s_even = 2 * t
        issue(s_even + 1, 1)
        drain(s_even, 0)
        compute(s_even, 0)

        @pl.when(s_even + 2 < NSUB)
        def _():
            issue(s_even + 2, 0)

        drain(s_even + 1, 1)
        compute(s_even + 1, 1)
        return carry

    lax.fori_loop(0, NSUB // 2, step, 0)

    pltpu.sync_copy(sstage, score_h.at[pl.ds(r0, NB // 128)])
    pltpu.sync_copy(qstage, negsc_h.at[pl.ds(r0, NB // 128)])


@functools.cache
def _sc_call_cached():
    return functools.partial(
        pl.kernel,
        out_type=(jax.ShapeDtypeStruct((B // 128, 128), jnp.float32),
                  jax.ShapeDtypeStruct((B // 128, 128), jnp.float32)),
        mesh=plsc.VectorSubcoreMesh(core_axis_name="c", subcore_axis_name="s",
                                    num_cores=NC, num_subcores=NS),
        compiler_params=pltpu.CompilerParams(needs_layout_passes=False,
                                             use_tc_tiling_on_sc=False),
        scratch_types=[
            pltpu.VMEM((NSUB, SUB), jnp.int32),
            pltpu.VMEM((NSUB, SUB), jnp.int32),
            pltpu.VMEM((128, IDXW), jnp.int32),
            pltpu.VMEM((2, SUB, CW), jnp.float32),
            pltpu.VMEM((2, SUB, CW), jnp.float32),
            pltpu.VMEM((2, NROW, CW), jnp.float32),
            pltpu.VMEM((16, 16), jnp.float32),
            pltpu.VMEM((16, 16), jnp.float32),
            pltpu.VMEM((NB // 128, 128), jnp.float32),
            pltpu.VMEM((NB // 128, 128), jnp.float32),
            pltpu.SemaphoreType.DMA,
            pltpu.SemaphoreType.DMA,
        ],
    )(_sc_body)



def _loss_body(s_ref, q_ref, o_ref):
    s = s_ref[...]
    q = q_ref[...]
    ls = jnp.minimum(s, 0.0) - jnp.log(1.0 + jnp.exp(-jnp.abs(s)))
    lq = jnp.minimum(-q, 0.0) - jnp.log(1.0 + jnp.exp(-jnp.abs(q)))
    o_ref[0, 0] = -(jnp.sum(ls) + jnp.sum(lq)) / jnp.float32(B)


_loss_call = pl.pallas_call(
    _loss_body,
    out_shape=jax.ShapeDtypeStruct((1, 1), jnp.float32),
    out_specs=pl.BlockSpec(memory_space=pltpu.SMEM),
)


def kernel(u_idx, v_idx, v_neg, U, V):
    u2 = u_idx.astype(jnp.int32).reshape(B // SUB, SUB)
    v2 = v_idx.astype(jnp.int32).reshape(B // SUB, SUB)
    n2 = v_neg.astype(jnp.int32).reshape(B * NEG // IDXW, IDXW)
    comb = _tr_call(U.T, V.T)
    score, negsc = _sc_call_cached()(u2, v2, n2, comb)
    out = _loss_call(score, negsc)
    return out[0, 0]

# --- scband reference (transcript-rebuilt; emitter-appended) ---
"""Pipeline reference for scband-skip-gram-55087250539230 (READ-ONLY COPY).

The authoritative reference and input builder live on the scoring server;
editing this copy changes nothing except your own understanding.
"""

import jax, jax.numpy as jnp
import numpy as np

VOCAB = 1000000
DIM = 64
B = 16384
NEG = 20


def setup_inputs(seed: int = 0) -> dict:
    key = jax.random.key(seed)
    k1, k2, k3, k4, k5 = jax.random.split(key, 5)
    initrange = 0.5 / DIM
    U = jax.random.uniform(k1, (VOCAB, DIM), minval=-initrange, maxval=initrange, dtype=jnp.float32)
    # NOTE: original torch init zeros v_embeddings; we use small random values to avoid a
    # degenerate all-zero benchmark while keeping the same math in forward.
    V = jax.random.uniform(k2, (VOCAB, DIM), minval=-initrange, maxval=initrange, dtype=jnp.float32)
    u_idx = jax.random.randint(k3, (B,), 0, VOCAB, dtype=jnp.int64)
    v_idx = jax.random.randint(k4, (B,), 0, VOCAB, dtype=jnp.int64)
    v_neg = jax.random.randint(k5, (B, NEG), 0, VOCAB, dtype=jnp.int64)
    return {"u_idx": u_idx, "v_idx": v_idx, "v_neg": v_neg, "U": U, "V": V}


def reference(u_idx, v_idx, v_neg, U, V):
    embed_u = jnp.take(U, u_idx, axis=0)            # [B, D]
    embed_v = jnp.take(V, v_idx, axis=0)            # [B, D]
    score = jnp.sum(embed_u * embed_v, axis=1)      # [B]
    log_target = jax.nn.log_sigmoid(score)          # [B]
    neg_embed_v = jnp.take(V, v_neg, axis=0)        # [B, NEG, D]
    neg_score = jnp.einsum('bnd,bd->bn', neg_embed_v, embed_u)  # bmm(neg_embed_v, embed_u.unsqueeze(2)).squeeze()
    neg_score = jnp.sum(neg_score, axis=1)          # [B]
    sum_log_sampled = jax.nn.log_sigmoid(-1.0 * neg_score)      # [B]
    loss = log_target + sum_log_sampled
    return -1.0 * jnp.sum(loss) / embed_u.shape[0]

if __name__ == "__main__":
    import jax
    _d = setup_inputs()
    print(jax.jit(kernel)(*tuple(_d.values())))

</pallas_src>

<mosaic_0001>
#map = affine_map<(d0, d1) -> (0, 0)>
module attributes {stable_mosaic.version = 14 : i64} {
  func.func @_sc_body(%arg0: i32, %arg1: i32, %arg2: memref<1024x16xi32, #tpu.memory_space<hbm>>, %arg3: memref<1024x16xi32, #tpu.memory_space<hbm>>, %arg4: memref<4096x80xi32, #tpu.memory_space<hbm>>, %arg5: memref<1000000x128xf32, #tpu.memory_space<hbm>>, %arg6: memref<128x128xf32, #tpu.memory_space<hbm>>, %arg7: memref<128x128xf32, #tpu.memory_space<hbm>>, %arg8: memref<32x16xi32, #tpu.memory_space<vmem>>, %arg9: memref<32x16xi32, #tpu.memory_space<vmem>>, %arg10: memref<128x80xi32, #tpu.memory_space<vmem>>, %arg11: memref<2x16x128xf32, #tpu.memory_space<vmem>>, %arg12: memref<2x16x128xf32, #tpu.memory_space<vmem>>, %arg13: memref<2x320x128xf32, #tpu.memory_space<vmem>>, %arg14: memref<16x16xf32, #tpu.memory_space<vmem>>, %arg15: memref<16x16xf32, #tpu.memory_space<vmem>>, %arg16: memref<4x128xf32, #tpu.memory_space<vmem>>, %arg17: memref<4x128xf32, #tpu.memory_space<vmem>>, %arg18: memref<!tpu.dma_semaphore, #tpu.memory_space<semaphore_mem>>, %arg19: memref<!tpu.dma_semaphore, #tpu.memory_space<semaphore_mem>>) attributes {dimension_semantics = [#tpu.dimension_semantics<core_parallel>, #tpu.dimension_semantics<subcore_parallel>], iteration_bounds = array<i64: 2, 16>, scalar_prefetch = 0 : i64, scratch_operands = 12 : i64, tpu.core_type = #tpu.core_type<sc_vector_subcore>, window_params = [{transform_indices = #map}, {transform_indices = #map}, {transform_indices = #map}, {transform_indices = #map}, {transform_indices = #map}, {transform_indices = #map}]} {
    %mul3A = arith.constant 2 : i32
    %mul3A_0 = arith.muli %arg1, %mul3A : i32
    %add3A = arith.addi %mul3A_0, %arg0 : i32
    %mul3A_1 = arith.constant 4 : i32
    %mul3A_2 = arith.muli %add3A, %mul3A_1 : i32
    %mul3A_3 = arith.constant 32 : i32
    %mul3A_4 = arith.muli %add3A, %mul3A_3 : i32
    "tpu.region"() ({
      %run_scoped3A = tpu.sem_alloc : memref<!tpu.dma_semaphore, #tpu.memory_space<semaphore_mem>>
      %dma_start3A_97 = arith.constant 0 : i32
      %dma_start3A_98 = tpu.memref_slice %arg2[%mul3A_4, %dma_start3A_97] : memref<1024x16xi32, #tpu.memory_space<hbm>> -> memref<32x16xi32, #tpu.memory_space<hbm>>
      %dma_start3A_99 = arith.constant 0 : i32
      %dma_start3A_100 = tpu.memref_slice %arg2[%mul3A_4, %dma_start3A_99] : memref<1024x16xi32, #tpu.memory_space<hbm>> -> memref<32x16xi32, #tpu.memory_space<hbm>>
      tpu.enqueue_dma source(%dma_start3A_100 : memref<32x16xi32, #tpu.memory_space<hbm>>) target(%arg8 : memref<32x16xi32, #tpu.memory_space<vmem>>) target_semaphore(%run_scoped3A : memref<!tpu.dma_semaphore, #tpu.memory_space<semaphore_mem>>)
      %dma_wait3A = arith.constant 0 : i32
      %dma_wait3A_101 = tpu.memref_slice %arg2[%mul3A_4, %dma_wait3A] : memref<1024x16xi32, #tpu.memory_space<hbm>> -> memref<32x16xi32, #tpu.memory_space<hbm>>
      %dma_wait3A_102 = arith.constant 0 : i32
      %dma_wait3A_103 = tpu.memref_slice %arg2[%mul3A_4, %dma_wait3A_102] : memref<1024x16xi32, #tpu.memory_space<hbm>> -> memref<32x16xi32, #tpu.memory_space<hbm>>
      tpu.wait_dma2 semaphore(%run_scoped3A : memref<!tpu.dma_semaphore, #tpu.memory_space<semaphore_mem>>) src(%dma_wait3A_103 : memref<32x16xi32, #tpu.memory_space<hbm>>) dst(%arg8 : memref<32x16xi32, #tpu.memory_space<vmem>>)
      tpu.yield
    }) : () -> ()
    %mul3A_5 = arith.constant 32 : i32
    %mul3A_6 = arith.muli %add3A, %mul3A_5 : i32
    "tpu.region"() ({
      %run_scoped3A = tpu.sem_alloc : memref<!tpu.dma_semaphore, #tpu.memory_space<semaphore_mem>>
      %dma_start3A_97 = arith.constant 0 : i32
      %dma_start3A_98 = tpu.memref_slice %arg3[%mul3A_6, %dma_start3A_97] : memref<1024x16xi32, #tpu.memory_space<hbm>> -> memref<32x16xi32, #tpu.memory_space<hbm>>
      %dma_start3A_99 = arith.constant 0 : i32
      %dma_start3A_100 = tpu.memref_slice %arg3[%mul3A_6, %dma_start3A_99] : memref<1024x16xi32, #tpu.memory_space<hbm>> -> memref<32x16xi32, #tpu.memory_space<hbm>>
      tpu.enqueue_dma source(%dma_start3A_100 : memref<32x16xi32, #tpu.memory_space<hbm>>) target(%arg9 : memref<32x16xi32, #tpu.memory_space<vmem>>) target_semaphore(%run_scoped3A : memref<!tpu.dma_semaphore, #tpu.memory_space<semaphore_mem>>)
      %dma_wait3A = arith.constant 0 : i32
      %dma_wait3A_101 = tpu.memref_slice %arg3[%mul3A_6, %dma_wait3A] : memref<1024x16xi32, #tpu.memory_space<hbm>> -> memref<32x16xi32, #tpu.memory_space<hbm>>
      %dma_wait3A_102 = arith.constant 0 : i32
      %dma_wait3A_103 = tpu.memref_slice %arg3[%mul3A_6, %dma_wait3A_102] : memref<1024x16xi32, #tpu.memory_space<hbm>> -> memref<32x16xi32, #tpu.memory_space<hbm>>
      tpu.wait_dma2 semaphore(%run_scoped3A : memref<!tpu.dma_semaphore, #tpu.memory_space<semaphore_mem>>) src(%dma_wait3A_103 : memref<32x16xi32, #tpu.memory_space<hbm>>) dst(%arg9 : memref<32x16xi32, #tpu.memory_space<vmem>>)
      tpu.yield
    }) : () -> ()
    %mul3A_7 = arith.constant 128 : i32
    %mul3A_8 = arith.muli %add3A, %mul3A_7 : i32
    "tpu.region"() ({
      %run_scoped3A = tpu.sem_alloc : memref<!tpu.dma_semaphore, #tpu.memory_space<semaphore_mem>>
      %dma_start3A_97 = arith.constant 0 : i32
      %dma_start3A_98 = tpu.memref_slice %arg4[%mul3A_8, %dma_start3A_97] : memref<4096x80xi32, #tpu.memory_space<hbm>> -> memref<128x80xi32, #tpu.memory_space<hbm>>
      %dma_start3A_99 = arith.constant 0 : i32
      %dma_start3A_100 = tpu.memref_slice %arg4[%mul3A_8, %dma_start3A_99] : memref<4096x80xi32, #tpu.memory_space<hbm>> -> memref<128x80xi32, #tpu.memory_space<hbm>>
      tpu.enqueue_dma source(%dma_start3A_100 : memref<128x80xi32, #tpu.memory_space<hbm>>) target(%arg10 : memref<128x80xi32, #tpu.memory_space<vmem>>) target_semaphore(%run_scoped3A : memref<!tpu.dma_semaphore, #tpu.memory_space<semaphore_mem>>)
      %dma_wait3A = arith.constant 0 : i32
      %dma_wait3A_101 = tpu.memref_slice %arg4[%mul3A_8, %dma_wait3A] : memref<4096x80xi32, #tpu.memory_space<hbm>> -> memref<128x80xi32, #tpu.memory_space<hbm>>
      %dma_wait3A_102 = arith.constant 0 : i32
      %dma_wait3A_103 = tpu.memref_slice %arg4[%mul3A_8, %dma_wait3A_102] : memref<4096x80xi32, #tpu.memory_space<hbm>> -> memref<128x80xi32, #tpu.memory_space<hbm>>
      tpu.wait_dma2 semaphore(%run_scoped3A : memref<!tpu.dma_semaphore, #tpu.memory_space<semaphore_mem>>) src(%dma_wait3A_103 : memref<128x80xi32, #tpu.memory_space<hbm>>) dst(%arg10 : memref<128x80xi32, #tpu.memory_space<vmem>>)
      tpu.yield
    }) : () -> ()
    %dma_start3A = arith.constant 0 : i32
    %dma_start3A_9 = arith.constant 0 : i32
    %dma_start3A_10 = arith.constant 0 : i32
    %dma_start3A_11 = arith.constant 0 : i32
    %dma_start3A_12 = tpu.memref_slice %arg11[%dma_start3A_9, %dma_start3A_10, %dma_start3A_11] : memref<2x16x128xf32, #tpu.memory_space<vmem>> -> memref<1x16x128xf32, #tpu.memory_space<vmem>>
    %dma_start3A_13 = tpu.memref_squeeze %dma_start3A_12 : memref<1x16x128xf32, #tpu.memory_space<vmem>> -> memref<16x128xf32, #tpu.memory_space<vmem>>
    %dma_start3A_14 = arith.constant 0 : i32
    %dma_start3A_15 = tpu.memref_slice %arg8[%dma_start3A, %dma_start3A_14] : memref<32x16xi32, #tpu.memory_space<vmem>> -> memref<1x16xi32, #tpu.memory_space<vmem>>
    %dma_start3A_16 = tpu.memref_squeeze %dma_start3A_15 : memref<1x16xi32, #tpu.memory_space<vmem>> -> memref<16xi32, #tpu.memory_space<vmem>>
    %dma_start3A_17 = arith.constant 0 : i32
    %dma_start3A_18 = arith.constant 0 : i32
    %dma_start3A_19 = tpu.memref_slice %arg5[%dma_start3A_17, %dma_start3A_18] : memref<1000000x128xf32, #tpu.memory_space<hbm>> -> memref<1000000x128xf32, #tpu.memory_space<hbm>>
    tpu.enqueue_indirect_dma source(%dma_start3A_19 : memref<1000000x128xf32, #tpu.memory_space<hbm>>) target(%dma_start3A_13 : memref<16x128xf32, #tpu.memory_space<vmem>>) offsets(%dma_start3A_16 : memref<16xi32, #tpu.memory_space<vmem>>) semaphore(%arg18 : memref<!tpu.dma_semaphore, #tpu.memory_space<semaphore_mem>>)
    %dma_start3A_20 = arith.constant 0 : i32
    %dma_start3A_21 = arith.constant 0 : i32
    %dma_start3A_22 = arith.constant 0 : i32
    %dma_start3A_23 = arith.constant 0 : i32
    %dma_start3A_24 = tpu.memref_slice %arg12[%dma_start3A_21, %dma_start3A_22, %dma_start3A_23] : memref<2x16x128xf32, #tpu.memory_space<vmem>> -> memref<1x16x128xf32, #tpu.memory_space<vmem>>
    %dma_start3A_25 = tpu.memref_squeeze %dma_start3A_24 : memref<1x16x128xf32, #tpu.memory_space<vmem>> -> memref<16x128xf32, #tpu.memory_space<vmem>>
    %dma_start3A_26 = arith.constant 0 : i32
    %dma_start3A_27 = tpu.memref_slice %arg9[%dma_start3A_20, %dma_start3A_26] : memref<32x16xi32, #tpu.memory_space<vmem>> -> memref<1x16xi32, #tpu.memory_space<vmem>>
    %dma_start3A_28 = tpu.memref_squeeze %dma_start3A_27 : memref<1x16xi32, #tpu.memory_space<vmem>> -> memref<16xi32, #tpu.memory_space<vmem>>
    %dma_start3A_29 = arith.constant 0 : i32
    %dma_start3A_30 = arith.constant 0 : i32
    %dma_start3A_31 = tpu.memref_slice %arg5[%dma_start3A_29, %dma_start3A_30] : memref<1000000x128xf32, #tpu.memory_space<hbm>> -> memref<1000000x128xf32, #tpu.memory_space<hbm>>
    tpu.enqueue_indirect_dma source(%dma_start3A_31 : memref<1000000x128xf32, #tpu.memory_space<hbm>>) target(%dma_start3A_25 : memref<16x128xf32, #tpu.memory_space<vmem>>) offsets(%dma_start3A_28 : memref<16xi32, #tpu.memory_space<vmem>>) semaphore(%arg18 : memref<!tpu.dma_semaphore, #tpu.memory_space<semaphore_mem>>)
    %dma_start3A_32 = arith.constant 0 : i32
    %dma_start3A_33 = arith.constant 0 : i32
    %dma_start3A_34 = arith.constant 0 : i32
    %dma_start3A_35 = arith.constant 0 : i32
    %dma_start3A_36 = tpu.memref_slice %arg13[%dma_start3A_33, %dma_start3A_34, %dma_start3A_35] : memref<2x320x128xf32, #tpu.memory_space<vmem>> -> memref<1x320x128xf32, #tpu.memory_space<vmem>>
    %dma_start3A_37 = tpu.memref_squeeze %dma_start3A_36 : memref<1x320x128xf32, #tpu.memory_space<vmem>> -> memref<320x128xf32, #tpu.memory_space<vmem>>
    %dma_start3A_38 = arith.constant 0 : i32
    %dma_start3A_39 = arith.constant 0 : i32
    %dma_start3A_40 = tpu.memref_slice %dma_start3A_37[%dma_start3A_38, %dma_start3A_39] : memref<320x128xf32, #tpu.memory_space<vmem>> -> memref<80x128xf32, #tpu.memory_space<vmem>>
    %dma_start3A_41 = arith.constant 0 : i32
    %dma_start3A_42 = tpu.memref_slice %arg10[%dma_start3A_32, %dma_start3A_41] : memref<128x80xi32, #tpu.memory_space<vmem>> -> memref<1x80xi32, #tpu.memory_space<vmem>>
    %dma_start3A_43 = tpu.memref_squeeze %dma_start3A_42 : memref<1x80xi32, #tpu.memory_space<vmem>> -> memref<80xi32, #tpu.memory_space<vmem>>
    %dma_start3A_44 = arith.constant 0 : i32
    %dma_start3A_45 = arith.constant 0 : i32
    %dma_start3A_46 = tpu.memref_slice %arg5[%dma_start3A_44, %dma_start3A_45] : memref<1000000x128xf32, #tpu.memory_space<hbm>> -> memref<1000000x128xf32, #tpu.memory_space<hbm>>
    tpu.enqueue_indirect_dma source(%dma_start3A_46 : memref<1000000x128xf32, #tpu.memory_space<hbm>>) target(%dma_start3A_40 : memref<80x128xf32, #tpu.memory_space<vmem>>) offsets(%dma_start3A_43 : memref<80xi32, #tpu.memory_space<vmem>>) semaphore(%arg18 : memref<!tpu.dma_semaphore, #tpu.memory_space<semaphore_mem>>)
    %dma_start3A_47 = arith.constant 1 : i32
    %dma_start3A_48 = arith.constant 0 : i32
    %dma_start3A_49 = arith.constant 0 : i32
    %dma_start3A_50 = arith.constant 0 : i32
    %dma_start3A_51 = tpu.memref_slice %arg13[%dma_start3A_48, %dma_start3A_49, %dma_start3A_50] : memref<2x320x128xf32, #tpu.memory_space<vmem>> -> memref<1x320x128xf32, #tpu.memory_space<vmem>>
    %dma_start3A_52 = tpu.memref_squeeze %dma_start3A_51 : memref<1x320x128xf32, #tpu.memory_space<vmem>> -> memref<320x128xf32, #tpu.memory_space<vmem>>
    %dma_start3A_53 = arith.constant 80 : i32
    %dma_start3A_54 = arith.constant 0 : i32
    %dma_start3A_55 = tpu.memref_slice %dma_start3A_52[%dma_start3A_53, %dma_start3A_54] : memref<320x128xf32, #tpu.memory_space<vmem>> -> memref<80x128xf32, #tpu.memory_space<vmem>>
    %dma_start3A_56 = arith.constant 0 : i32
    %dma_start3A_57 = tpu.memref_slice %arg10[%dma_start3A_47, %dma_start3A_56] : memref<128x80xi32, #tpu.memory_space<vmem>> -> memref<1x80xi32, #tpu.memory_space<vmem>>
    %dma_start3A_58 = tpu.memref_squeeze %dma_start3A_57 : memref<1x80xi32, #tpu.memory_space<vmem>> -> memref<80xi32, #tpu.memory_space<vmem>>
    %dma_start3A_59 = arith.constant 0 : i32
    %dma_start3A_60 = arith.constant 0 : i32
    %dma_start3A_61 = tpu.memref_slice %arg5[%dma_start3A_59, %dma_start3A_60] : memref<1000000x128xf32, #tpu.memory_space<hbm>> -> memref<1000000x128xf32, #tpu.memory_space<hbm>>
    tpu.enqueue_indirect_dma source(%dma_start3A_61 : memref<1000000x128xf32, #tpu.memory_space<hbm>>) target(%dma_start3A_55 : memref<80x128xf32, #tpu.memory_space<vmem>>) offsets(%dma_start3A_58 : memref<80xi32, #tpu.memory_space<vmem>>) semaphore(%arg18 : memref<!tpu.dma_semaphore, #tpu.memory_space<semaphore_mem>>)
    %dma_start3A_62 = arith.constant 2 : i32
    %dma_start3A_63 = arith.constant 0 : i32
    %dma_start3A_64 = arith.constant 0 : i32
    %dma_start3A_65 = arith.constant 0 : i32
    %dma_start3A_66 = tpu.memref_slice %arg13[%dma_start3A_63, %dma_start3A_64, %dma_start3A_65] : memref<2x320x128xf32, #tpu.memory_space<vmem>> -> memref<1x320x128xf32, #tpu.memory_space<vmem>>
    %dma_start3A_67 = tpu.memref_squeeze %dma_start3A_66 : memref<1x320x128xf32, #tpu.memory_space<vmem>> -> memref<320x128xf32, #tpu.memory_space<vmem>>
    %dma_start3A_68 = arith.constant 160 : i32
    %dma_start3A_69 = arith.constant 0 : i32
    %dma_start3A_70 = tpu.memref_slice %dma_start3A_67[%dma_start3A_68, %dma_start3A_69] : memref<320x128xf32, #tpu.memory_space<vmem>> -> memref<80x128xf32, #tpu.memory_space<vmem>>
    %dma_start3A_71 = arith.constant 0 : i32
    %dma_start3A_72 = tpu.memref_slice %arg10[%dma_start3A_62, %dma_start3A_71] : memref<128x80xi32, #tpu.memory_space<vmem>> -> memref<1x80xi32, #tpu.memory_space<vmem>>
    %dma_start3A_73 = tpu.memref_squeeze %dma_start3A_72 : memref<1x80xi32, #tpu.memory_space<vmem>> -> memref<80xi32, #tpu.memory_space<vmem>>
    %dma_start3A_74 = arith.constant 0 : i32
    %dma_start3A_75 = arith.constant 0 : i32
    %dma_start3A_76 = tpu.memref_slice %arg5[%dma_start3A_74, %dma_start3A_75] : memref<1000000x128xf32, #tpu.memory_space<hbm>> -> memref<1000000x128xf32, #tpu.memory_space<hbm>>
    tpu.enqueue_indirect_dma source(%dma_start3A_76 : memref<1000000x128xf32, #tpu.memory_space<hbm>>) target(%dma_start3A_70 : memref<80x128xf32, #tpu.memory_space<vmem>>) offsets(%dma_start3A_73 : memref<80xi32, #tpu.memory_space<vmem>>) semaphore(%arg18 : memref<!tpu.dma_semaphore, #tpu.memory_space<semaphore_mem>>)
    %dma_start3A_77 = arith.constant 3 : i32
    %dma_start3A_78 = arith.constant 0 : i32
    %dma_start3A_79 = arith.constant 0 : i32
    %dma_start3A_80 = arith.constant 0 : i32
    %dma_start3A_81 = tpu.memref_slice %arg13[%dma_start3A_78, %dma_start3A_79, %dma_start3A_80] : memref<2x320x128xf32, #tpu.memory_space<vmem>> -> memref<1x320x128xf32, #tpu.memory_space<vmem>>
    %dma_start3A_82 = tpu.memref_squeeze %dma_start3A_81 : memref<1x320x128xf32, #tpu.memory_space<vmem>> -> memref<320x128xf32, #tpu.memory_space<vmem>>
    %dma_start3A_83 = arith.constant 240 : i32
    %dma_start3A_84 = arith.constant 0 : i32
    %dma_start3A_85 = tpu.memref_slice %dma_start3A_82[%dma_start3A_83, %dma_start3A_84] : memref<320x128xf32, #tpu.memory_space<vmem>> -> memref<80x128xf32, #tpu.memory_space<vmem>>
    %dma_start3A_86 = arith.constant 0 : i32
    %dma_start3A_87 = tpu.memref_slice %arg10[%dma_start3A_77, %dma_start3A_86] : memref<128x80xi32, #tpu.memory_space<vmem>> -> memref<1x80xi32, #tpu.memory_space<vmem>>
    %dma_start3A_88 = tpu.memref_squeeze %dma_start3A_87 : memref<1x80xi32, #tpu.memory_space<vmem>> -> memref<80xi32, #tpu.memory_space<vmem>>
    %dma_start3A_89 = arith.constant 0 : i32
    %dma_start3A_90 = arith.constant 0 : i32
    %dma_start3A_91 = tpu.memref_slice %arg5[%dma_start3A_89, %dma_start3A_90] : memref<1000000x128xf32, #tpu.memory_space<hbm>> -> memref<1000000x128xf32, #tpu.memory_space<hbm>>
    tpu.enqueue_indirect_dma source(%dma_start3A_91 : memref<1000000x128xf32, #tpu.memory_space<hbm>>) target(%dma_start3A_85 : memref<80x128xf32, #tpu.memory_space<vmem>>) offsets(%dma_start3A_88 : memref<80xi32, #tpu.memory_space<vmem>>) semaphore(%arg18 : memref<!tpu.dma_semaphore, #tpu.memory_space<semaphore_mem>>)
    %iota3A = tpu.iota {dimensions = array<i32: 0>} : vector<16xi32>
    %scan3A = arith.constant 0 : i32
    %scan3A_92 = arith.constant 0 : i32
    %scan3A_93 = arith.constant 16 : i32
    %scan3A_94 = arith.addi %scan3A_92, %scan3A_93 : i32
    %scan3A_95 = arith.constant 1 : i32
    scf.for %scan3A_97 = %scan3A_92 to %scan3A_94 step %scan3A_95  : i32 {
      %mul3A_98 = arith.constant 2 : i32
      %mul3A_99 = arith.muli %mul3A_98, %scan3A_97 : i32
      %add3A_100 = arith.constant 1 : i32
      %add3A_101 = arith.addi %mul3A_99, %add3A_100 : i32
      %dma_start3A_102 = arith.constant 1 : i32
      %dma_start3A_103 = arith.constant 0 : i32
      %dma_start3A_104 = arith.constant 0 : i32
      %dma_start3A_105 = tpu.memref_slice %arg11[%dma_start3A_102, %dma_start3A_103, %dma_start3A_104] : memref<2x16x128xf32, #tpu.memory_space<vmem>> -> memref<1x16x128xf32, #tpu.memory_space<vmem>>
      %dma_start3A_106 = tpu.memref_squeeze %dma_start3A_105 : memref<1x16x128xf32, #tpu.memory_space<vmem>> -> memref<16x128xf32, #tpu.memory_space<vmem>>
      %dma_start3A_107 = arith.constant 0 : i32
      %dma_start3A_108 = tpu.memref_slice %arg8[%add3A_101, %dma_start3A_107] : memref<32x16xi32, #tpu.memory_space<vmem>> -> memref<1x16xi32, #tpu.memory_space<vmem>>
      %dma_start3A_109 = tpu.memref_squeeze %dma_start3A_108 : memref<1x16xi32, #tpu.memory_space<vmem>> -> memref<16xi32, #tpu.memory_space<vmem>>
      %dma_start3A_110 = arith.constant 0 : i32
      %dma_start3A_111 = arith.constant 0 : i32
      %dma_start3A_112 = tpu.memref_slice %arg5[%dma_start3A_110, %dma_start3A_111] : memref<1000000x128xf32, #tpu.memory_space<hbm>> -> memref<1000000x128xf32, #tpu.memory_space<hbm>>
      tpu.enqueue_indirect_dma source(%dma_start3A_112 : memref<1000000x128xf32, #tpu.memory_space<hbm>>) target(%dma_start3A_106 : memref<16x128xf32, #tpu.memory_space<vmem>>) offsets(%dma_start3A_109 : memref<16xi32, #tpu.memory_space<vmem>>) semaphore(%arg19 : memref<!tpu.dma_semaphore, #tpu.memory_space<semaphore_mem>>)
      %dma_start3A_113 = arith.constant 1 : i32
      %dma_start3A_114 = arith.constant 0 : i32
      %dma_start3A_115 = arith.constant 0 : i32
      %dma_start3A_116 = tpu.memref_slice %arg12[%dma_start3A_113, %dma_start3A_114, %dma_start3A_115] : memref<2x16x128xf32, #tpu.memory_space<vmem>> -> memref<1x16x128xf32, #tpu.memory_space<vmem>>
      %dma_start3A_117 = tpu.memref_squeeze %dma_start3A_116 : memref<1x16x128xf32, #tpu.memory_space<vmem>> -> memref<16x128xf32, #tpu.memory_space<vmem>>
      %dma_start3A_118 = arith.constant 0 : i32
      %dma_start3A_119 = tpu.memref_slice %arg9[%add3A_101, %dma_start3A_118] : memref<32x16xi32, #tpu.memory_space<vmem>> -> memref<1x16xi32, #tpu.memory_space<vmem>>
      %dma_start3A_120 = tpu.memref_squeeze %dma_start3A_119 : memref<1x16xi32, #tpu.memory_space<vmem>> -> memref<16xi32, #tpu.memory_space<vmem>>
      %dma_start3A_121 = arith.constant 0 : i32
      %dma_start3A_122 = arith.constant 0 : i32
      %dma_start3A_123 = tpu.memref_slice %arg5[%dma_start3A_121, %dma_start3A_122] : memref<1000000x128xf32, #tpu.memory_space<hbm>> -> memref<1000000x128xf32, #tpu.memory_space<hbm>>
      tpu.enqueue_indirect_dma source(%dma_start3A_123 : memref<1000000x128xf32, #tpu.memory_space<hbm>>) target(%dma_start3A_117 : memref<16x128xf32, #tpu.memory_space<vmem>>) offsets(%dma_start3A_120 : memref<16xi32, #tpu.memory_space<vmem>>) semaphore(%arg19 : memref<!tpu.dma_semaphore, #tpu.memory_space<semaphore_mem>>)
      %mul3A_124 = arith.constant 4 : i32
      %mul3A_125 = arith.muli %add3A_101, %mul3A_124 : i32
      %add3A_126 = arith.constant 0 : i32
      %add3A_127 = arith.addi %mul3A_125, %add3A_126 : i32
      %dma_start3A_128 = arith.constant 1 : i32
      %dma_start3A_129 = arith.constant 0 : i32
      %dma_start3A_130 = arith.constant 0 : i32
      %dma_start3A_131 = tpu.memref_slice %arg13[%dma_start3A_128, %dma_start3A_129, %dma_start3A_130] : memref<2x320x128xf32, #tpu.memory_space<vmem>> -> memref<1x320x128xf32, #tpu.memory_space<vmem>>
      %dma_start3A_132 = tpu.memref_squeeze %dma_start3A_131 : memref<1x320x128xf32, #tpu.memory_space<vmem>> -> memref<320x128xf32, #tpu.memory_space<vmem>>
      %dma_start3A_133 = arith.constant 0 : i32
      %dma_start3A_134 = arith.constant 0 : i32
      %dma_start3A_135 = tpu.memref_slice %dma_start3A_132[%dma_start3A_133, %dma_start3A_134] : memref<320x128xf32, #tpu.memory_space<vmem>> -> memref<80x128xf32, #tpu.memory_space<vmem>>
      %dma_start3A_136 = arith.constant 0 : i32
      %dma_start3A_137 = tpu.memref_slice %arg10[%add3A_127, %dma_start3A_136] : memref<128x80xi32, #tpu.memory_space<vmem>> -> memref<1x80xi32, #tpu.memory_space<vmem>>
      %dma_start3A_138 = tpu.memref_squeeze %dma_start3A_137 : memref<1x80xi32, #tpu.memory_space<vmem>> -> memref<80xi32, #tpu.memory_space<vmem>>
      %dma_start3A_139 = arith.constant 0 : i32
      %dma_start3A_140 = arith.constant 0 : i32
      %dma_start3A_141 = tpu.memref_slice %arg5[%dma_start3A_139, %dma_start3A_140] : memref<1000000x128xf32, #tpu.memory_space<hbm>> -> memref<1000000x128xf32, #tpu.memory_space<hbm>>
      tpu.enqueue_indirect_dma source(%dma_start3A_141 : memref<1000000x128xf32, #tpu.memory_space<hbm>>) target(%dma_start3A_135 : memref<80x128xf32, #tpu.memory_space<vmem>>) offsets(%dma_start3A_138 : memref<80xi32, #tpu.memory_space<vmem>>) semaphore(%arg19 : memref<!tpu.dma_semaphore, #tpu.memory_space<semaphore_mem>>)
      %mul3A_142 = arith.constant 4 : i32
      %mul3A_143 = arith.muli %add3A_101, %mul3A_142 : i32
      %add3A_144 = arith.constant 1 : i32
      %add3A_145 = arith.addi %mul3A_143, %add3A_144 : i32
      %dma_start3A_146 = arith.constant 1 : i32
      %dma_start3A_147 = arith.constant 0 : i32
      %dma_start3A_148 = arith.constant 0 : i32
      %dma_start3A_149 = tpu.memref_slice %arg13[%dma_start3A_146, %dma_start3A_147, %dma_start3A_148] : memref<2x320x128xf32, #tpu.memory_space<vmem>> -> memref<1x320x128xf32, #tpu.memory_space<vmem>>
      %dma_start3A_150 = tpu.memref_squeeze %dma_start3A_149 : memref<1x320x128xf32, #tpu.memory_space<vmem>> -> memref<320x128xf32, #tpu.memory_space<vmem>>
      %dma_start3A_151 = arith.constant 80 : i32
      %dma_start3A_152 = arith.constant 0 : i32
      %dma_start3A_153 = tpu.memref_slice %dma_start3A_150[%dma_start3A_151, %dma_start3A_152] : memref<320x128xf32, #tpu.memory_space<vmem>> -> memref<80x128xf32, #tpu.memory_space<vmem>>
      %dma_start3A_154 = arith.constant 0 : i32
      %dma_start3A_155 = tpu.memref_slice %arg10[%add3A_145, %dma_start3A_154] : memref<128x80xi32, #tpu.memory_space<vmem>> -> memref<1x80xi32, #tpu.memory_space<vmem>>
      %dma_start3A_156 = tpu.memref_squeeze %dma_start3A_155 : memref<1x80xi32, #tpu.memory_space<vmem>> -> memref<80xi32, #tpu.memory_space<vmem>>
      %dma_start3A_157 = arith.constant 0 : i32
      %dma_start3A_158 = arith.constant 0 : i32
      %dma_start3A_159 = tpu.memref_slice %arg5[%dma_start3A_157, %dma_start3A_158] : memref<1000000x128xf32, #tpu.memory_space<hbm>> -> memref<1000000x128xf32, #tpu.memory_space<hbm>>
      tpu.enqueue_indirect_dma source(%dma_start3A_159 : memref<1000000x128xf32, #tpu.memory_space<hbm>>) target(%dma_start3A_153 : memref<80x128xf32, #tpu.memory_space<vmem>>) offsets(%dma_start3A_156 : memref<80xi32, #tpu.memory_space<vmem>>) semaphore(%arg19 : memref<!tpu.dma_semaphore, #tpu.memory_space<semaphore_mem>>)
      %mul3A_160 = arith.constant 4 : i32
      %mul3A_161 = arith.muli %add3A_101, %mul3A_160 : i32
      %add3A_162 = arith.constant 2 : i32
      %add3A_163 = arith.addi %mul3A_161, %add3A_162 : i32
      %dma_start3A_164 = arith.constant 1 : i32
      %dma_start3A_165 = arith.constant 0 : i32
      %dma_start3A_166 = arith.constant 0 : i32
      %dma_start3A_167 = tpu.memref_slice %arg13[%dma_start3A_164, %dma_start3A_165, %dma_start3A_166] : memref<2x320x128xf32, #tpu.memory_space<vmem>> -> memref<1x320x128xf32, #tpu.memory_space<vmem>>
      %dma_start3A_168 = tpu.memref_squeeze %dma_start3A_167 : memref<1x320x128xf32, #tpu.memory_space<vmem>> -> memref<320x128xf32, #tpu.memory_space<vmem>>
      %dma_start3A_169 = arith.constant 160 : i32
      %dma_start3A_170 = arith.constant 0 : i32
      %dma_start3A_171 = tpu.memref_slice %dma_start3A_168[%dma_start3A_169, %dma_start3A_170] : memref<320x128xf32, #tpu.memory_space<vmem>> -> memref<80x128xf32, #tpu.memory_space<vmem>>
      %dma_start3A_172 = arith.constant 0 : i32
      %dma_start3A_173 = tpu.memref_slice %arg10[%add3A_163, %dma_start3A_172] : memref<128x80xi32, #tpu.memory_space<vmem>> -> memref<1x80xi32, #tpu.memory_space<vmem>>
      %dma_start3A_174 = tpu.memref_squeeze %dma_start3A_173 : memref<1x80xi32, #tpu.memory_space<vmem>> -> memref<80xi32, #tpu.memory_space<vmem>>
      %dma_start3A_175 = arith.constant 0 : i32
      %dma_start3A_176 = arith.constant 0 : i32
      %dma_start3A_177 = tpu.memref_slice %arg5[%dma_start3A_175, %dma_start3A_176] : memref<1000000x128xf32, #tpu.memory_space<hbm>> -> memref<1000000x128xf32, #tpu.memory_space<hbm>>
      tpu.enqueue_indirect_dma source(%dma_start3A_177 : memref<1000000x128xf32, #tpu.memory_space<hbm>>) target(%dma_start3A_171 : memref<80x128xf32, #tpu.memory_space<vmem>>) offsets(%dma_start3A_174 : memref<80xi32, #tpu.memory_space<vmem>>) semaphore(%arg19 : memref<!tpu.dma_semaphore, #tpu.memory_space<semaphore_mem>>)
      %mul3A_178 = arith.constant 4 : i32
      %mul3A_179 = arith.muli %add3A_101, %mul3A_178 : i32
      %add3A_180 = arith.constant 3 : i32
      %add3A_181 = arith.addi %mul3A_179, %add3A_180 : i32
      %dma_start3A_182 = arith.constant 1 : i32
      %dma_start3A_183 = arith.constant 0 : i32
      %dma_start3A_184 = arith.constant 0 : i32
      %dma_start3A_185 = tpu.memref_slice %arg13[%dma_start3A_182, %dma_start3A_183, %dma_start3A_184] : memref<2x320x128xf32, #tpu.memory_space<vmem>> -> memref<1x320x128xf32, #tpu.memory_space<vmem>>
      %dma_start3A_186 = tpu.memref_squeeze %dma_start3A_185 : memref<1x320x128xf32, #tpu.memory_space<vmem>> -> memref<320x128xf32, #tpu.memory_space<vmem>>
      %dma_start3A_187 = arith.constant 240 : i32
      %dma_start3A_188 = arith.constant 0 : i32
      %dma_start3A_189 = tpu.memref_slice %dma_start3A_186[%dma_start3A_187, %dma_start3A_188] : memref<320x128xf32, #tpu.memory_space<vmem>> -> memref<80x128xf32, #tpu.memory_space<vmem>>
      %dma_start3A_190 = arith.constant 0 : i32
      %dma_start3A_191 = tpu.memref_slice %arg10[%add3A_181, %dma_start3A_190] : memref<128x80xi32, #tpu.memory_space<vmem>> -> memref<1x80xi32, #tpu.memory_space<vmem>>
      %dma_start3A_192 = tpu.memref_squeeze %dma_start3A_191 : memref<1x80xi32, #tpu.memory_space<vmem>> -> memref<80xi32, #tpu.memory_space<vmem>>
      %dma_start3A_193 = arith.constant 0 : i32
      %dma_start3A_194 = arith.constant 0 : i32
      %dma_start3A_195 = tpu.memref_slice %arg5[%dma_start3A_193, %dma_start3A_194] : memref<1000000x128xf32, #tpu.memory_space<hbm>> -> memref<1000000x128xf32, #tpu.memory_space<hbm>>
      tpu.enqueue_indirect_dma source(%dma_start3A_195 : memref<1000000x128xf32, #tpu.memory_space<hbm>>) target(%dma_start3A_189 : memref<80x128xf32, #tpu.memory_space<vmem>>) offsets(%dma_start3A_192 : memref<80xi32, #tpu.memory_space<vmem>>) semaphore(%arg19 : memref<!tpu.dma_semaphore, #tpu.memory_space<semaphore_mem>>)
      %dma_wait3A = arith.constant 0 : i32
      %dma_wait3A_196 = arith.constant 0 : i32
      %dma_wait3A_197 = arith.constant 0 : i32
      %dma_wait3A_198 = tpu.memref_slice %arg11[%dma_wait3A, %dma_wait3A_196, %dma_wait3A_197] : memref<2x16x128xf32, #tpu.memory_space<vmem>> -> memref<1x16x128xf32, #tpu.memory_space<vmem>>
      %dma_wait3A_199 = tpu.memref_squeeze %dma_wait3A_198 : memref<1x16x128xf32, #tpu.memory_space<vmem>> -> memref<16x128xf32, #tpu.memory_space<vmem>>
      %dma_wait3A_200 = arith.constant 0 : i32
      %dma_wait3A_201 = tpu.memref_slice %arg8[%mul3A_99, %dma_wait3A_200] : memref<32x16xi32, #tpu.memory_space<vmem>> -> memref<1x16xi32, #tpu.memory_space<vmem>>
      %dma_wait3A_202 = tpu.memref_squeeze %dma_wait3A_201 : memref<1x16xi32, #tpu.memory_space<vmem>> -> memref<16xi32, #tpu.memory_space<vmem>>
      %dma_wait3A_203 = arith.constant 0 : i32
      %dma_wait3A_204 = arith.constant 0 : i32
      %dma_wait3A_205 = tpu.memref_slice %arg5[%dma_wait3A_203, %dma_wait3A_204] : memref<1000000x128xf32, #tpu.memory_space<hbm>> -> memref<1000000x128xf32, #tpu.memory_space<hbm>>
      tpu.wait_indirect_dma semaphore(%arg18 : memref<!tpu.dma_semaphore, #tpu.memory_space<semaphore_mem>>) src(%dma_wait3A_205 : memref<1000000x128xf32, #tpu.memory_space<hbm>>) dst(%dma_wait3A_199 : memref<16x128xf32, #tpu.memory_space<vmem>>)
      %dma_wait3A_206 = arith.constant 0 : i32
      %dma_wait3A_207 = arith.constant 0 : i32
      %dma_wait3A_208 = arith.constant 0 : i32
      %dma_wait3A_209 = tpu.memref_slice %arg12[%dma_wait3A_206, %dma_wait3A_207, %dma_wait3A_208] : memref<2x16x128xf32, #tpu.memory_space<vmem>> -> memref<1x16x128xf32, #tpu.memory_space<vmem>>
      %dma_wait3A_210 = tpu.memref_squeeze %dma_wait3A_209 : memref<1x16x128xf32, #tpu.memory_space<vmem>> -> memref<16x128xf32, #tpu.memory_space<vmem>>
      %dma_wait3A_211 = arith.constant 0 : i32
      %dma_wait3A_212 = tpu.memref_slice %arg9[%mul3A_99, %dma_wait3A_211] : memref<32x16xi32, #tpu.memory_space<vmem>> -> memref<1x16xi32, #tpu.memory_space<vmem>>
      %dma_wait3A_213 = tpu.memref_squeeze %dma_wait3A_212 : memref<1x16xi32, #tpu.memory_space<vmem>> -> memref<16xi32, #tpu.memory_space<vmem>>
      %dma_wait3A_214 = arith.constant 0 : i32
      %dma_wait3A_215 = arith.constant 0 : i32
      %dma_wait3A_216 = tpu.memref_slice %arg5[%dma_wait3A_214, %dma_wait3A_215] : memref<1000000x128xf32, #tpu.memory_space<hbm>> -> memref<1000000x128xf32, #tpu.memory_space<hbm>>
      tpu.wait_indirect_dma semaphore(%arg18 : memref<!tpu.dma_semaphore, #tpu.memory_space<semaphore_mem>>) src(%dma_wait3A_216 : memref<1000000x128xf32, #tpu.memory_space<hbm>>) dst(%dma_wait3A_210 : memref<16x128xf32, #tpu.memory_space<vmem>>)
      %mul3A_217 = arith.constant 4 : i32
      %mul3A_218 = arith.muli %mul3A_99, %mul3A_217 : i32
      %add3A_219 = arith.constant 0 : i32
      %add3A_220 = arith.addi %mul3A_218, %add3A_219 : i32
      %dma_wait3A_221 = arith.constant 0 : i32
      %dma_wait3A_222 = arith.constant 0 : i32
      %dma_wait3A_223 = arith.constant 0 : i32
      %dma_wait3A_224 = tpu.memref_slice %arg13[%dma_wait3A_221, %dma_wait3A_222, %dma_wait3A_223] : memref<2x320x128xf32, #tpu.memory_space<vmem>> -> memref<1x320x128xf32, #tpu.memory_space<vmem>>
      %dma_wait3A_225 = tpu.memref_squeeze %dma_wait3A_224 : memref<1x320x128xf32, #tpu.memory_space<vmem>> -> memref<320x128xf32, #tpu.memory_space<vmem>>
      %dma_wait3A_226 = arith.constant 0 : i32
      %dma_wait3A_227 = arith.constant 0 : i32
      %dma_wait3A_228 = tpu.memref_slice %dma_wait3A_225[%dma_wait3A_226, %dma_wait3A_227] : memref<320x128xf32, #tpu.memory_space<vmem>> -> memref<80x128xf32, #tpu.memory_space<vmem>>
      %dma_wait3A_229 = arith.constant 0 : i32
      %dma_wait3A_230 = tpu.memref_slice %arg10[%add3A_220, %dma_wait3A_229] : memref<128x80xi32, #tpu.memory_space<vmem>> -> memref<1x80xi32, #tpu.memory_space<vmem>>
      %dma_wait3A_231 = tpu.memref_squeeze %dma_wait3A_230 : memref<1x80xi32, #tpu.memory_space<vmem>> -> memref<80xi32, #tpu.memory_space<vmem>>
      %dma_wait3A_232 = arith.constant 0 : i32
      %dma_wait3A_233 = arith.constant 0 : i32
      %dma_wait3A_234 = tpu.memref_slice %arg5[%dma_wait3A_232, %dma_wait3A_233] : memref<1000000x128xf32, #tpu.memory_space<hbm>> -> memref<1000000x128xf32, #tpu.memory_space<hbm>>
      tpu.wait_indirect_dma semaphore(%arg18 : memref<!tpu.dma_semaphore, #tpu.memory_space<semaphore_mem>>) src(%dma_wait3A_234 : memref<1000000x128xf32, #tpu.memory_space<hbm>>) dst(%dma_wait3A_228 : memref<80x128xf32, #tpu.memory_space<vmem>>)
      %mul3A_235 = arith.constant 4 : i32
      %mul3A_236 = arith.muli %mul3A_99, %mul3A_235 : i32
      %add3A_237 = arith.constant 1 : i32
      %add3A_238 = arith.addi %mul3A_236, %add3A_237 : i32
      %dma_wait3A_239 = arith.constant 0 : i32
      %dma_wait3A_240 = arith.constant 0 : i32
      %dma_wait3A_241 = arith.constant 0 : i32
      %dma_wait3A_242 = tpu.memref_slice %arg13[%dma_wait3A_239, %dma_wait3A_240, %dma_wait3A_241] : memref<2x320x128xf32, #tpu.memory_space<vmem>> -> memref<1x320x128xf32, #tpu.memory_space<vmem>>
      %dma_wait3A_243 = tpu.memref_squeeze %dma_wait3A_242 : memref<1x320x128xf32, #tpu.memory_space<vmem>> -> memref<320x128xf32, #tpu.memory_space<vmem>>
      %dma_wait3A_244 = arith.constant 80 : i32
      %dma_wait3A_245 = arith.constant 0 : i32
      %dma_wait3A_246 = tpu.memref_slice %dma_wait3A_243[%dma_wait3A_244, %dma_wait3A_245] : memref<320x128xf32, #tpu.memory_space<vmem>> -> memref<80x128xf32, #tpu.memory_space<vmem>>
      %dma_wait3A_247 = arith.constant 0 : i32
      %dma_wait3A_248 = tpu.memref_slice %arg10[%add3A_238, %dma_wait3A_247] : memref<128x80xi32, #tpu.memory_space<vmem>> -> memref<1x80xi32, #tpu.memory_space<vmem>>
      %dma_wait3A_249 = tpu.memref_squeeze %dma_wait3A_248 : memref<1x80xi32, #tpu.memory_space<vmem>> -> memref<80xi32, #tpu.memory_space<vmem>>
      %dma_wait3A_250 = arith.constant 0 : i32
      %dma_wait3A_251 = arith.constant 0 : i32
      %dma_wait3A_252 = tpu.memref_slice %arg5[%dma_wait3A_250, %dma_wait3A_251] : memref<1000000x128xf32, #tpu.memory_space<hbm>> -> memref<1000000x128xf32, #tpu.memory_space<hbm>>
      tpu.wait_indirect_dma semaphore(%arg18 : memref<!tpu.dma_semaphore, #tpu.memory_space<semaphore_mem>>) src(%dma_wait3A_252 : memref<1000000x128xf32, #tpu.memory_space<hbm>>) dst(%dma_wait3A_246 : memref<80x128xf32, #tpu.memory_space<vmem>>)
      %mul3A_253 = arith.constant 4 : i32
      %mul3A_254 = arith.muli %mul3A_99, %mul3A_253 : i32
      %add3A_255 = arith.constant 2 : i32
      %add3A_256 = arith.addi %mul3A_254, %add3A_255 : i32
      %dma_wait3A_257 = arith.constant 0 : i32
      %dma_wait3A_258 = arith.constant 0 : i32
      %dma_wait3A_259 = arith.constant 0 : i32
      %dma_wait3A_260 = tpu.memref_slice %arg13[%dma_wait3A_257, %dma_wait3A_258, %dma_wait3A_259] : memref<2x320x128xf32, #tpu.memory_space<vmem>> -> memref<1x320x128xf32, #tpu.memory_space<vmem>>
      %dma_wait3A_261 = tpu.memref_squeeze %dma_wait3A_260 : memref<1x320x128xf32, #tpu.memory_space<vmem>> -> memref<320x128xf32, #tpu.memory_space<vmem>>
      %dma_wait3A_262 = arith.constant 160 : i32
      %dma_wait3A_263 = arith.constant 0 : i32
      %dma_wait3A_264 = tpu.memref_slice %dma_wait3A_261[%dma_wait3A_262, %dma_wait3A_263] : memref<320x128xf32, #tpu.memory_space<vmem>> -> memref<80x128xf32, #tpu.memory_space<vmem>>
      %dma_wait3A_265 = arith.constant 0 : i32
      %dma_wait3A_266 = tpu.memref_slice %arg10[%add3A_256, %dma_wait3A_265] : memref<128x80xi32, #tpu.memory_space<vmem>> -> memref<1x80xi32, #tpu.memory_space<vmem>>
      %dma_wait3A_267 = tpu.memref_squeeze %dma_wait3A_266 : memref<1x80xi32, #tpu.memory_space<vmem>> -> memref<80xi32, #tpu.memory_space<vmem>>
      %dma_wait3A_268 = arith.constant 0 : i32
      %dma_wait3A_269 = arith.constant 0 : i32
      %dma_wait3A_270 = tpu.memref_slice %arg5[%dma_wait3A_268, %dma_wait3A_269] : memref<1000000x128xf32, #tpu.memory_space<hbm>> -> memref<1000000x128xf32, #tpu.memory_space<hbm>>
      tpu.wait_indirect_dma semaphore(%arg18 : memref<!tpu.dma_semaphore, #tpu.memory_space<semaphore_mem>>) src(%dma_wait3A_270 : memref<1000000x128xf32, #tpu.memory_space<hbm>>) dst(%dma_wait3A_264 : memref<80x128xf32, #tpu.memory_space<vmem>>)
      %mul3A_271 = arith.constant 4 : i32
      %mul3A_272 = arith.muli %mul3A_99, %mul3A_271 : i32
      %add3A_273 = arith.constant 3 : i32
      %add3A_274 = arith.addi %mul3A_272, %add3A_273 : i32
      %dma_wait3A_275 = arith.constant 0 : i32
      %dma_wait3A_276 = arith.constant 0 : i32
      %dma_wait3A_277 = arith.constant 0 : i32
      %dma_wait3A_278 = tpu.memref_slice %arg13[%dma_wait3A_275, %dma_wait3A_276, %dma_wait3A_277] : memref<2x320x128xf32, #tpu.memory_space<vmem>> -> memref<1x320x128xf32, #tpu.memory_space<vmem>>
      %dma_wait3A_279 = tpu.memref_squeeze %dma_wait3A_278 : memref<1x320x128xf32, #tpu.memory_space<vmem>> -> memref<320x128xf32, #tpu.memory_space<vmem>>
      %dma_wait3A_280 = arith.constant 240 : i32
      %dma_wait3A_281 = arith.constant 0 : i32
      %dma_wait3A_282 = tpu.memref_slice %dma_wait3A_279[%dma_wait3A_280, %dma_wait3A_281] : memref<320x128xf32, #tpu.memory_space<vmem>> -> memref<80x128xf32, #tpu.memory_space<vmem>>
      %dma_wait3A_283 = arith.constant 0 : i32
      %dma_wait3A_284 = tpu.memref_slice %arg10[%add3A_274, %dma_wait3A_283] : memref<128x80xi32, #tpu.memory_space<vmem>> -> memref<1x80xi32, #tpu.memory_space<vmem>>
      %dma_wait3A_285 = tpu.memref_squeeze %dma_wait3A_284 : memref<1x80xi32, #tpu.memory_space<vmem>> -> memref<80xi32, #tpu.memory_space<vmem>>
      %dma_wait3A_286 = arith.constant 0 : i32
      %dma_wait3A_287 = arith.constant 0 : i32
      %dma_wait3A_288 = tpu.memref_slice %arg5[%dma_wait3A_286, %dma_wait3A_287] : memref<1000000x128xf32, #tpu.memory_space<hbm>> -> memref<1000000x128xf32, #tpu.memory_space<hbm>>
      tpu.wait_indirect_dma semaphore(%arg18 : memref<!tpu.dma_semaphore, #tpu.memory_space<semaphore_mem>>) src(%dma_wait3A_288 : memref<1000000x128xf32, #tpu.memory_space<hbm>>) dst(%dma_wait3A_282 : memref<80x128xf32, #tpu.memory_space<vmem>>)
      %scan3A_289 = arith.constant 0 : i32
      %scan3A_290 = arith.constant 0 : i32
      %scan3A_291 = arith.constant 0 : i32
      %scan3A_292 = arith.constant 0 : i32
      %scan3A_293 = arith.constant 0 : i32
      %scan3A_294 = arith.constant 16 : i32
      %scan3A_295 = arith.addi %scan3A_293, %scan3A_294 : i32
      %scan3A_296 = arith.constant 1 : i32
      scf.for %scan3A_693 = %scan3A_293 to %scan3A_295 step %scan3A_296  : i32 {
        %get3A = arith.constant 0 : i32
        %get3A_694 = arith.constant 0 : i32
        %get3A_695 = tpu.memref_slice %arg11[%scan3A_290, %get3A, %get3A_694] : memref<2x16x128xf32, #tpu.memory_space<vmem>> -> memref<1x16x128xf32, #tpu.memory_space<vmem>>
        %get3A_696 = tpu.memref_squeeze %get3A_695 : memref<1x16x128xf32, #tpu.memory_space<vmem>> -> memref<16x128xf32, #tpu.memory_space<vmem>>
        %get3A_697 = arith.index_cast %scan3A_693 : i32 to index
        %get3A_698 = arith.constant 0 : index
        %get3A_699 = tpu.vector_load %get3A_696[%get3A_697, %get3A_698] {strides = array<i32>} : memref<16x128xf32, #tpu.memory_space<vmem>>, vector<16xf32>,
        %get3A_700 = arith.constant 0 : i32
        %get3A_701 = arith.constant 0 : i32
        %get3A_702 = tpu.memref_slice %arg11[%scan3A_290, %get3A_700, %get3A_701] : memref<2x16x128xf32, #tpu.memory_space<vmem>> -> memref<1x16x128xf32, #tpu.memory_space<vmem>>
        %get3A_703 = tpu.memref_squeeze %get3A_702 : memref<1x16x128xf32, #tpu.memory_space<vmem>> -> memref<16x128xf32, #tpu.memory_space<vmem>>
        %get3A_704 = arith.index_cast %scan3A_693 : i32 to index
        %get3A_705 = arith.constant 16 : index
        %get3A_706 = tpu.vector_load %get3A_703[%get3A_704, %get3A_705] {strides = array<i32>} : memref<16x128xf32, #tpu.memory_space<vmem>>, vector<16xf32>,
        %get3A_707 = arith.constant 0 : i32
        %get3A_708 = arith.constant 0 : i32
        %get3A_709 = tpu.memref_slice %arg11[%scan3A_290, %get3A_707, %get3A_708] : memref<2x16x128xf32, #tpu.memory_space<vmem>> -> memref<1x16x128xf32, #tpu.memory_space<vmem>>
        %get3A_710 = tpu.memref_squeeze %get3A_709 : memref<1x16x128xf32, #tpu.memory_space<vmem>> -> memref<16x128xf32, #tpu.memory_space<vmem>>
        %get3A_711 = arith.index_cast %scan3A_693 : i32 to index
        %get3A_712 = arith.constant 32 : index
        %get3A_713 = tpu.vector_load %get3A_710[%get3A_711, %get3A_712] {strides = array<i32>} : memref<16x128xf32, #tpu.memory_space<vmem>>, vector<16xf32>,
        %get3A_714 = arith.constant 0 : i32
        %get3A_715 = arith.constant 0 : i32
        %get3A_716 = tpu.memref_slice %arg11[%scan3A_290, %get3A_714, %get3A_715] : memref<2x16x128xf32, #tpu.memory_space<vmem>> -> memref<1x16x128xf32, #tpu.memory_space<vmem>>
        %get3A_717 = tpu.memref_squeeze %get3A_716 : memref<1x16x128xf32, #tpu.memory_space<vmem>> -> memref<16x128xf32, #tpu.memory_space<vmem>>
        %get3A_718 = arith.index_cast %scan3A_693 : i32 to index
        %get3A_719 = arith.constant 48 : index
        %get3A_720 = tpu.vector_load %get3A_717[%get3A_718, %get3A_719] {strides = array<i32>} : memref<16x128xf32, #tpu.memory_space<vmem>>, vector<16xf32>,
        %get3A_721 = arith.constant 0 : i32
        %get3A_722 = arith.constant 0 : i32
        %get3A_723 = tpu.memref_slice %arg12[%scan3A_291, %get3A_721, %get3A_722] : memref<2x16x128xf32, #tpu.memory_space<vmem>> -> memref<1x16x128xf32, #tpu.memory_space<vmem>>
        %get3A_724 = tpu.memref_squeeze %get3A_723 : memref<1x16x128xf32, #tpu.memory_space<vmem>> -> memref<16x128xf32, #tpu.memory_space<vmem>>
        %get3A_725 = arith.index_cast %scan3A_693 : i32 to index
        %get3A_726 = arith.constant 64 : index
        %get3A_727 = tpu.vector_load %get3A_724[%get3A_725, %get3A_726] {strides = array<i32>} : memref<16x128xf32, #tpu.memory_space<vmem>>, vector<16xf32>,
        %get3A_728 = arith.constant 0 : i32
        %get3A_729 = arith.constant 0 : i32
        %get3A_730 = tpu.memref_slice %arg12[%scan3A_291, %get3A_728, %get3A_729] : memref<2x16x128xf32, #tpu.memory_space<vmem>> -> memref<1x16x128xf32, #tpu.memory_space<vmem>>
        %get3A_731 = tpu.memref_squeeze %get3A_730 : memref<1x16x128xf32, #tpu.memory_space<vmem>> -> memref<16x128xf32, #tpu.memory_space<vmem>>
        %get3A_732 = arith.index_cast %scan3A_693 : i32 to index
        %get3A_733 = arith.constant 80 : index
        %get3A_734 = tpu.vector_load %get3A_731[%get3A_732, %get3A_733] {strides = array<i32>} : memref<16x128xf32, #tpu.memory_space<vmem>>, vector<16xf32>,
        %get3A_735 = arith.constant 0 : i32
        %get3A_736 = arith.constant 0 : i32
        %get3A_737 = tpu.memref_slice %arg12[%scan3A_291, %get3A_735, %get3A_736] : memref<2x16x128xf32, #tpu.memory_space<vmem>> -> memref<1x16x128xf32, #tpu.memory_space<vmem>>
        %get3A_738 = tpu.memref_squeeze %get3A_737 : memref<1x16x128xf32, #tpu.memory_space<vmem>> -> memref<16x128xf32, #tpu.memory_space<vmem>>
        %get3A_739 = arith.index_cast %scan3A_693 : i32 to index
        %get3A_740 = arith.constant 96 : index
        %get3A_741 = tpu.vector_load %get3A_738[%get3A_739, %get3A_740] {strides = array<i32>} : memref<16x128xf32, #tpu.memory_space<vmem>>, vector<16xf32>,
        %get3A_742 = arith.constant 0 : i32
        %get3A_743 = arith.constant 0 : i32
        %get3A_744 = tpu.memref_slice %arg12[%scan3A_291, %get3A_742, %get3A_743] : memref<2x16x128xf32, #tpu.memory_space<vmem>> -> memref<1x16x128xf32, #tpu.memory_space<vmem>>
        %get3A_745 = tpu.memref_squeeze %get3A_744 : memref<1x16x128xf32, #tpu.memory_space<vmem>> -> memref<16x128xf32, #tpu.memory_space<vmem>>
        %get3A_746 = arith.index_cast %scan3A_693 : i32 to index
        %get3A_747 = arith.constant 112 : index
        %get3A_748 = tpu.vector_load %get3A_745[%get3A_746, %get3A_747] {strides = array<i32>} : memref<16x128xf32, #tpu.memory_space<vmem>>, vector<16xf32>,
        %mul3A_749 = arith.mulf %get3A_699, %get3A_727 : vector<16xf32>
        %mul3A_750 = arith.mulf %get3A_706, %get3A_734 : vector<16xf32>
        %add3A_751 = arith.addf %mul3A_749, %mul3A_750 : vector<16xf32>
        %mul3A_752 = arith.mulf %get3A_713, %get3A_741 : vector<16xf32>
        %add3A_753 = arith.addf %add3A_751, %mul3A_752 : vector<16xf32>
        %mul3A_754 = arith.mulf %get3A_720, %get3A_748 : vector<16xf32>
        %add3A_755 = arith.addf %add3A_753, %mul3A_754 : vector<16xf32>
        %mul3A_756 = arith.constant 20 : i32
        %mul3A_757 = arith.muli %scan3A_693, %mul3A_756 : i32
        %get3A_758 = arith.constant 0 : i32
        %get3A_759 = arith.constant 0 : i32
        %get3A_760 = tpu.memref_slice %arg13[%scan3A_292, %get3A_758, %get3A_759] : memref<2x320x128xf32, #tpu.memory_space<vmem>> -> memref<1x320x128xf32, #tpu.memory_space<vmem>>
        %get3A_761 = tpu.memref_squeeze %get3A_760 : memref<1x320x128xf32, #tpu.memory_space<vmem>> -> memref<320x128xf32, #tpu.memory_space<vmem>>
        %get3A_762 = arith.index_cast %mul3A_757 : i32 to index
        %get3A_763 = arith.constant 64 : index
        %get3A_764 = tpu.vector_load %get3A_761[%get3A_762, %get3A_763] {strides = array<i32>} : memref<320x128xf32, #tpu.memory_space<vmem>>, vector<16xf32>,
        %get3A_765 = arith.constant 0 : i32
        %get3A_766 = arith.constant 0 : i32
        %get3A_767 = tpu.memref_slice %arg13[%scan3A_292, %get3A_765, %get3A_766] : memref<2x320x128xf32, #tpu.memory_space<vmem>> -> memref<1x320x128xf32, #tpu.memory_space<vmem>>
        %get3A_768 = tpu.memref_squeeze %get3A_767 : memref<1x320x128xf32, #tpu.memory_space<vmem>> -> memref<320x128xf32, #tpu.memory_space<vmem>>
        %get3A_769 = arith.index_cast %mul3A_757 : i32 to index
        %get3A_770 = arith.constant 80 : index
        %get3A_771 = tpu.vector_load %get3A_768[%get3A_769, %get3A_770] {strides = array<i32>} : memref<320x128xf32, #tpu.memory_space<vmem>>, vector<16xf32>,
        %get3A_772 = arith.constant 0 : i32
        %get3A_773 = arith.constant 0 : i32
        %get3A_774 = tpu.memref_slice %arg13[%scan3A_292, %get3A_772, %get3A_773] : memref<2x320x128xf32, #tpu.memory_space<vmem>> -> memref<1x320x128xf32, #tpu.memory_space<vmem>>
        %get3A_775 = tpu.memref_squeeze %get3A_774 : memref<1x320x128xf32, #tpu.memory_space<vmem>> -> memref<320x128xf32, #tpu.memory_space<vmem>>
        %get3A_776 = arith.index_cast %mul3A_757 : i32 to index
        %get3A_777 = arith.constant 96 : index
        %get3A_778 = tpu.vector_load %get3A_775[%get3A_776, %get3A_777] {strides = array<i32>} : memref<320x128xf32, #tpu.memory_space<vmem>>, vector<16xf32>,
        %get3A_779 = arith.constant 0 : i32
        %get3A_780 = arith.constant 0 : i32
        %get3A_781 = tpu.memref_slice %arg13[%scan3A_292, %get3A_779, %get3A_780] : memref<2x320x128xf32, #tpu.memory_space<vmem>> -> memref<1x320x128xf32, #tpu.memory_space<vmem>>
        %get3A_782 = tpu.memref_squeeze %get3A_781 : memref<1x320x128xf32, #tpu.memory_space<vmem>> -> memref<320x128xf32, #tpu.memory_space<vmem>>
        %get3A_783 = arith.index_cast %mul3A_757 : i32 to index
        %get3A_784 = arith.constant 112 : index
        %get3A_785 = tpu.vector_load %get3A_782[%get3A_783, %get3A_784] {strides = array<i32>} : memref<320x128xf32, #tpu.memory_space<vmem>>, vector<16xf32>,
        %add3A_786 = arith.constant 1 : i32
        %add3A_787 = arith.addi %mul3A_757, %add3A_786 : i32
        %get3A_788 = arith.constant 0 : i32
        %get3A_789 = arith.constant 0 : i32
        %get3A_790 = tpu.memref_slice %arg13[%scan3A_292, %get3A_788, %get3A_789] : memref<2x320x128xf32, #tpu.memory_space<vmem>> -> memref<1x320x128xf32, #tpu.memory_space<vmem>>
        %get3A_791 = tpu.memref_squeeze %get3A_790 : memref<1x320x128xf32, #tpu.memory_space<vmem>> -> memref<320x128xf32, #tpu.memory_space<vmem>>
        %get3A_792 = arith.index_cast %add3A_787 : i32 to index
        %get3A_793 = arith.constant 64 : index
        %get3A_794 = tpu.vector_load %get3A_791[%get3A_792, %get3A_793] {strides = array<i32>} : memref<320x128xf32, #tpu.memory_space<vmem>>, vector<16xf32>,
        %add3A_795 = arith.addf %get3A_764, %get3A_794 : vector<16xf32>
        %add3A_796 = arith.constant 1 : i32
        %add3A_797 = arith.addi %mul3A_757, %add3A_796 : i32
        %get3A_798 = arith.constant 0 : i32
        %get3A_799 = arith.constant 0 : i32
        %get3A_800 = tpu.memref_slice %arg13[%scan3A_292, %get3A_798, %get3A_799] : memref<2x320x128xf32, #tpu.memory_space<vmem>> -> memref<1x320x128xf32, #tpu.memory_space<vmem>>
        %get3A_801 = tpu.memref_squeeze %get3A_800 : memref<1x320x128xf32, #tpu.memory_space<vmem>> -> memref<320x128xf32, #tpu.memory_space<vmem>>
        %get3A_802 = arith.index_cast %add3A_797 : i32 to index
        %get3A_803 = arith.constant 80 : index
        %get3A_804 = tpu.vector_load %get3A_801[%get3A_802, %get3A_803] {strides = array<i32>} : memref<320x128xf32, #tpu.memory_space<vmem>>, vector<16xf32>,
        %add3A_805 = arith.addf %get3A_771, %get3A_804 : vector<16xf32>
        %add3A_806 = arith.constant 1 : i32
        %add3A_807 = arith.addi %mul3A_757, %add3A_806 : i32
        %get3A_808 = arith.constant 0 : i32
        %get3A_809 = arith.constant 0 : i32
        %get3A_810 = tpu.memref_slice %arg13[%scan3A_292, %get3A_808, %get3A_809] : memref<2x320x128xf32, #tpu.memory_space<vmem>> -> memref<1x320x128xf32, #tpu.memory_space<vmem>>
        %get3A_811 = tpu.memref_squeeze %get3A_810 : memref<1x320x128xf32, #tpu.memory_space<vmem>> -> memref<320x128xf32, #tpu.memory_space<vmem>>
        %get3A_812 = arith.index_cast %add3A_807 : i32 to index
        %get3A_813 = arith.constant 96 : index
        %get3A_814 = tpu.vector_load %get3A_811[%get3A_812, %get3A_813] {strides = array<i32>} : memref<320x128xf32, #tpu.memory_space<vmem>>, vector<16xf32>,
        %add3A_815 = arith.addf %get3A_778, %get3A_814 : vector<16xf32>
        %add3A_816 = arith.constant 1 : i32
        %add3A_817 = arith.addi %mul3A_757, %add3A_816 : i32
        %get3A_818 = arith.constant 0 : i32
        %get3A_819 = arith.constant 0 : i32
        %get3A_820 = tpu.memref_slice %arg13[%scan3A_292, %get3A_818, %get3A_819] : memref<2x320x128xf32, #tpu.memory_space<vmem>> -> memref<1x320x128xf32, #tpu.memory_space<vmem>>
        %get3A_821 = tpu.memref_squeeze %get3A_820 : memref<1x320x128xf32, #tpu.memory_space<vmem>> -> memref<320x128xf32, #tpu.memory_space<vmem>>
        %get3A_822 = arith.index_cast %add3A_817 : i32 to index
        %get3A_823 = arith.constant 112 : index
        %get3A_824 = tpu.vector_load %get3A_821[%get3A_822, %get3A_823] {strides = array<i32>} : memref<320x128xf32, #tpu.memory_space<vmem>>, vector<16xf32>,
        %add3A_825 = arith.addf %get3A_785, %get3A_824 : vector<16xf32>
        %add3A_826 = arith.constant 2 : i32
        %add3A_827 = arith.addi %mul3A_757, %add3A_826 : i32
        %get3A_828 = arith.constant 0 : i32
        %get3A_829 = arith.constant 0 : i32
        %get3A_830 = tpu.memref_slice %arg13[%scan3A_292, %get3A_828, %get3A_829] : memref<2x320x128xf32, #tpu.memory_space<vmem>> -> memref<1x320x128xf32, #tpu.memory_space<vmem>>
        %get3A_831 = tpu.memref_squeeze %get3A_830 : memref<1x320x128xf32, #tpu.memory_space<vmem>> -> memref<320x128xf32, #tpu.memory_space<vmem>>
        %get3A_832 = arith.index_cast %add3A_827 : i32 to index
        %get3A_833 = arith.constant 64 : index
        %get3A_834 = tpu.vector_load %get3A_831[%get3A_832, %get3A_833] {strides = array<i32>} : memref<320x128xf32, #tpu.memory_space<vmem>>, vector<16xf32>,
        %add3A_835 = arith.addf %add3A_795, %get3A_834 : vector<16xf32>
        %add3A_836 = arith.constant 2 : i32
        %add3A_837 = arith.addi %mul3A_757, %add3A_836 : i32
        %get3A_838 = arith.constant 0 : i32
        %get3A_839 = arith.constant 0 : i32
        %get3A_840 = tpu.memref_slice %arg13[%scan3A_292, %get3A_838, %get3A_839] : memref<2x320x128xf32, #tpu.memory_space<vmem>> -> memref<1x320x128xf32, #tpu.memory_space<vmem>>
        %get3A_841 = tpu.memref_squeeze %get3A_840 : memref<1x320x128xf32, #tpu.memory_space<vmem>> -> memref<320x128xf32, #tpu.memory_space<vmem>>
        %get3A_842 = arith.index_cast %add3A_837 : i32 to index
        %get3A_843 = arith.constant 80 : index
        %get3A_844 = tpu.vector_load %get3A_841[%get3A_842, %get3A_843] {strides = array<i32>} : memref<320x128xf32, #tpu.memory_space<vmem>>, vector<16xf32>,
        %add3A_845 = arith.addf %add3A_805, %get3A_844 : vector<16xf32>
        %add3A_846 = arith.constant 2 : i32
        %add3A_847 = arith.addi %mul3A_757, %add3A_846 : i32
        %get3A_848 = arith.constant 0 : i32
        %get3A_849 = arith.constant 0 : i32
        %get3A_850 = tpu.memref_slice %arg13[%scan3A_292, %get3A_848, %get3A_849] : memref<2x320x128xf32, #tpu.memory_space<vmem>> -> memref<1x320x128xf32, #tpu.memory_space<vmem>>
        %get3A_851 = tpu.memref_squeeze %get3A_850 : memref<1x320x128xf32, #tpu.memory_space<vmem>> -> memref<320x128xf32, #tpu.memory_space<vmem>>
        %get3A_852 = arith.index_cast %add3A_847 : i32 to index
        %get3A_853 = arith.constant 96 : index
        %get3A_854 = tpu.vector_load %get3A_851[%get3A_852, %get3A_853] {strides = array<i32>} : memref<320x128xf32, #tpu.memory_space<vmem>>, vector<16xf32>,
        %add3A_855 = arith.addf %add3A_815, %get3A_854 : vector<16xf32>
        %add3A_856 = arith.constant 2 : i32
        %add3A_857 = arith.addi %mul3A_757, %add3A_856 : i32
        %get3A_858 = arith.constant 0 : i32
        %get3A_859 = arith.constant 0 : i32
        %get3A_860 = tpu.memref_slice %arg13[%scan3A_292, %get3A_858, %get3A_859] : memref<2x320x128xf32, #tpu.memory_space<vmem>> -> memref<1x320x128xf32, #tpu.memory_space<vmem>>
        %get3A_861 = tpu.memref_squeeze %get3A_860 : memref<1x320x128xf32, #tpu.memory_space<vmem>> -> memref<320x128xf32, #tpu.memory_space<vmem>>
        %get3A_862 = arith.index_cast %add3A_857 : i32 to index
        %get3A_863 = arith.constant 112 : index
        %get3A_864 = tpu.vector_load %get3A_861[%get3A_862, %get3A_863] {strides = array<i32>} : memref<320x128xf32, #tpu.memory_space<vmem>>, vector<16xf32>,
        %add3A_865 = arith.addf %add3A_825, %get3A_864 : vector<16xf32>
        %add3A_866 = arith.constant 3 : i32
        %add3A_867 = arith.addi %mul3A_757, %add3A_866 : i32
        %get3A_868 = arith.constant 0 : i32
        %get3A_869 = arith.constant 0 : i32
        %get3A_870 = tpu.memref_slice %arg13[%scan3A_292, %get3A_868, %get3A_869] : memref<2x320x128xf32, #tpu.memory_space<vmem>> -> memref<1x320x128xf32, #tpu.memory_space<vmem>>
        %get3A_871 = tpu.memref_squeeze %get3A_870 : memref<1x320x128xf32, #tpu.memory_space<vmem>> -> memref<320x128xf32, #tpu.memory_space<vmem>>
        %get3A_872 = arith.index_cast %add3A_867 : i32 to index
        %get3A_873 = arith.constant 64 : index
        %get3A_874 = tpu.vector_load %get3A_871[%get3A_872, %get3A_873] {strides = array<i32>} : memref<320x128xf32, #tpu.memory_space<vmem>>, vector<16xf32>,
        %add3A_875 = arith.addf %add3A_835, %get3A_874 : vector<16xf32>
        %add3A_876 = arith.constant 3 : i32
        %add3A_877 = arith.addi %mul3A_757, %add3A_876 : i32
        %get3A_878 = arith.constant 0 : i32
        %get3A_879 = arith.constant 0 : i32
        %get3A_880 = tpu.memref_slice %arg13[%scan3A_292, %get3A_878, %get3A_879] : memref<2x320x128xf32, #tpu.memory_space<vmem>> -> memref<1x320x128xf32, #tpu.memory_space<vmem>>
        %get3A_881 = tpu.memref_squeeze %get3A_880 : memref<1x320x128xf32, #tpu.memory_space<vmem>> -> memref<320x128xf32, #tpu.memory_space<vmem>>
        %get3A_882 = arith.index_cast %add3A_877 : i32 to index
        %get3A_883 = arith.constant 80 : index
        %get3A_884 = tpu.vector_load %get3A_881[%get3A_882, %get3A_883] {strides = array<i32>} : memref<320x128xf32, #tpu.memory_space<vmem>>, vector<16xf32>,
        %add3A_885 = arith.addf %add3A_845, %get3A_884 : vector<16xf32>
        %add3A_886 = arith.constant 3 : i32
        %add3A_887 = arith.addi %mul3A_757, %add3A_886 : i32
        %get3A_888 = arith.constant 0 : i32
        %get3A_889 = arith.constant 0 : i32
        %get3A_890 = tpu.memref_slice %arg13[%scan3A_292, %get3A_888, %get3A_889] : memref<2x320x128xf32, #tpu.memory_space<vmem>> -> memref<1x320x128xf32, #tpu.memory_space<vmem>>
        %get3A_891 = tpu.memref_squeeze %get3A_890 : memref<1x320x128xf32, #tpu.memory_space<vmem>> -> memref<320x128xf32, #tpu.memory_space<vmem>>
        %get3A_892 = arith.index_cast %add3A_887 : i32 to index
        %get3A_893 = arith.constant 96 : index
        %get3A_894 = tpu.vector_load %get3A_891[%get3A_892, %get3A_893] {strides = array<i32>} : memref<320x128xf32, #tpu.memory_space<vmem>>, vector<16xf32>,
        %add3A_895 = arith.addf %add3A_855, %get3A_894 : vector<16xf32>
        %add3A_896 = arith.constant 3 : i32
        %add3A_897 = arith.addi %mul3A_757, %add3A_896 : i32
        %get3A_898 = arith.constant 0 : i32
        %get3A_899 = arith.constant 0 : i32
        %get3A_900 = tpu.memref_slice %arg13[%scan3A_292, %get3A_898, %get3A_899] : memref<2x320x128xf32, #tpu.memory_space<vmem>> -> memref<1x320x128xf32, #tpu.memory_space<vmem>>
        %get3A_901 = tpu.memref_squeeze %get3A_900 : memref<1x320x128xf32, #tpu.memory_space<vmem>> -> memref<320x128xf32, #tpu.memory_space<vmem>>
        %get3A_902 = arith.index_cast %add3A_897 : i32 to index
        %get3A_903 = arith.constant 112 : index
        %get3A_904 = tpu.vector_load %get3A_901[%get3A_902, %get3A_903] {strides = array<i32>} : memref<320x128xf32, #tpu.memory_space<vmem>>, vector<16xf32>,
        %add3A_905 = arith.addf %add3A_865, %get3A_904 : vector<16xf32>
        %add3A_906 = arith.constant 4 : i32
        %add3A_907 = arith.addi %mul3A_757, %add3A_906 : i32
        %get3A_908 = arith.constant 0 : i32
        %get3A_909 = arith.constant 0 : i32
        %get3A_910 = tpu.memref_slice %arg13[%scan3A_292, %get3A_908, %get3A_909] : memref<2x320x128xf32, #tpu.memory_space<vmem>> -> memref<1x320x128xf32, #tpu.memory_space<vmem>>
        %get3A_911 = tpu.memref_squeeze %get3A_910 : memref<1x320x128xf32, #tpu.memory_space<vmem>> -> memref<320x128xf32, #tpu.memory_space<vmem>>
        %get3A_912 = arith.index_cast %add3A_907 : i32 to index
        %get3A_913 = arith.constant 64 : index
        %get3A_914 = tpu.vector_load %get3A_911[%get3A_912, %get3A_913] {strides = array<i32>} : memref<320x128xf32, #tpu.memory_space<vmem>>, vector<16xf32>,
        %add3A_915 = arith.addf %add3A_875, %get3A_914 : vector<16xf32>
        %add3A_916 = arith.constant 4 : i32
        %add3A_917 = arith.addi %mul3A_757, %add3A_916 : i32
        %get3A_918 = arith.constant 0 : i32
        %get3A_919 = arith.constant 0 : i32
        %get3A_920 = tpu.memref_slice %arg13[%scan3A_292, %get3A_918, %get3A_919] : memref<2x320x128xf32, #tpu.memory_space<vmem>> -> memref<1x320x128xf32, #tpu.memory_space<vmem>>
        %get3A_921 = tpu.memref_squeeze %get3A_920 : memref<1x320x128xf32, #tpu.memory_space<vmem>> -> memref<320x128xf32, #tpu.memory_space<vmem>>
        %get3A_922 = arith.index_cast %add3A_917 : i32 to index
        %get3A_923 = arith.constant 80 : index
        %get3A_924 = tpu.vector_load %get3A_921[%get3A_922, %get3A_923] {strides = array<i32>} : memref<320x128xf32, #tpu.memory_space<vmem>>, vector<16xf32>,
        %add3A_925 = arith.addf %add3A_885, %get3A_924 : vector<16xf32>
        %add3A_926 = arith.constant 4 : i32
        %add3A_927 = arith.addi %mul3A_757, %add3A_926 : i32
        %get3A_928 = arith.constant 0 : i32
        %get3A_929 = arith.constant 0 : i32
        %get3A_930 = tpu.memref_slice %arg13[%scan3A_292, %get3A_928, %get3A_929] : memref<2x320x128xf32, #tpu.memory_space<vmem>> -> memref<1x320x128xf32, #tpu.memory_space<vmem>>
        %get3A_931 = tpu.memref_squeeze %get3A_930 : memref<1x320x128xf32, #tpu.memory_space<vmem>> -> memref<320x128xf32, #tpu.memory_space<vmem>>
        %get3A_932 = arith.index_cast %add3A_927 : i32 to index
        %get3A_933 = arith.constant 96 : index
        %get3A_934 = tpu.vector_load %get3A_931[%get3A_932, %get3A_933] {strides = array<i32>} : memref<320x128xf32, #tpu.memory_space<vmem>>, vector<16xf32>,
        %add3A_935 = arith.addf %add3A_895, %get3A_934 : vector<16xf32>
        %add3A_936 = arith.constant 4 : i32
        %add3A_937 = arith.addi %mul3A_757, %add3A_936 : i32
        %get3A_938 = arith.constant 0 : i32
        %get3A_939 = arith.constant 0 : i32
        %get3A_940 = tpu.memref_slice %arg13[%scan3A_292, %get3A_938, %get3A_939] : memref<2x320x128xf32, #tpu.memory_space<vmem>> -> memref<1x320x128xf32, #tpu.memory_space<vmem>>
        %get3A_941 = tpu.memref_squeeze %get3A_940 : memref<1x320x128xf32, #tpu.memory_space<vmem>> -> memref<320x128xf32, #tpu.memory_space<vmem>>
        %get3A_942 = arith.index_cast %add3A_937 : i32 to index
        %get3A_943 = arith.constant 112 : index
        %get3A_944 = tpu.vector_load %get3A_941[%get3A_942, %get3A_943] {strides = array<i32>} : memref<320x128xf32, #tpu.memory_space<vmem>>, vector<16xf32>,
        %add3A_945 = arith.addf %add3A_905, %get3A_944 : vector<16xf32>
        %add3A_946 = arith.constant 5 : i32
        %add3A_947 = arith.addi %mul3A_757, %add3A_946 : i32
        %get3A_948 = arith.constant 0 : i32
        %get3A_949 = arith.constant 0 : i32
        %get3A_950 = tpu.memref_slice %arg13[%scan3A_292, %get3A_948, %get3A_949] : memref<2x320x128xf32, #tpu.memory_space<vmem>> -> memref<1x320x128xf32, #tpu.memory_space<vmem>>
        %get3A_951 = tpu.memref_squeeze %get3A_950 : memref<1x320x128xf32, #tpu.memory_space<vmem>> -> memref<320x128xf32, #tpu.memory_space<vmem>>
        %get3A_952 = arith.index_cast %add3A_947 : i32 to index
        %get3A_953 = arith.constant 64 : index
        %get3A_954 = tpu.vector_load %get3A_951[%get3A_952, %get3A_953] {strides = array<i32>} : memref<320x128xf32, #tpu.memory_space<vmem>>, vector<16xf32>,
        %add3A_955 = arith.addf %add3A_915, %get3A_954 : vector<16xf32>
        %add3A_956 = arith.constant 5 : i32
        %add3A_957 = arith.addi %mul3A_757, %add3A_956 : i32
        %get3A_958 = arith.constant 0 : i32
        %get3A_959 = arith.constant 0 : i32
        %get3A_960 = tpu.memref_slice %arg13[%scan3A_292, %get3A_958, %get3A_959] : memref<2x320x128xf32, #tpu.memory_space<vmem>> -> memref<1x320x128xf32, #tpu.memory_space<vmem>>
        %get3A_961 = tpu.memref_squeeze %get3A_960 : memref<1x320x128xf32, #tpu.memory_space<vmem>> -> memref<320x128xf32, #tpu.memory_space<vmem>>
        %get3A_962 = arith.index_cast %add3A_957 : i32 to index
        %get3A_963 = arith.constant 80 : index
        %get3A_964 = tpu.vector_load %get3A_961[%get3A_962, %get3A_963] {strides = array<i32>} : memref<320x128xf32, #tpu.memory_space<vmem>>, vector<16xf32>,
        %add3A_965 = arith.addf %add3A_925, %get3A_964 : vector<16xf32>
        %add3A_966 = arith.constant 5 : i32
        %add3A_967 = arith.addi %mul3A_757, %add3A_966 : i32
        %get3A_968 = arith.constant 0 : i32
        %get3A_969 = arith.constant 0 : i32
        %get3A_970 = tpu.memref_slice %arg13[%scan3A_292, %get3A_968, %get3A_969] : memref<2x320x128xf32, #tpu.memory_space<vmem>> -> memref<1x320x128xf32, #tpu.memory_space<vmem>>
        %get3A_971 = tpu.memref_squeeze %get3A_970 : memref<1x320x128xf32, #tpu.memory_space<vmem>> -> memref<320x128xf32, #tpu.memory_space<vmem>>
        %get3A_972 = arith.index_cast %add3A_967 : i32 to index
        %get3A_973 = arith.constant 96 : index
        %get3A_974 = tpu.vector_load %get3A_971[%get3A_972, %get3A_973] {strides = array<i32>} : memref<320x128xf32, #tpu.memory_space<vmem>>, vector<16xf32>,
        %add3A_975 = arith.addf %add3A_935, %get3A_974 : vector<16xf32>
        %add3A_976 = arith.constant 5 : i32
        %add3A_977 = arith.addi %mul3A_757, %add3A_976 : i32
        %get3A_978 = arith.constant 0 : i32
        %get3A_979 = arith.constant 0 : i32
        %get3A_980 = tpu.memref_slice %arg13[%scan3A_292, %get3A_978, %get3A_979] : memref<2x320x128xf32, #tpu.memory_space<vmem>> -> memref<1x320x128xf32, #tpu.memory_space<vmem>>
        %get3A_981 = tpu.memref_squeeze %get3A_980 : memref<1x320x128xf32, #tpu.memory_space<vmem>> -> memref<320x128xf32, #tpu.memory_space<vmem>>
        %get3A_982 = arith.index_cast %add3A_977 : i32 to index
        %get3A_983 = arith.constant 112 : index
        %get3A_984 = tpu.vector_load %get3A_981[%get3A_982, %get3A_983] {strides = array<i32>} : memref<320x128xf32, #tpu.memory_space<vmem>>, vector<16xf32>,
        %add3A_985 = arith.addf %add3A_945, %get3A_984 : vector<16xf32>
        %add3A_986 = arith.constant 6 : i32
        %add3A_987 = arith.addi %mul3A_757, %add3A_986 : i32
        %get3A_988 = arith.constant 0 : i32
        %get3A_989 = arith.constant 0 : i32
        %get3A_990 = tpu.memref_slice %arg13[%scan3A_292, %get3A_988, %get3A_989] : memref<2x320x128xf32, #tpu.memory_space<vmem>> -> memref<1x320x128xf32, #tpu.memory_space<vmem>>
        %get3A_991 = tpu.memref_squeeze %get3A_990 : memref<1x320x128xf32, #tpu.memory_space<vmem>> -> memref<320x128xf32, #tpu.memory_space<vmem>>
        %get3A_992 = arith.index_cast %add3A_987 : i32 to index
        %get3A_993 = arith.constant 64 : index
        %get3A_994 = tpu.vector_load %get3A_991[%get3A_992, %get3A_993] {strides = array<i32>} : memref<320x128xf32, #tpu.memory_space<vmem>>, vector<16xf32>,
        %add3A_995 = arith.addf %add3A_955, %get3A_994 : vector<16xf32>
        %add3A_996 = arith.constant 6 : i32
        %add3A_997 = arith.addi %mul3A_757, %add3A_996 : i32
        %get3A_998 = arith.constant 0 : i32
        %get3A_999 = arith.constant 0 : i32
        %get3A_1000 = tpu.memref_slice %arg13[%scan3A_292, %get3A_998, %get3A_999] : memref<2x320x128xf32, #tpu.memory_space<vmem>> -> memref<1x320x128xf32, #tpu.memory_space<vmem>>
        %get3A_1001 = tpu.memref_squeeze %get3A_1000 : memref<1x320x128xf32, #tpu.memory_space<vmem>> -> memref<320x128xf32, #tpu.memory_space<vmem>>
        %get3A_1002 = arith.index_cast %add3A_997 : i32 to index
        %get3A_1003 = arith.constant 80 : index
        %get3A_1004 = tpu.vector_load %get3A_1001[%get3A_1002, %get3A_1003] {strides = array<i32>} : memref<320x128xf32, #tpu.memory_space<vmem>>, vector<16xf32>,
        %add3A_1005 = arith.addf %add3A_965, %get3A_1004 : vector<16xf32>
        %add3A_1006 = arith.constant 6 : i32
        %add3A_1007 = arith.addi %mul3A_757, %add3A_1006 : i32
        %get3A_1008 = arith.constant 0 : i32
        %get3A_1009 = arith.constant 0 : i32
        %get3A_1010 = tpu.memref_slice %arg13[%scan3A_292, %get3A_1008, %get3A_1009] : memref<2x320x128xf32, #tpu.memory_space<vmem>> -> memref<1x320x128xf32, #tpu.memory_space<vmem>>
        %get3A_1011 = tpu.memref_squeeze %get3A_1010 : memref<1x320x128xf32, #tpu.memory_space<vmem>> -> memref<320x128xf32, #tpu.memory_space<vmem>>
        %get3A_1012 = arith.index_cast %add3A_1007 : i32 to index
        %get3A_1013 = arith.constant 96 : index
        %get3A_1014 = tpu.vector_load %get3A_1011[%get3A_1012, %get3A_1013] {strides = array<i32>} : memref<320x128xf32, #tpu.memory_space<vmem>>, vector<16xf32>,
        %add3A_1015 = arith.addf %add3A_975, %get3A_1014 : vector<16xf32>
        %add3A_1016 = arith.constant 6 : i32
        %add3A_1017 = arith.addi %mul3A_757, %add3A_1016 : i32
        %get3A_1018 = arith.constant 0 : i32
        %get3A_1019 = arith.constant 0 : i32
        %get3A_1020 = tpu.memref_slice %arg13[%scan3A_292, %get3A_1018, %get3A_1019] : memref<2x320x128xf32, #tpu.memory_space<vmem>> -> memref<1x320x128xf32, #tpu.memory_space<vmem>>
        %get3A_1021 = tpu.memref_squeeze %get3A_1020 : memref<1x320x128xf32, #tpu.memory_space<vmem>> -> memref<320x128xf32, #tpu.memory_space<vmem>>
        %get3A_1022 = arith.index_cast %add3A_1017 : i32 to index
        %get3A_1023 = arith.constant 112 : index
        %get3A_1024 = tpu.vector_load %get3A_1021[%get3A_1022, %get3A_1023] {strides = array<i32>} : memref<320x128xf32, #tpu.memory_space<vmem>>, vector<16xf32>,
        %add3A_1025 = arith.addf %add3A_985, %get3A_1024 : vector<16xf32>
        %add3A_1026 = arith.constant 7 : i32
        %add3A_1027 = arith.addi %mul3A_757, %add3A_1026 : i32
        %get3A_1028 = arith.constant 0 : i32
        %get3A_1029 = arith.constant 0 : i32
        %get3A_1030 = tpu.memref_slice %arg13[%scan3A_292, %get3A_1028, %get3A_1029] : memref<2x320x128xf32, #tpu.memory_space<vmem>> -> memref<1x320x128xf32, #tpu.memory_space<vmem>>
        %get3A_1031 = tpu.memref_squeeze %get3A_1030 : memref<1x320x128xf32, #tpu.memory_space<vmem>> -> memref<320x128xf32, #tpu.memory_space<vmem>>
        %get3A_1032 = arith.index_cast %add3A_1027 : i32 to index
        %get3A_1033 = arith.constant 64 : index
        %get3A_1034 = tpu.vector_load %get3A_1031[%get3A_1032, %get3A_1033] {strides = array<i32>} : memref<320x128xf32, #tpu.memory_space<vmem>>, vector<16xf32>,
        %add3A_1035 = arith.addf %add3A_995, %get3A_1034 : vector<16xf32>
        %add3A_1036 = arith.constant 7 : i32
        %add3A_1037 = arith.addi %mul3A_757, %add3A_1036 : i32
        %get3A_1038 = arith.constant 0 : i32
        %get3A_1039 = arith.constant 0 : i32
        %get3A_1040 = tpu.memref_slice %arg13[%scan3A_292, %get3A_1038, %get3A_1039] : memref<2x320x128xf32, #tpu.memory_space<vmem>> -> memref<1x320x128xf32, #tpu.memory_space<vmem>>
        %get3A_1041 = tpu.memref_squeeze %get3A_1040 : memref<1x320x128xf32, #tpu.memory_space<vmem>> -> memref<320x128xf32, #tpu.memory_space<vmem>>
        %get3A_1042 = arith.index_cast %add3A_1037 : i32 to index
        %get3A_1043 = arith.constant 80 : index
        %get3A_1044 = tpu.vector_load %get3A_1041[%get3A_1042, %get3A_1043] {strides = array<i32>} : memref<320x128xf32, #tpu.memory_space<vmem>>, vector<16xf32>,
        %add3A_1045 = arith.addf %add3A_1005, %get3A_1044 : vector<16xf32>
        %add3A_1046 = arith.constant 7 : i32
        %add3A_1047 = arith.addi %mul3A_757, %add3A_1046 : i32
        %get3A_1048 = arith.constant 0 : i32
        %get3A_1049 = arith.constant 0 : i32
        %get3A_1050 = tpu.memref_slice %arg13[%scan3A_292, %get3A_1048, %get3A_1049] : memref<2x320x128xf32, #tpu.memory_space<vmem>> -> memref<1x320x128xf32, #tpu.memory_space<vmem>>
        %get3A_1051 = tpu.memref_squeeze %get3A_1050 : memref<1x320x128xf32, #tpu.memory_space<vmem>> -> memref<320x128xf32, #tpu.memory_space<vmem>>
        %get3A_1052 = arith.index_cast %add3A_1047 : i32 to index
        %get3A_1053 = arith.constant 96 : index
        %get3A_1054 = tpu.vector_load %get3A_1051[%get3A_1052, %get3A_1053] {strides = array<i32>} : memref<320x128xf32, #tpu.memory_space<vmem>>, vector<16xf32>,
        %add3A_1055 = arith.addf %add3A_1015, %get3A_1054 : vector<16xf32>
        %add3A_1056 = arith.constant 7 : i32
        %add3A_1057 = arith.addi %mul3A_757, %add3A_1056 : i32
        %get3A_1058 = arith.constant 0 : i32
        %get3A_1059 = arith.constant 0 : i32
        %get3A_1060 = tpu.memref_slice %arg13[%scan3A_292, %get3A_1058, %get3A_1059] : memref<2x320x128xf32, #tpu.memory_space<vmem>> -> memref<1x320x128xf32, #tpu.memory_space<vmem>>
        %get3A_1061 = tpu.memref_squeeze %get3A_1060 : memref<1x320x128xf32, #tpu.memory_space<vmem>> -> memref<320x128xf32, #tpu.memory_space<vmem>>
        %get3A_1062 = arith.index_cast %add3A_1057 : i32 to index
        %get3A_1063 = arith.constant 112 : index
        %get3A_1064 = tpu.vector_load %get3A_1061[%get3A_1062, %get3A_1063] {strides = array<i32>} : memref<320x128xf32, #tpu.memory_space<vmem>>, vector<16xf32>,
        %add3A_1065 = arith.addf %add3A_1025, %get3A_1064 : vector<16xf32>
        %add3A_1066 = arith.constant 8 : i32
        %add3A_1067 = arith.addi %mul3A_757, %add3A_1066 : i32
        %get3A_1068 = arith.constant 0 : i32
        %get3A_1069 = arith.constant 0 : i32
        %get3A_1070 = tpu.memref_slice %arg13[%scan3A_292, %get3A_1068, %get3A_1069] : memref<2x320x128xf32, #tpu.memory_space<vmem>> -> memref<1x320x128xf32, #tpu.memory_space<vmem>>
        %get3A_1071 = tpu.memref_squeeze %get3A_1070 : memref<1x320x128xf32, #tpu.memory_space<vmem>> -> memref<320x128xf32, #tpu.memory_space<vmem>>
        %get3A_1072 = arith.index_cast %add3A_1067 : i32 to index
        %get3A_1073 = arith.constant 64 : index
        %get3A_1074 = tpu.vector_load %get3A_1071[%get3A_1072, %get3A_1073] {strides = array<i32>} : memref<320x128xf32, #tpu.memory_space<vmem>>, vector<16xf32>,
        %add3A_1075 = arith.addf %add3A_1035, %get3A_1074 : vector<16xf32>
        %add3A_1076 = arith.constant 8 : i32
        %add3A_1077 = arith.addi %mul3A_757, %add3A_1076 : i32
        %get3A_1078 = arith.constant 0 : i32
        %get3A_1079 = arith.constant 0 : i32
        %get3A_1080 = tpu.memref_slice %arg13[%scan3A_292, %get3A_1078, %get3A_1079] : memref<2x320x128xf32, #tpu.memory_space<vmem>> -> memref<1x320x128xf32, #tpu.memory_space<vmem>>
        %get3A_1081 = tpu.memref_squeeze %get3A_1080 : memref<1x320x128xf32, #tpu.memory_space<vmem>> -> memref<320x128xf32, #tpu.memory_space<vmem>>
        %get3A_1082 = arith.index_cast %add3A_1077 : i32 to index
        %get3A_1083 = arith.constant 80 : index
        %get3A_1084 = tpu.vector_load %get3A_1081[%get3A_1082, %get3A_1083] {strides = array<i32>} : memref<320x128xf32, #tpu.memory_space<vmem>>, vector<16xf32>,
        %add3A_1085 = arith.addf %add3A_1045, %get3A_1084 : vector<16xf32>
        %add3A_1086 = arith.constant 8 : i32
        %add3A_1087 = arith.addi %mul3A_757, %add3A_1086 : i32
        %get3A_1088 = arith.constant 0 : i32
        %get3A_1089 = arith.constant 0 : i32
        %get3A_1090 = tpu.memref_slice %arg13[%scan3A_292, %get3A_1088, %get3A_1089] : memref<2x320x128xf32, #tpu.memory_space<vmem>> -> memref<1x320x128xf32, #tpu.memory_space<vmem>>
        %get3A_1091 = tpu.memref_squeeze %get3A_1090 : memref<1x320x128xf32, #tpu.memory_space<vmem>> -> memref<320x128xf32, #tpu.memory_space<vmem>>
        %get3A_1092 = arith.index_cast %add3A_1087 : i32 to index
        %get3A_1093 = arith.constant 96 : index
        %get3A_1094 = tpu.vector_load %get3A_1091[%get3A_1092, %get3A_1093] {strides = array<i32>} : memref<320x128xf32, #tpu.memory_space<vmem>>, vector<16xf32>,
        %add3A_1095 = arith.addf %add3A_1055, %get3A_1094 : vector<16xf32>
        %add3A_1096 = arith.constant 8 : i32
        %add3A_1097 = arith.addi %mul3A_757, %add3A_1096 : i32
        %get3A_1098 = arith.constant 0 : i32
        %get3A_1099 = arith.constant 0 : i32
        %get3A_1100 = tpu.memref_slice %arg13[%scan3A_292, %get3A_1098, %get3A_1099] : memref<2x320x128xf32, #tpu.memory_space<vmem>> -> memref<1x320x128xf32, #tpu.memory_space<vmem>>
        %get3A_1101 = tpu.memref_squeeze %get3A_1100 : memref<1x320x128xf32, #tpu.memory_space<vmem>> -> memref<320x128xf32, #tpu.memory_space<vmem>>
        %get3A_1102 = arith.index_cast %add3A_1097 : i32 to index
        %get3A_1103 = arith.constant 112 : index
        %get3A_1104 = tpu.vector_load %get3A_1101[%get3A_1102, %get3A_1103] {strides = array<i32>} : memref<320x128xf32, #tpu.memory_space<vmem>>, vector<16xf32>,
        %add3A_1105 = arith.addf %add3A_1065, %get3A_1104 : vector<16xf32>
        %add3A_1106 = arith.constant 9 : i32
        %add3A_1107 = arith.addi %mul3A_757, %add3A_1106 : i32
        %get3A_1108 = arith.constant 0 : i32
        %get3A_1109 = arith.constant 0 : i32
        %get3A_1110 = tpu.memref_slice %arg13[%scan3A_292, %get3A_1108, %get3A_1109] : memref<2x320x128xf32, #tpu.memory_space<vmem>> -> memref<1x320x128xf32, #tpu.memory_space<vmem>>
        %get3A_1111 = tpu.memref_squeeze %get3A_1110 : memref<1x320x128xf32, #tpu.memory_space<vmem>> -> memref<320x128xf32, #tpu.memory_space<vmem>>
        %get3A_1112 = arith.index_cast %add3A_1107 : i32 to index
        %get3A_1113 = arith.constant 64 : index
        %get3A_1114 = tpu.vector_load %get3A_1111[%get3A_1112, %get3A_1113] {strides = array<i32>} : memref<320x128xf32, #tpu.memory_space<vmem>>, vector<16xf32>,
        %add3A_1115 = arith.addf %add3A_1075, %get3A_1114 : vector<16xf32>
        %add3A_1116 = arith.constant 9 : i32
        %add3A_1117 = arith.addi %mul3A_757, %add3A_1116 : i32
        %get3A_1118 = arith.constant 0 : i32
        %get3A_1119 = arith.constant 0 : i32
        %get3A_1120 = tpu.memref_slice %arg13[%scan3A_292, %get3A_1118, %get3A_1119] : memref<2x320x128xf32, #tpu.memory_space<vmem>> -> memref<1x320x128xf32, #tpu.memory_space<vmem>>
        %get3A_1121 = tpu.memref_squeeze %get3A_1120 : memref<1x320x128xf32, #tpu.memory_space<vmem>> -> memref<320x128xf32, #tpu.memory_space<vmem>>
        %get3A_1122 = arith.index_cast %add3A_1117 : i32 to index
        %get3A_1123 = arith.constant 80 : index
        %get3A_1124 = tpu.vector_load %get3A_1121[%get3A_1122, %get3A_1123] {strides = array<i32>} : memref<320x128xf32, #tpu.memory_space<vmem>>, vector<16xf32>,
        %add3A_1125 = arith.addf %add3A_1085, %get3A_1124 : vector<16xf32>
        %add3A_1126 = arith.constant 9 : i32
        %add3A_1127 = arith.addi %mul3A_757, %add3A_1126 : i32
        %get3A_1128 = arith.constant 0 : i32
        %get3A_1129 = arith.constant 0 : i32
        %get3A_1130 = tpu.memref_slice %arg13[%scan3A_292, %get3A_1128, %get3A_1129] : memref<2x320x128xf32, #tpu.memory_space<vmem>> -> memref<1x320x128xf32, #tpu.memory_space<vmem>>
        %get3A_1131 = tpu.memref_squeeze %get3A_1130 : memref<1x320x128xf32, #tpu.memory_space<vmem>> -> memref<320x128xf32, #tpu.memory_space<vmem>>
        %get3A_1132 = arith.index_cast %add3A_1127 : i32 to index
        %get3A_1133 = arith.constant 96 : index
        %get3A_1134 = tpu.vector_load %get3A_1131[%get3A_1132, %get3A_1133] {strides = array<i32>} : memref<320x128xf32, #tpu.memory_space<vmem>>, vector<16xf32>,
        %add3A_1135 = arith.addf %add3A_1095, %get3A_1134 : vector<16xf32>
        %add3A_1136 = arith.constant 9 : i32
        %add3A_1137 = arith.addi %mul3A_757, %add3A_1136 : i32
        %get3A_1138 = arith.constant 0 : i32
        %get3A_1139 = arith.constant 0 : i32
        %get3A_1140 = tpu.memref_slice %arg13[%scan3A_292, %get3A_1138, %get3A_1139] : memref<2x320x128xf32, #tpu.memory_space<vmem>> -> memref<1x320x128xf32, #tpu.memory_space<vmem>>
        %get3A_1141 = tpu.memref_squeeze %get3A_1140 : memref<1x320x128xf32, #tpu.memory_space<vmem>> -> memref<320x128xf32, #tpu.memory_space<vmem>>
        %get3A_1142 = arith.index_cast %add3A_1137 : i32 to index
        %get3A_1143 = arith.constant 112 : index
        %get3A_1144 = tpu.vector_load %get3A_1141[%get3A_1142, %get3A_1143] {strides = array<i32>} : memref<320x128xf32, #tpu.memory_space<vmem>>, vector<16xf32>,
        %add3A_1145 = arith.addf %add3A_1105, %get3A_1144 : vector<16xf32>
        %add3A_1146 = arith.constant 10 : i32
        %add3A_1147 = arith.addi %mul3A_757, %add3A_1146 : i32
        %get3A_1148 = arith.constant 0 : i32
        %get3A_1149 = arith.constant 0 : i32
        %get3A_1150 = tpu.memref_slice %arg13[%scan3A_292, %get3A_1148, %get3A_1149] : memref<2x320x128xf32, #tpu.memory_space<vmem>> -> memref<1x320x128xf32, #tpu.memory_space<vmem>>
        %get3A_1151 = tpu.memref_squeeze %get3A_1150 : memref<1x320x128xf32, #tpu.memory_space<vmem>> -> memref<320x128xf32, #tpu.memory_space<vmem>>
        %get3A_1152 = arith.index_cast %add3A_1147 : i32 to index
        %get3A_1153 = arith.constant 64 : index
        %get3A_1154 = tpu.vector_load %get3A_1151[%get3A_1152, %get3A_1153] {strides = array<i32>} : memref<320x128xf32, #tpu.memory_space<vmem>>, vector<16xf32>,
        %add3A_1155 = arith.addf %add3A_1115, %get3A_1154 : vector<16xf32>
        %add3A_1156 = arith.constant 10 : i32
        %add3A_1157 = arith.addi %mul3A_757, %add3A_1156 : i32
        %get3A_1158 = arith.constant 0 : i32
        %get3A_1159 = arith.constant 0 : i32
        %get3A_1160 = tpu.memref_slice %arg13[%scan3A_292, %get3A_1158, %get3A_1159] : memref<2x320x128xf32, #tpu.memory_space<vmem>> -> memref<1x320x128xf32, #tpu.memory_space<vmem>>
        %get3A_1161 = tpu.memref_squeeze %get3A_1160 : memref<1x320x128xf32, #tpu.memory_space<vmem>> -> memref<320x128xf32, #tpu.memory_space<vmem>>
        %get3A_1162 = arith.index_cast %add3A_1157 : i32 to index
        %get3A_1163 = arith.constant 80 : index
        %get3A_1164 = tpu.vector_load %get3A_1161[%get3A_1162, %get3A_1163] {strides = array<i32>} : memref<320x128xf32, #tpu.memory_space<vmem>>, vector<16xf32>,
        %add3A_1165 = arith.addf %add3A_1125, %get3A_1164 : vector<16xf32>
        %add3A_1166 = arith.constant 10 : i32
        %add3A_1167 = arith.addi %mul3A_757, %add3A_1166 : i32
        %get3A_1168 = arith.constant 0 : i32
        %get3A_1169 = arith.constant 0 : i32
        %get3A_1170 = tpu.memref_slice %arg13[%scan3A_292, %get3A_1168, %get3A_1169] : memref<2x320x128xf32, #tpu.memory_space<vmem>> -> memref<1x320x128xf32, #tpu.memory_space<vmem>>
        %get3A_1171 = tpu.memref_squeeze %get3A_1170 : memref<1x320x128xf32, #tpu.memory_space<vmem>> -> memref<320x128xf32, #tpu.memory_space<vmem>>
        %get3A_1172 = arith.index_cast %add3A_1167 : i32 to index
        %get3A_1173 = arith.constant 96 : index
        %get3A_1174 = tpu.vector_load %get3A_1171[%get3A_1172, %get3A_1173] {strides = array<i32>} : memref<320x128xf32, #tpu.memory_space<vmem>>, vector<16xf32>,
        %add3A_1175 = arith.addf %add3A_1135, %get3A_1174 : vector<16xf32>
        %add3A_1176 = arith.constant 10 : i32
        %add3A_1177 = arith.addi %mul3A_757, %add3A_1176 : i32
        %get3A_1178 = arith.constant 0 : i32
        %get3A_1179 = arith.constant 0 : i32
        %get3A_1180 = tpu.memref_slice %arg13[%scan3A_292, %get3A_1178, %get3A_1179] : memref<2x320x128xf32, #tpu.memory_space<vmem>> -> memref<1x320x128xf32, #tpu.memory_space<vmem>>
        %get3A_1181 = tpu.memref_squeeze %get3A_1180 : memref<1x320x128xf32, #tpu.memory_space<vmem>> -> memref<320x128xf32, #tpu.memory_space<vmem>>
        %get3A_1182 = arith.index_cast %add3A_1177 : i32 to index
        %get3A_1183 = arith.constant 112 : index
        %get3A_1184 = tpu.vector_load %get3A_1181[%get3A_1182, %get3A_1183] {strides = array<i32>} : memref<320x128xf32, #tpu.memory_space<vmem>>, vector<16xf32>,
        %add3A_1185 = arith.addf %add3A_1145, %get3A_1184 : vector<16xf32>
        %add3A_1186 = arith.constant 11 : i32
        %add3A_1187 = arith.addi %mul3A_757, %add3A_1186 : i32
        %get3A_1188 = arith.constant 0 : i32
        %get3A_1189 = arith.constant 0 : i32
        %get3A_1190 = tpu.memref_slice %arg13[%scan3A_292, %get3A_1188, %get3A_1189] : memref<2x320x128xf32, #tpu.memory_space<vmem>> -> memref<1x320x128xf32, #tpu.memory_space<vmem>>
        %get3A_1191 = tpu.memref_squeeze %get3A_1190 : memref<1x320x128xf32, #tpu.memory_space<vmem>> -> memref<320x128xf32, #tpu.memory_space<vmem>>
        %get3A_1192 = arith.index_cast %add3A_1187 : i32 to index
        %get3A_1193 = arith.constant 64 : index
        %get3A_1194 = tpu.vector_load %get3A_1191[%get3A_1192, %get3A_1193] {strides = array<i32>} : memref<320x128xf32, #tpu.memory_space<vmem>>, vector<16xf32>,
        %add3A_1195 = arith.addf %add3A_1155, %get3A_1194 : vector<16xf32>
        %add3A_1196 = arith.constant 11 : i32
        %add3A_1197 = arith.addi %mul3A_757, %add3A_1196 : i32
        %get3A_1198 = arith.constant 0 : i32
        %get3A_1199 = arith.constant 0 : i32
        %get3A_1200 = tpu.memref_slice %arg13[%scan3A_292, %get3A_1198, %get3A_1199] : memref<2x320x128xf32, #tpu.memory_space<vmem>> -> memref<1x320x128xf32, #tpu.memory_space<vmem>>
        %get3A_1201 = tpu.memref_squeeze %get3A_1200 : memref<1x320x128xf32, #tpu.memory_space<vmem>> -> memref<320x128xf32, #tpu.memory_space<vmem>>
        %get3A_1202 = arith.index_cast %add3A_1197 : i32 to index
        %get3A_1203 = arith.constant 80 : index
        %get3A_1204 = tpu.vector_load %get3A_1201[%get3A_1202, %get3A_1203] {strides = array<i32>} : memref<320x128xf32, #tpu.memory_space<vmem>>, vector<16xf32>,
        %add3A_1205 = arith.addf %add3A_1165, %get3A_1204 : vector<16xf32>
        %add3A_1206 = arith.constant 11 : i32
        %add3A_1207 = arith.addi %mul3A_757, %add3A_1206 : i32
        %get3A_1208 = arith.constant 0 : i32
        %get3A_1209 = arith.constant 0 : i32
        %get3A_1210 = tpu.memref_slice %arg13[%scan3A_292, %get3A_1208, %get3A_1209] : memref<2x320x128xf32, #tpu.memory_space<vmem>> -> memref<1x320x128xf32, #tpu.memory_space<vmem>>
        %get3A_1211 = tpu.memref_squeeze %get3A_1210 : memref<1x320x128xf32, #tpu.memory_space<vmem>> -> memref<320x128xf32, #tpu.memory_space<vmem>>
        %get3A_1212 = arith.index_cast %add3A_1207 : i32 to index
        %get3A_1213 = arith.constant 96 : index
        %get3A_1214 = tpu.vector_load %get3A_1211[%get3A_1212, %get3A_1213] {strides = array<i32>} : memref<320x128xf32, #tpu.memory_space<vmem>>, vector<16xf32>,
        %add3A_1215 = arith.addf %add3A_1175, %get3A_1214 : vector<16xf32>
        %add3A_1216 = arith.constant 11 : i32
        %add3A_1217 = arith.addi %mul3A_757, %add3A_1216 : i32
        %get3A_1218 = arith.constant 0 : i32
        %get3A_1219 = arith.constant 0 : i32
        %get3A_1220 = tpu.memref_slice %arg13[%scan3A_292, %get3A_1218, %get3A_1219] : memref<2x320x128xf32, #tpu.memory_space<vmem>> -> memref<1x320x128xf32, #tpu.memory_space<vmem>>
        %get3A_1221 = tpu.memref_squeeze %get3A_1220 : memref<1x320x128xf32, #tpu.memory_space<vmem>> -> memref<320x128xf32, #tpu.memory_space<vmem>>
        %get3A_1222 = arith.index_cast %add3A_1217 : i32 to index
        %get3A_1223 = arith.constant 112 : index
        %get3A_1224 = tpu.vector_load %get3A_1221[%get3A_1222, %get3A_1223] {strides = array<i32>} : memref<320x128xf32, #tpu.memory_space<vmem>>, vector<16xf32>,
        %add3A_1225 = arith.addf %add3A_1185, %get3A_1224 : vector<16xf32>
        %add3A_1226 = arith.constant 12 : i32
        %add3A_1227 = arith.addi %mul3A_757, %add3A_1226 : i32
        %get3A_1228 = arith.constant 0 : i32
        %get3A_1229 = arith.constant 0 : i32
        %get3A_1230 = tpu.memref_slice %arg13[%scan3A_292, %get3A_1228, %get3A_1229] : memref<2x320x128xf32, #tpu.memory_space<vmem>> -> memref<1x320x128xf32, #tpu.memory_space<vmem>>
        %get3A_1231 = tpu.memref_squeeze %get3A_1230 : memref<1x320x128xf32, #tpu.memory_space<vmem>> -> memref<320x128xf32, #tpu.memory_space<vmem>>
        %get3A_1232 = arith.index_cast %add3A_1227 : i32 to index
        %get3A_1233 = arith.constant 64 : index
        %get3A_1234 = tpu.vector_load %get3A_1231[%get3A_1232, %get3A_1233] {strides = array<i32>} : memref<320x128xf32, #tpu.memory_space<vmem>>, vector<16xf32>,
        %add3A_1235 = arith.addf %add3A_1195, %get3A_1234 : vector<16xf32>
        %add3A_1236 = arith.constant 12 : i32
        %add3A_1237 = arith.addi %mul3A_757, %add3A_1236 : i32
        %get3A_1238 = arith.constant 0 : i32
        %get3A_1239 = arith.constant 0 : i32
        %get3A_1240 = tpu.memref_slice %arg13[%scan3A_292, %get3A_1238, %get3A_1239] : memref<2x320x128xf32, #tpu.memory_space<vmem>> -> memref<1x320x128xf32, #tpu.memory_space<vmem>>
        %get3A_1241 = tpu.memref_squeeze %get3A_1240 : memref<1x320x128xf32, #tpu.memory_space<vmem>> -> memref<320x128xf32, #tpu.memory_space<vmem>>
        %get3A_1242 = arith.index_cast %add3A_1237 : i32 to index
        %get3A_1243 = arith.constant 80 : index
        %get3A_1244 = tpu.vector_load %get3A_1241[%get3A_1242, %get3A_1243] {strides = array<i32>} : memref<320x128xf32, #tpu.memory_space<vmem>>, vector<16xf32>,
        %add3A_1245 = arith.addf %add3A_1205, %get3A_1244 : vector<16xf32>
        %add3A_1246 = arith.constant 12 : i32
        %add3A_1247 = arith.addi %mul3A_757, %add3A_1246 : i32
        %get3A_1248 = arith.constant 0 : i32
        %get3A_1249 = arith.constant 0 : i32
        %get3A_1250 = tpu.memref_slice %arg13[%scan3A_292, %get3A_1248, %get3A_1249] : memref<2x320x128xf32, #tpu.memory_space<vmem>> -> memref<1x320x128xf32, #tpu.memory_space<vmem>>
        %get3A_1251 = tpu.memref_squeeze %get3A_1250 : memref<1x320x128xf32, #tpu.memory_space<vmem>> -> memref<320x128xf32, #tpu.memory_space<vmem>>
        %get3A_1252 = arith.index_cast %add3A_1247 : i32 to index
        %get3A_1253 = arith.constant 96 : index
        %get3A_1254 = tpu.vector_load %get3A_1251[%get3A_1252, %get3A_1253] {strides = array<i32>} : memref<320x128xf32, #tpu.memory_space<vmem>>, vector<16xf32>,
        %add3A_1255 = arith.addf %add3A_1215, %get3A_1254 : vector<16xf32>
        %add3A_1256 = arith.constant 12 : i32
        %add3A_1257 = arith.addi %mul3A_757, %add3A_1256 : i32
        %get3A_1258 = arith.constant 0 : i32
        %get3A_1259 = arith.constant 0 : i32
        %get3A_1260 = tpu.memref_slice %arg13[%scan3A_292, %get3A_1258, %get3A_1259] : memref<2x320x128xf32, #tpu.memory_space<vmem>> -> memref<1x320x128xf32, #tpu.memory_space<vmem>>
        %get3A_1261 = tpu.memref_squeeze %get3A_1260 : memref<1x320x128xf32, #tpu.memory_space<vmem>> -> memref<320x128xf32, #tpu.memory_space<vmem>>
        %get3A_1262 = arith.index_cast %add3A_1257 : i32 to index
        %get3A_1263 = arith.constant 112 : index
        %get3A_1264 = tpu.vector_load %get3A_1261[%get3A_1262, %get3A_1263] {strides = array<i32>} : memref<320x128xf32, #tpu.memory_space<vmem>>, vector<16xf32>,
        %add3A_1265 = arith.addf %add3A_1225, %get3A_1264 : vector<16xf32>
        %add3A_1266 = arith.constant 13 : i32
        %add3A_1267 = arith.addi %mul3A_757, %add3A_1266 : i32
        %get3A_1268 = arith.constant 0 : i32
        %get3A_1269 = arith.constant 0 : i32
        %get3A_1270 = tpu.memref_slice %arg13[%scan3A_292, %get3A_1268, %get3A_1269] : memref<2x320x128xf32, #tpu.memory_space<vmem>> -> memref<1x320x128xf32, #tpu.memory_space<vmem>>
        %get3A_1271 = tpu.memref_squeeze %get3A_1270 : memref<1x320x128xf32, #tpu.memory_space<vmem>> -> memref<320x128xf32, #tpu.memory_space<vmem>>
        %get3A_1272 = arith.index_cast %add3A_1267 : i32 to index
        %get3A_1273 = arith.constant 64 : index
        %get3A_1274 = tpu.vector_load %get3A_1271[%get3A_1272, %get3A_1273] {strides = array<i32>} : memref<320x128xf32, #tpu.memory_space<vmem>>, vector<16xf32>,
        %add3A_1275 = arith.addf %add3A_1235, %get3A_1274 : vector<16xf32>
        %add3A_1276 = arith.constant 13 : i32
        %add3A_1277 = arith.addi %mul3A_757, %add3A_1276 : i32
        %get3A_1278 = arith.constant 0 : i32
        %get3A_1279 = arith.constant 0 : i32
        %get3A_1280 = tpu.memref_slice %arg13[%scan3A_292, %get3A_1278, %get3A_1279] : memref<2x320x128xf32, #tpu.memory_space<vmem>> -> memref<1x320x128xf32, #tpu.memory_space<vmem>>
        %get3A_1281 = tpu.memref_squeeze %get3A_1280 : memref<1x320x128xf32, #tpu.memory_space<vmem>> -> memref<320x128xf32, #tpu.memory_space<vmem>>
        %get3A_1282 = arith.index_cast %add3A_1277 : i32 to index
        %get3A_1283 = arith.constant 80 : index
        %get3A_1284 = tpu.vector_load %get3A_1281[%get3A_1282, %get3A_1283] {strides = array<i32>} : memref<320x128xf32, #tpu.memory_space<vmem>>, vector<16xf32>,
        %add3A_1285 = arith.addf %add3A_1245, %get3A_1284 : vector<16xf32>
        %add3A_1286 = arith.constant 13 : i32
        %add3A_1287 = arith.addi %mul3A_757, %add3A_1286 : i32
        %get3A_1288 = arith.constant 0 : i32
        %get3A_1289 = arith.constant 0 : i32
        %get3A_1290 = tpu.memref_slice %arg13[%scan3A_292, %get3A_1288, %get3A_1289] : memref<2x320x128xf32, #tpu.memory_space<vmem>> -> memref<1x320x128xf32, #tpu.memory_space<vmem>>
        %get3A_1291 = tpu.memref_squeeze %get3A_1290 : memref<1x320x128xf32, #tpu.memory_space<vmem>> -> memref<320x128xf32, #tpu.memory_space<vmem>>
        %get3A_1292 = arith.index_cast %add3A_1287 : i32 to index
        %get3A_1293 = arith.constant 96 : index
        %get3A_1294 = tpu.vector_load %get3A_1291[%get3A_1292, %get3A_1293] {strides = array<i32>} : memref<320x128xf32, #tpu.memory_space<vmem>>, vector<16xf32>,
        %add3A_1295 = arith.addf %add3A_1255, %get3A_1294 : vector<16xf32>
        %add3A_1296 = arith.constant 13 : i32
        %add3A_1297 = arith.addi %mul3A_757, %add3A_1296 : i32
        %get3A_1298 = arith.constant 0 : i32
        %get3A_1299 = arith.constant 0 : i32
        %get3A_1300 = tpu.memref_slice %arg13[%scan3A_292, %get3A_1298, %get3A_1299] : memref<2x320x128xf32, #tpu.memory_space<vmem>> -> memref<1x320x128xf32, #tpu.memory_space<vmem>>
        %get3A_1301 = tpu.memref_squeeze %get3A_1300 : memref<1x320x128xf32, #tpu.memory_space<vmem>> -> memref<320x128xf32, #tpu.memory_space<vmem>>
        %get3A_1302 = arith.index_cast %add3A_1297 : i32 to index
        %get3A_1303 = arith.constant 112 : index
        %get3A_1304 = tpu.vector_load %get3A_1301[%get3A_1302, %get3A_1303] {strides = array<i32>} : memref<320x128xf32, #tpu.memory_space<vmem>>, vector<16xf32>,
        %add3A_1305 = arith.addf %add3A_1265, %get3A_1304 : vector<16xf32>
        %add3A_1306 = arith.constant 14 : i32
        %add3A_1307 = arith.addi %mul3A_757, %add3A_1306 : i32
        %get3A_1308 = arith.constant 0 : i32
        %get3A_1309 = arith.constant 0 : i32
        %get3A_1310 = tpu.memref_slice %arg13[%scan3A_292, %get3A_1308, %get3A_1309] : memref<2x320x128xf32, #tpu.memory_space<vmem>> -> memref<1x320x128xf32, #tpu.memory_space<vmem>>
        %get3A_1311 = tpu.memref_squeeze %get3A_1310 : memref<1x320x128xf32, #tpu.memory_space<vmem>> -> memref<320x128xf32, #tpu.memory_space<vmem>>
        %get3A_1312 = arith.index_cast %add3A_1307 : i32 to index
        %get3A_1313 = arith.constant 64 : index
        %get3A_1314 = tpu.vector_load %get3A_1311[%get3A_1312, %get3A_1313] {strides = array<i32>} : memref<320x128xf32, #tpu.memory_space<vmem>>, vector<16xf32>,
        %add3A_1315 = arith.addf %add3A_1275, %get3A_1314 : vector<16xf32>
        %add3A_1316 = arith.constant 14 : i32
        %add3A_1317 = arith.addi %mul3A_757, %add3A_1316 : i32
        %get3A_1318 = arith.constant 0 : i32
        %get3A_1319 = arith.constant 0 : i32
        %get3A_1320 = tpu.memref_slice %arg13[%scan3A_292, %get3A_1318, %get3A_1319] : memref<2x320x128xf32, #tpu.memory_space<vmem>> -> memref<1x320x128xf32, #tpu.memory_space<vmem>>
        %get3A_1321 = tpu.memref_squeeze %get3A_1320 : memref<1x320x128xf32, #tpu.memory_space<vmem>> -> memref<320x128xf32, #tpu.memory_space<vmem>>
        %get3A_1322 = arith.index_cast %add3A_1317 : i32 to index
        %get3A_1323 = arith.constant 80 : index
        %get3A_1324 = tpu.vector_load %get3A_1321[%get3A_1322, %get3A_1323] {strides = array<i32>} : memref<320x128xf32, #tpu.memory_space<vmem>>, vector<16xf32>,
        %add3A_1325 = arith.addf %add3A_1285, %get3A_1324 : vector<16xf32>
        %add3A_1326 = arith.constant 14 : i32
        %add3A_1327 = arith.addi %mul3A_757, %add3A_1326 : i32
        %get3A_1328 = arith.constant 0 : i32
        %get3A_1329 = arith.constant 0 : i32
        %get3A_1330 = tpu.memref_slice %arg13[%scan3A_292, %get3A_1328, %get3A_1329] : memref<2x320x128xf32, #tpu.memory_space<vmem>> -> memref<1x320x128xf32, #tpu.memory_space<vmem>>
        %get3A_1331 = tpu.memref_squeeze %get3A_1330 : memref<1x320x128xf32, #tpu.memory_space<vmem>> -> memref<320x128xf32, #tpu.memory_space<vmem>>
        %get3A_1332 = arith.index_cast %add3A_1327 : i32 to index
        %get3A_1333 = arith.constant 96 : index
        %get3A_1334 = tpu.vector_load %get3A_1331[%get3A_1332, %get3A_1333] {strides = array<i32>} : memref<320x128xf32, #tpu.memory_space<vmem>>, vector<16xf32>,
        %add3A_1335 = arith.addf %add3A_1295, %get3A_1334 : vector<16xf32>
        %add3A_1336 = arith.constant 14 : i32
        %add3A_1337 = arith.addi %mul3A_757, %add3A_1336 : i32
        %get3A_1338 = arith.constant 0 : i32
        %get3A_1339 = arith.constant 0 : i32
        %get3A_1340 = tpu.memref_slice %arg13[%scan3A_292, %get3A_1338, %get3A_1339] : memref<2x320x128xf32, #tpu.memory_space<vmem>> -> memref<1x320x128xf32, #tpu.memory_space<vmem>>
        %get3A_1341 = tpu.memref_squeeze %get3A_1340 : memref<1x320x128xf32, #tpu.memory_space<vmem>> -> memref<320x128xf32, #tpu.memory_space<vmem>>
        %get3A_1342 = arith.index_cast %add3A_1337 : i32 to index
        %get3A_1343 = arith.constant 112 : index
        %get3A_1344 = tpu.vector_load %get3A_1341[%get3A_1342, %get3A_1343] {strides = array<i32>} : memref<320x128xf32, #tpu.memory_space<vmem>>, vector<16xf32>,
        %add3A_1345 = arith.addf %add3A_1305, %get3A_1344 : vector<16xf32>
        %add3A_1346 = arith.constant 15 : i32
        %add3A_1347 = arith.addi %mul3A_757, %add3A_1346 : i32
        %get3A_1348 = arith.constant 0 : i32
        %get3A_1349 = arith.constant 0 : i32
        %get3A_1350 = tpu.memref_slice %arg13[%scan3A_292, %get3A_1348, %get3A_1349] : memref<2x320x128xf32, #tpu.memory_space<vmem>> -> memref<1x320x128xf32, #tpu.memory_space<vmem>>
        %get3A_1351 = tpu.memref_squeeze %get3A_1350 : memref<1x320x128xf32, #tpu.memory_space<vmem>> -> memref<320x128xf32, #tpu.memory_space<vmem>>
        %get3A_1352 = arith.index_cast %add3A_1347 : i32 to index
        %get3A_1353 = arith.constant 64 : index
        %get3A_1354 = tpu.vector_load %get3A_1351[%get3A_1352, %get3A_1353] {strides = array<i32>} : memref<320x128xf32, #tpu.memory_space<vmem>>, vector<16xf32>,
        %add3A_1355 = arith.addf %add3A_1315, %get3A_1354 : vector<16xf32>
        %add3A_1356 = arith.constant 15 : i32
        %add3A_1357 = arith.addi %mul3A_757, %add3A_1356 : i32
        %get3A_1358 = arith.constant 0 : i32
        %get3A_1359 = arith.constant 0 : i32
        %get3A_1360 = tpu.memref_slice %arg13[%scan3A_292, %get3A_1358, %get3A_1359] : memref<2x320x128xf32, #tpu.memory_space<vmem>> -> memref<1x320x128xf32, #tpu.memory_space<vmem>>
        %get3A_1361 = tpu.memref_squeeze %get3A_1360 : memref<1x320x128xf32, #tpu.memory_space<vmem>> -> memref<320x128xf32, #tpu.memory_space<vmem>>
        %get3A_1362 = arith.index_cast %add3A_1357 : i32 to index
        %get3A_1363 = arith.constant 80 : index
        %get3A_1364 = tpu.vector_load %get3A_1361[%get3A_1362, %get3A_1363] {strides = array<i32>} : memref<320x128xf32, #tpu.memory_space<vmem>>, vector<16xf32>,
        %add3A_1365 = arith.addf %add3A_1325, %get3A_1364 : vector<16xf32>
        %add3A_1366 = arith.constant 15 : i32
        %add3A_1367 = arith.addi %mul3A_757, %add3A_1366 : i32
        %get3A_1368 = arith.constant 0 : i32
        %get3A_1369 = arith.constant 0 : i32
        %get3A_1370 = tpu.memref_slice %arg13[%scan3A_292, %get3A_1368, %get3A_1369] : memref<2x320x128xf32, #tpu.memory_space<vmem>> -> memref<1x320x128xf32, #tpu.memory_space<vmem>>
        %get3A_1371 = tpu.memref_squeeze %get3A_1370 : memref<1x320x128xf32, #tpu.memory_space<vmem>> -> memref<320x128xf32, #tpu.memory_space<vmem>>
        %get3A_1372 = arith.index_cast %add3A_1367 : i32 to index
        %get3A_1373 = arith.constant 96 : index
        %get3A_1374 = tpu.vector_load %get3A_1371[%get3A_1372, %get3A_1373] {strides = array<i32>} : memref<320x128xf32, #tpu.memory_space<vmem>>, vector<16xf32>,
        %add3A_1375 = arith.addf %add3A_1335, %get3A_1374 : vector<16xf32>
        %add3A_1376 = arith.constant 15 : i32
        %add3A_1377 = arith.addi %mul3A_757, %add3A_1376 : i32
        %get3A_1378 = arith.constant 0 : i32
        %get3A_1379 = arith.constant 0 : i32
        %get3A_1380 = tpu.memref_slice %arg13[%scan3A_292, %get3A_1378, %get3A_1379] : memref<2x320x128xf32, #tpu.memory_space<vmem>> -> memref<1x320x128xf32, #tpu.memory_space<vmem>>
        %get3A_1381 = tpu.memref_squeeze %get3A_1380 : memref<1x320x128xf32, #tpu.memory_space<vmem>> -> memref<320x128xf32, #tpu.memory_space<vmem>>
        %get3A_1382 = arith.index_cast %add3A_1377 : i32 to index
        %get3A_1383 = arith.constant 112 : index
        %get3A_1384 = tpu.vector_load %get3A_1381[%get3A_1382, %get3A_1383] {strides = array<i32>} : memref<320x128xf32, #tpu.memory_space<vmem>>, vector<16xf32>,
        %add3A_1385 = arith.addf %add3A_1345, %get3A_1384 : vector<16xf32>
        %add3A_1386 = arith.constant 16 : i32
        %add3A_1387 = arith.addi %mul3A_757, %add3A_1386 : i32
        %get3A_1388 = arith.constant 0 : i32
        %get3A_1389 = arith.constant 0 : i32
        %get3A_1390 = tpu.memref_slice %arg13[%scan3A_292, %get3A_1388, %get3A_1389] : memref<2x320x128xf32, #tpu.memory_space<vmem>> -> memref<1x320x128xf32, #tpu.memory_space<vmem>>
        %get3A_1391 = tpu.memref_squeeze %get3A_1390 : memref<1x320x128xf32, #tpu.memory_space<vmem>> -> memref<320x128xf32, #tpu.memory_space<vmem>>
        %get3A_1392 = arith.index_cast %add3A_1387 : i32 to index
        %get3A_1393 = arith.constant 64 : index
        %get3A_1394 = tpu.vector_load %get3A_1391[%get3A_1392, %get3A_1393] {strides = array<i32>} : memref<320x128xf32, #tpu.memory_space<vmem>>, vector<16xf32>,
        %add3A_1395 = arith.addf %add3A_1355, %get3A_1394 : vector<16xf32>
        %add3A_1396 = arith.constant 16 : i32
        %add3A_1397 = arith.addi %mul3A_757, %add3A_1396 : i32
        %get3A_1398 = arith.constant 0 : i32
        %get3A_1399 = arith.constant 0 : i32
        %get3A_1400 = tpu.memref_slice %arg13[%scan3A_292, %get3A_1398, %get3A_1399] : memref<2x320x128xf32, #tpu.memory_space<vmem>> -> memref<1x320x128xf32, #tpu.memory_space<vmem>>
        %get3A_1401 = tpu.memref_squeeze %get3A_1400 : memref<1x320x128xf32, #tpu.memory_space<vmem>> -> memref<320x128xf32, #tpu.memory_space<vmem>>
        %get3A_1402 = arith.index_cast %add3A_1397 : i32 to index
        %get3A_1403 = arith.constant 80 : index
        %get3A_1404 = tpu.vector_load %get3A_1401[%get3A_1402, %get3A_1403] {strides = array<i32>} : memref<320x128xf32, #tpu.memory_space<vmem>>, vector<16xf32>,
        %add3A_1405 = arith.addf %add3A_1365, %get3A_1404 : vector<16xf32>
        %add3A_1406 = arith.constant 16 : i32
        %add3A_1407 = arith.addi %mul3A_757, %add3A_1406 : i32
        %get3A_1408 = arith.constant 0 : i32
        %get3A_1409 = arith.constant 0 : i32
        %get3A_1410 = tpu.memref_slice %arg13[%scan3A_292, %get3A_1408, %get3A_1409] : memref<2x320x128xf32, #tpu.memory_space<vmem>> -> memref<1x320x128xf32, #tpu.memory_space<vmem>>
        %get3A_1411 = tpu.memref_squeeze %get3A_1410 : memref<1x320x128xf32, #tpu.memory_space<vmem>> -> memref<320x128xf32, #tpu.memory_space<vmem>>
        %get3A_1412 = arith.index_cast %add3A_1407 : i32 to index
        %get3A_1413 = arith.constant 96 : index
        %get3A_1414 = tpu.vector_load %get3A_1411[%get3A_1412, %get3A_1413] {strides = array<i32>} : memref<320x128xf32, #tpu.memory_space<vmem>>, vector<16xf32>,
        %add3A_1415 = arith.addf %add3A_1375, %get3A_1414 : vector<16xf32>
        %add3A_1416 = arith.constant 16 : i32
        %add3A_1417 = arith.addi %mul3A_757, %add3A_1416 : i32
        %get3A_1418 = arith.constant 0 : i32
        %get3A_1419 = arith.constant 0 : i32
        %get3A_1420 = tpu.memref_slice %arg13[%scan3A_292, %get3A_1418, %get3A_1419] : memref<2x320x128xf32, #tpu.memory_space<vmem>> -> memref<1x320x128xf32, #tpu.memory_space<vmem>>
        %get3A_1421 = tpu.memref_squeeze %get3A_1420 : memref<1x320x128xf32, #tpu.memory_space<vmem>> -> memref<320x128xf32, #tpu.memory_space<vmem>>
        %get3A_1422 = arith.index_cast %add3A_1417 : i32 to index
        %get3A_1423 = arith.constant 112 : index
        %get3A_1424 = tpu.vector_load %get3A_1421[%get3A_1422, %get3A_1423] {strides = array<i32>} : memref<320x128xf32, #tpu.memory_space<vmem>>, vector<16xf32>,
        %add3A_1425 = arith.addf %add3A_1385, %get3A_1424 : vector<16xf32>
        %add3A_1426 = arith.constant 17 : i32
        %add3A_1427 = arith.addi %mul3A_757, %add3A_1426 : i32
        %get3A_1428 = arith.constant 0 : i32
        %get3A_1429 = arith.constant 0 : i32
        %get3A_1430 = tpu.memref_slice %arg13[%scan3A_292, %get3A_1428, %get3A_1429] : memref<2x320x128xf32, #tpu.memory_space<vmem>> -> memref<1x320x128xf32, #tpu.memory_space<vmem>>
        %get3A_1431 = tpu.memref_squeeze %get3A_1430 : memref<1x320x128xf32, #tpu.memory_space<vmem>> -> memref<320x128xf32, #tpu.memory_space<vmem>>
        %get3A_1432 = arith.index_cast %add3A_1427 : i32 to index
        %get3A_1433 = arith.constant 64 : index
        %get3A_1434 = tpu.vector_load %get3A_1431[%get3A_1432, %get3A_1433] {strides = array<i32>} : memref<320x128xf32, #tpu.memory_space<vmem>>, vector<16xf32>,
        %add3A_1435 = arith.addf %add3A_1395, %get3A_1434 : vector<16xf32>
        %add3A_1436 = arith.constant 17 : i32
        %add3A_1437 = arith.addi %mul3A_757, %add3A_1436 : i32
        %get3A_1438 = arith.constant 0 : i32
        %get3A_1439 = arith.constant 0 : i32
        %get3A_1440 = tpu.memref_slice %arg13[%scan3A_292, %get3A_1438, %get3A_1439] : memref<2x320x128xf32, #tpu.memory_space<vmem>> -> memref<1x320x128xf32, #tpu.memory_space<vmem>>
        %get3A_1441 = tpu.memref_squeeze %get3A_1440 : memref<1x320x128xf32, #tpu.memory_space<vmem>> -> memref<320x128xf32, #tpu.memory_space<vmem>>
        %get3A_1442 = arith.index_cast %add3A_1437 : i32 to index
        %get3A_1443 = arith.constant 80 : index
        %get3A_1444 = tpu.vector_load %get3A_1441[%get3A_1442, %get3A_1443] {strides = array<i32>} : memref<320x128xf32, #tpu.memory_space<vmem>>, vector<16xf32>,
        %add3A_1445 = arith.addf %add3A_1405, %get3A_1444 : vector<16xf32>
        %add3A_1446 = arith.constant 17 : i32
        %add3A_1447 = arith.addi %mul3A_757, %add3A_1446 : i32
        %get3A_1448 = arith.constant 0 : i32
        %get3A_1449 = arith.constant 0 : i32
        %get3A_1450 = tpu.memref_slice %arg13[%scan3A_292, %get3A_1448, %get3A_1449] : memref<2x320x128xf32, #tpu.memory_space<vmem>> -> memref<1x320x128xf32, #tpu.memory_space<vmem>>
        %get3A_1451 = tpu.memref_squeeze %get3A_1450 : memref<1x320x128xf32, #tpu.memory_space<vmem>> -> memref<320x128xf32, #tpu.memory_space<vmem>>
        %get3A_1452 = arith.index_cast %add3A_1447 : i32 to index
        %get3A_1453 = arith.constant 96 : index
        %get3A_1454 = tpu.vector_load %get3A_1451[%get3A_1452, %get3A_1453] {strides = array<i32>} : memref<320x128xf32, #tpu.memory_space<vmem>>, vector<16xf32>,
        %add3A_1455 = arith.addf %add3A_1415, %get3A_1454 : vector<16xf32>
        %add3A_1456 = arith.constant 17 : i32
        %add3A_1457 = arith.addi %mul3A_757, %add3A_1456 : i32
        %get3A_1458 = arith.constant 0 : i32
        %get3A_1459 = arith.constant 0 : i32
        %get3A_1460 = tpu.memref_slice %arg13[%scan3A_292, %get3A_1458, %get3A_1459] : memref<2x320x128xf32, #tpu.memory_space<vmem>> -> memref<1x320x128xf32, #tpu.memory_space<vmem>>
        %get3A_1461 = tpu.memref_squeeze %get3A_1460 : memref<1x320x128xf32, #tpu.memory_space<vmem>> -> memref<320x128xf32, #tpu.memory_space<vmem>>
        %get3A_1462 = arith.index_cast %add3A_1457 : i32 to index
        %get3A_1463 = arith.constant 112 : index
        %get3A_1464 = tpu.vector_load %get3A_1461[%get3A_1462, %get3A_1463] {strides = array<i32>} : memref<320x128xf32, #tpu.memory_space<vmem>>, vector<16xf32>,
        %add3A_1465 = arith.addf %add3A_1425, %get3A_1464 : vector<16xf32>
        %add3A_1466 = arith.constant 18 : i32
        %add3A_1467 = arith.addi %mul3A_757, %add3A_1466 : i32
        %get3A_1468 = arith.constant 0 : i32
        %get3A_1469 = arith.constant 0 : i32
        %get3A_1470 = tpu.memref_slice %arg13[%scan3A_292, %get3A_1468, %get3A_1469] : memref<2x320x128xf32, #tpu.memory_space<vmem>> -> memref<1x320x128xf32, #tpu.memory_space<vmem>>
        %get3A_1471 = tpu.memref_squeeze %get3A_1470 : memref<1x320x128xf32, #tpu.memory_space<vmem>> -> memref<320x128xf32, #tpu.memory_space<vmem>>
        %get3A_1472 = arith.index_cast %add3A_1467 : i32 to index
        %get3A_1473 = arith.constant 64 : index
        %get3A_1474 = tpu.vector_load %get3A_1471[%get3A_1472, %get3A_1473] {strides = array<i32>} : memref<320x128xf32, #tpu.memory_space<vmem>>, vector<16xf32>,
        %add3A_1475 = arith.addf %add3A_1435, %get3A_1474 : vector<16xf32>
        %add3A_1476 = arith.constant 18 : i32
        %add3A_1477 = arith.addi %mul3A_757, %add3A_1476 : i32
        %get3A_1478 = arith.constant 0 : i32
        %get3A_1479 = arith.constant 0 : i32
        %get3A_1480 = tpu.memref_slice %arg13[%scan3A_292, %get3A_1478, %get3A_1479] : memref<2x320x128xf32, #tpu.memory_space<vmem>> -> memref<1x320x128xf32, #tpu.memory_space<vmem>>
        %get3A_1481 = tpu.memref_squeeze %get3A_1480 : memref<1x320x128xf32, #tpu.memory_space<vmem>> -> memref<320x128xf32, #tpu.memory_space<vmem>>
        %get3A_1482 = arith.index_cast %add3A_1477 : i32 to index
        %get3A_1483 = arith.constant 80 : index
        %get3A_1484 = tpu.vector_load %get3A_1481[%get3A_1482, %get3A_1483] {strides = array<i32>} : memref<320x128xf32, #tpu.memory_space<vmem>>, vector<16xf32>,
        %add3A_1485 = arith.addf %add3A_1445, %get3A_1484 : vector<16xf32>
        %add3A_1486 = arith.constant 18 : i32
        %add3A_1487 = arith.addi %mul3A_757, %add3A_1486 : i32
        %get3A_1488 = arith.constant 0 : i32
        %get3A_1489 = arith.constant 0 : i32
        %get3A_1490 = tpu.memref_slice %arg13[%scan3A_292, %get3A_1488, %get3A_1489] : memref<2x320x128xf32, #tpu.memory_space<vmem>> -> memref<1x320x128xf32, #tpu.memory_space<vmem>>
        %get3A_1491 = tpu.memref_squeeze %get3A_1490 : memref<1x320x128xf32, #tpu.memory_space<vmem>> -> memref<320x128xf32, #tpu.memory_space<vmem>>
        %get3A_1492 = arith.index_cast %add3A_1487 : i32 to index
        %get3A_1493 = arith.constant 96 : index
        %get3A_1494 = tpu.vector_load %get3A_1491[%get3A_1492, %get3A_1493] {strides = array<i32>} : memref<320x128xf32, #tpu.memory_space<vmem>>, vector<16xf32>,
        %add3A_1495 = arith.addf %add3A_1455, %get3A_1494 : vector<16xf32>
        %add3A_1496 = arith.constant 18 : i32
        %add3A_1497 = arith.addi %mul3A_757, %add3A_1496 : i32
        %get3A_1498 = arith.constant 0 : i32
        %get3A_1499 = arith.constant 0 : i32
        %get3A_1500 = tpu.memref_slice %arg13[%scan3A_292, %get3A_1498, %get3A_1499] : memref<2x320x128xf32, #tpu.memory_space<vmem>> -> memref<1x320x128xf32, #tpu.memory_space<vmem>>
        %get3A_1501 = tpu.memref_squeeze %get3A_1500 : memref<1x320x128xf32, #tpu.memory_space<vmem>> -> memref<320x128xf32, #tpu.memory_space<vmem>>
        %get3A_1502 = arith.index_cast %add3A_1497 : i32 to index
        %get3A_1503 = arith.constant 112 : index
        %get3A_1504 = tpu.vector_load %get3A_1501[%get3A_1502, %get3A_1503] {strides = array<i32>} : memref<320x128xf32, #tpu.memory_space<vmem>>, vector<16xf32>,
        %add3A_1505 = arith.addf %add3A_1465, %get3A_1504 : vector<16xf32>
        %add3A_1506 = arith.constant 19 : i32
        %add3A_1507 = arith.addi %mul3A_757, %add3A_1506 : i32
        %get3A_1508 = arith.constant 0 : i32
        %get3A_1509 = arith.constant 0 : i32
        %get3A_1510 = tpu.memref_slice %arg13[%scan3A_292, %get3A_1508, %get3A_1509] : memref<2x320x128xf32, #tpu.memory_space<vmem>> -> memref<1x320x128xf32, #tpu.memory_space<vmem>>
        %get3A_1511 = tpu.memref_squeeze %get3A_1510 : memref<1x320x128xf32, #tpu.memory_space<vmem>> -> memref<320x128xf32, #tpu.memory_space<vmem>>
        %get3A_1512 = arith.index_cast %add3A_1507 : i32 to index
        %get3A_1513 = arith.constant 64 : index
        %get3A_1514 = tpu.vector_load %get3A_1511[%get3A_1512, %get3A_1513] {strides = array<i32>} : memref<320x128xf32, #tpu.memory_space<vmem>>, vector<16xf32>,
        %add3A_1515 = arith.addf %add3A_1475, %get3A_1514 : vector<16xf32>
        %add3A_1516 = arith.constant 19 : i32
        %add3A_1517 = arith.addi %mul3A_757, %add3A_1516 : i32
        %get3A_1518 = arith.constant 0 : i32
        %get3A_1519 = arith.constant 0 : i32
        %get3A_1520 = tpu.memref_slice %arg13[%scan3A_292, %get3A_1518, %get3A_1519] : memref<2x320x128xf32, #tpu.memory_space<vmem>> -> memref<1x320x128xf32, #tpu.memory_space<vmem>>
        %get3A_1521 = tpu.memref_squeeze %get3A_1520 : memref<1x320x128xf32, #tpu.memory_space<vmem>> -> memref<320x128xf32, #tpu.memory_space<vmem>>
        %get3A_1522 = arith.index_cast %add3A_1517 : i32 to index
        %get3A_1523 = arith.constant 80 : index
        %get3A_1524 = tpu.vector_load %get3A_1521[%get3A_1522, %get3A_1523] {strides = array<i32>} : memref<320x128xf32, #tpu.memory_space<vmem>>, vector<16xf32>,
        %add3A_1525 = arith.addf %add3A_1485, %get3A_1524 : vector<16xf32>
        %add3A_1526 = arith.constant 19 : i32
        %add3A_1527 = arith.addi %mul3A_757, %add3A_1526 : i32
        %get3A_1528 = arith.constant 0 : i32
        %get3A_1529 = arith.constant 0 : i32
        %get3A_1530 = tpu.memref_slice %arg13[%scan3A_292, %get3A_1528, %get3A_1529] : memref<2x320x128xf32, #tpu.memory_space<vmem>> -> memref<1x320x128xf32, #tpu.memory_space<vmem>>
        %get3A_1531 = tpu.memref_squeeze %get3A_1530 : memref<1x320x128xf32, #tpu.memory_space<vmem>> -> memref<320x128xf32, #tpu.memory_space<vmem>>
        %get3A_1532 = arith.index_cast %add3A_1527 : i32 to index
        %get3A_1533 = arith.constant 96 : index
        %get3A_1534 = tpu.vector_load %get3A_1531[%get3A_1532, %get3A_1533] {strides = array<i32>} : memref<320x128xf32, #tpu.memory_space<vmem>>, vector<16xf32>,
        %add3A_1535 = arith.addf %add3A_1495, %get3A_1534 : vector<16xf32>
        %add3A_1536 = arith.constant 19 : i32
        %add3A_1537 = arith.addi %mul3A_757, %add3A_1536 : i32
        %get3A_1538 = arith.constant 0 : i32
        %get3A_1539 = arith.constant 0 : i32
        %get3A_1540 = tpu.memref_slice %arg13[%scan3A_292, %get3A_1538, %get3A_1539] : memref<2x320x128xf32, #tpu.memory_space<vmem>> -> memref<1x320x128xf32, #tpu.memory_space<vmem>>
        %get3A_1541 = tpu.memref_squeeze %get3A_1540 : memref<1x320x128xf32, #tpu.memory_space<vmem>> -> memref<320x128xf32, #tpu.memory_space<vmem>>
        %get3A_1542 = arith.index_cast %add3A_1537 : i32 to index
        %get3A_1543 = arith.constant 112 : index
        %get3A_1544 = tpu.vector_load %get3A_1541[%get3A_1542, %get3A_1543] {strides = array<i32>} : memref<320x128xf32, #tpu.memory_space<vmem>>, vector<16xf32>,
        %add3A_1545 = arith.addf %add3A_1505, %get3A_1544 : vector<16xf32>
        %mul3A_1546 = arith.mulf %get3A_699, %add3A_1515 : vector<16xf32>
        %mul3A_1547 = arith.mulf %get3A_706, %add3A_1525 : vector<16xf32>
        %add3A_1548 = arith.addf %mul3A_1546, %mul3A_1547 : vector<16xf32>
        %mul3A_1549 = arith.mulf %get3A_713, %add3A_1535 : vector<16xf32>
        %add3A_1550 = arith.addf %add3A_1548, %mul3A_1549 : vector<16xf32>
        %mul3A_1551 = arith.mulf %get3A_720, %add3A_1545 : vector<16xf32>
        %add3A_1552 = arith.addf %add3A_1550, %mul3A_1551 : vector<16xf32>
        %swap3A_1553 = arith.index_cast %scan3A_693 : i32 to index
        %swap3A_1554 = arith.constant 0 : index
        %swap3A_1555 = tpu.vector_load %arg14[%swap3A_1553, %swap3A_1554] {strides = array<i32>} : memref<16x16xf32, #tpu.memory_space<vmem>>, vector<16xf32>,
        tpu.vector_store %arg14[%swap3A_1553, %swap3A_1554], %add3A_755 {strides = array<i32>} : memref<16x16xf32, #tpu.memory_space<vmem>>, vector<16xf32>,
        %swap3A_1556 = arith.index_cast %scan3A_693 : i32 to index
        %swap3A_1557 = arith.constant 0 : index
        %swap3A_1558 = tpu.vector_load %arg15[%swap3A_1556, %swap3A_1557] {strides = array<i32>} : memref<16x16xf32, #tpu.memory_space<vmem>>, vector<16xf32>,
        tpu.vector_store %arg15[%swap3A_1556, %swap3A_1557], %add3A_1552 {strides = array<i32>} : memref<16x16xf32, #tpu.memory_space<vmem>>, vector<16xf32>,
      }
      %scan3A_297 = arith.constant 16 : i32
      %broadcast_in_dim3A = arith.constant 0.000000e+00 : f32
      %broadcast_in_dim3A_298 = vector.broadcast %broadcast_in_dim3A : f32 to vector<16xf32>
      %broadcast_in_dim3A_299 = arith.constant 0.000000e+00 : f32
      %broadcast_in_dim3A_300 = vector.broadcast %broadcast_in_dim3A_299 : f32 to vector<16xf32>
      %broadcast_in_dim3A_301 = arith.constant 0 : i32
      %broadcast_in_dim3A_302 = vector.broadcast %broadcast_in_dim3A_301 : i32 to vector<16xi32>
      %gather3A = tpu.vector_load_idx %arg14[%iota3A, %broadcast_in_dim3A_302] : memref<16x16xf32, #tpu.memory_space<vmem>>[vector<16xi32>, vector<16xi32>], vector<16xf32>,
      %add3A_303 = arith.addf %broadcast_in_dim3A_298, %gather3A : vector<16xf32>
      %gather3A_304 = tpu.vector_load_idx %arg15[%iota3A, %broadcast_in_dim3A_302] : memref<16x16xf32, #tpu.memory_space<vmem>>[vector<16xi32>, vector<16xi32>], vector<16xf32>,
      %add3A_305 = arith.addf %broadcast_in_dim3A_300, %gather3A_304 : vector<16xf32>
      %broadcast_in_dim3A_306 = arith.constant 1 : i32
      %broadcast_in_dim3A_307 = vector.broadcast %broadcast_in_dim3A_306 : i32 to vector<16xi32>
      %gather3A_308 = tpu.vector_load_idx %arg14[%iota3A, %broadcast_in_dim3A_307] : memref<16x16xf32, #tpu.memory_space<vmem>>[vector<16xi32>, vector<16xi32>], vector<16xf32>,
      %add3A_309 = arith.addf %add3A_303, %gather3A_308 : vector<16xf32>
      %gather3A_310 = tpu.vector_load_idx %arg15[%iota3A, %broadcast_in_dim3A_307] : memref<16x16xf32, #tpu.memory_space<vmem>>[vector<16xi32>, vector<16xi32>], vector<16xf32>,
      %add3A_311 = arith.addf %add3A_305, %gather3A_310 : vector<16xf32>
      %broadcast_in_dim3A_312 = arith.constant 2 : i32
      %broadcast_in_dim3A_313 = vector.broadcast %broadcast_in_dim3A_312 : i32 to vector<16xi32>
      %gather3A_314 = tpu.vector_load_idx %arg14[%iota3A, %broadcast_in_dim3A_313] : memref<16x16xf32, #tpu.memory_space<vmem>>[vector<16xi32>, vector<16xi32>], vector<16xf32>,
      %add3A_315 = arith.addf %add3A_309, %gather3A_314 : vector<16xf32>
      %gather3A_316 = tpu.vector_load_idx %arg15[%iota3A, %broadcast_in_dim3A_313] : memref<16x16xf32, #tpu.memory_space<vmem>>[vector<16xi32>, vector<16xi32>], vector<16xf32>,
      %add3A_317 = arith.addf %add3A_311, %gather3A_316 : vector<16xf32>
      %broadcast_in_dim3A_318 = arith.constant 3 : i32
      %broadcast_in_dim3A_319 = vector.broadcast %broadcast_in_dim3A_318 : i32 to vector<16xi32>
      %gather3A_320 = tpu.vector_load_idx %arg14[%iota3A, %broadcast_in_dim3A_319] : memref<16x16xf32, #tpu.memory_space<vmem>>[vector<16xi32>, vector<16xi32>], vector<16xf32>,
      %add3A_321 = arith.addf %add3A_315, %gather3A_320 : vector<16xf32>
      %gather3A_322 = tpu.vector_load_idx %arg15[%iota3A, %broadcast_in_dim3A_319] : memref<16x16xf32, #tpu.memory_space<vmem>>[vector<16xi32>, vector<16xi32>], vector<16xf32>,
      %add3A_323 = arith.addf %add3A_317, %gather3A_322 : vector<16xf32>
      %broadcast_in_dim3A_324 = arith.constant 4 : i32
      %broadcast_in_dim3A_325 = vector.broadcast %broadcast_in_dim3A_324 : i32 to vector<16xi32>
      %gather3A_326 = tpu.vector_load_idx %arg14[%iota3A, %broadcast_in_dim3A_325] : memref<16x16xf32, #tpu.memory_space<vmem>>[vector<16xi32>, vector<16xi32>], vector<16xf32>,
      %add3A_327 = arith.addf %add3A_321, %gather3A_326 : vector<16xf32>
      %gather3A_328 = tpu.vector_load_idx %arg15[%iota3A, %broadcast_in_dim3A_325] : memref<16x16xf32, #tpu.memory_space<vmem>>[vector<16xi32>, vector<16xi32>], vector<16xf32>,
      %add3A_329 = arith.addf %add3A_323, %gather3A_328 : vector<16xf32>
      %broadcast_in_dim3A_330 = arith.constant 5 : i32
      %broadcast_in_dim3A_331 = vector.broadcast %broadcast_in_dim3A_330 : i32 to vector<16xi32>
      %gather3A_332 = tpu.vector_load_idx %arg14[%iota3A, %broadcast_in_dim3A_331] : memref<16x16xf32, #tpu.memory_space<vmem>>[vector<16xi32>, vector<16xi32>], vector<16xf32>,
      %add3A_333 = arith.addf %add3A_327, %gather3A_332 : vector<16xf32>
      %gather3A_334 = tpu.vector_load_idx %arg15[%iota3A, %broadcast_in_dim3A_331] : memref<16x16xf32, #tpu.memory_space<vmem>>[vector<16xi32>, vector<16xi32>], vector<16xf32>,
      %add3A_335 = arith.addf %add3A_329, %gather3A_334 : vector<16xf32>
      %broadcast_in_dim3A_336 = arith.constant 6 : i32
      %broadcast_in_dim3A_337 = vector.broadcast %broadcast_in_dim3A_336 : i32 to vector<16xi32>
      %gather3A_338 = tpu.vector_load_idx %arg14[%iota3A, %broadcast_in_dim3A_337] : memref<16x16xf32, #tpu.memory_space<vmem>>[vector<16xi32>, vector<16xi32>], vector<16xf32>,
      %add3A_339 = arith.addf %add3A_333, %gather3A_338 : vector<16xf32>
      %gather3A_340 = tpu.vector_load_idx %arg15[%iota3A, %broadcast_in_dim3A_337] : memref<16x16xf32, #tpu.memory_space<vmem>>[vector<16xi32>, vector<16xi32>], vector<16xf32>,
      %add3A_341 = arith.addf %add3A_335, %gather3A_340 : vector<16xf32>
      %broadcast_in_dim3A_342 = arith.constant 7 : i32
      %broadcast_in_dim3A_343 = vector.broadcast %broadcast_in_dim3A_342 : i32 to vector<16xi32>
      %gather3A_344 = tpu.vector_load_idx %arg14[%iota3A, %broadcast_in_dim3A_343] : memref<16x16xf32, #tpu.memory_space<vmem>>[vector<16xi32>, vector<16xi32>], vector<16xf32>,
      %add3A_345 = arith.addf %add3A_339, %gather3A_344 : vector<16xf32>
      %gather3A_346 = tpu.vector_load_idx %arg15[%iota3A, %broadcast_in_dim3A_343] : memref<16x16xf32, #tpu.memory_space<vmem>>[vector<16xi32>, vector<16xi32>], vector<16xf32>,
      %add3A_347 = arith.addf %add3A_341, %gather3A_346 : vector<16xf32>
      %broadcast_in_dim3A_348 = arith.constant 8 : i32
      %broadcast_in_dim3A_349 = vector.broadcast %broadcast_in_dim3A_348 : i32 to vector<16xi32>
      %gather3A_350 = tpu.vector_load_idx %arg14[%iota3A, %broadcast_in_dim3A_349] : memref<16x16xf32, #tpu.memory_space<vmem>>[vector<16xi32>, vector<16xi32>], vector<16xf32>,
      %add3A_351 = arith.addf %add3A_345, %gather3A_350 : vector<16xf32>
      %gather3A_352 = tpu.vector_load_idx %arg15[%iota3A, %broadcast_in_dim3A_349] : memref<16x16xf32, #tpu.memory_space<vmem>>[vector<16xi32>, vector<16xi32>], vector<16xf32>,
      %add3A_353 = arith.addf %add3A_347, %gather3A_352 : vector<16xf32>
      %broadcast_in_dim3A_354 = arith.constant 9 : i32
      %broadcast_in_dim3A_355 = vector.broadcast %broadcast_in_dim3A_354 : i32 to vector<16xi32>
      %gather3A_356 = tpu.vector_load_idx %arg14[%iota3A, %broadcast_in_dim3A_355] : memref<16x16xf32, #tpu.memory_space<vmem>>[vector<16xi32>, vector<16xi32>], vector<16xf32>,
      %add3A_357 = arith.addf %add3A_351, %gather3A_356 : vector<16xf32>
      %gather3A_358 = tpu.vector_load_idx %arg15[%iota3A, %broadcast_in_dim3A_355] : memref<16x16xf32, #tpu.memory_space<vmem>>[vector<16xi32>, vector<16xi32>], vector<16xf32>,
      %add3A_359 = arith.addf %add3A_353, %gather3A_358 : vector<16xf32>
      %broadcast_in_dim3A_360 = arith.constant 10 : i32
      %broadcast_in_dim3A_361 = vector.broadcast %broadcast_in_dim3A_360 : i32 to vector<16xi32>
      %gather3A_362 = tpu.vector_load_idx %arg14[%iota3A, %broadcast_in_dim3A_361] : memref<16x16xf32, #tpu.memory_space<vmem>>[vector<16xi32>, vector<16xi32>], vector<16xf32>,
      %add3A_363 = arith.addf %add3A_357, %gather3A_362 : vector<16xf32>
      %gather3A_364 = tpu.vector_load_idx %arg15[%iota3A, %broadcast_in_dim3A_361] : memref<16x16xf32, #tpu.memory_space<vmem>>[vector<16xi32>, vector<16xi32>], vector<16xf32>,
      %add3A_365 = arith.addf %add3A_359, %gather3A_364 : vector<16xf32>
      %broadcast_in_dim3A_366 = arith.constant 11 : i32
      %broadcast_in_dim3A_367 = vector.broadcast %broadcast_in_dim3A_366 : i32 to vector<16xi32>
      %gather3A_368 = tpu.vector_load_idx %arg14[%iota3A, %broadcast_in_dim3A_367] : memref<16x16xf32, #tpu.memory_space<vmem>>[vector<16xi32>, vector<16xi32>], vector<16xf32>,
      %add3A_369 = arith.addf %add3A_363, %gather3A_368 : vector<16xf32>
      %gather3A_370 = tpu.vector_load_idx %arg15[%iota3A, %broadcast_in_dim3A_367] : memref<16x16xf32, #tpu.memory_space<vmem>>[vector<16xi32>, vector<16xi32>], vector<16xf32>,
      %add3A_371 = arith.addf %add3A_365, %gather3A_370 : vector<16xf32>
      %broadcast_in_dim3A_372 = arith.constant 12 : i32
      %broadcast_in_dim3A_373 = vector.broadcast %broadcast_in_dim3A_372 : i32 to vector<16xi32>
      %gather3A_374 = tpu.vector_load_idx %arg14[%iota3A, %broadcast_in_dim3A_373] : memref<16x16xf32, #tpu.memory_space<vmem>>[vector<16xi32>, vector<16xi32>], vector<16xf32>,
      %add3A_375 = arith.addf %add3A_369, %gather3A_374 : vector<16xf32>
      %gather3A_376 = tpu.vector_load_idx %arg15[%iota3A, %broadcast_in_dim3A_373] : memref<16x16xf32, #tpu.memory_space<vmem>>[vector<16xi32>, vector<16xi32>], vector<16xf32>,
      %add3A_377 = arith.addf %add3A_371, %gather3A_376 : vector<16xf32>
      %broadcast_in_dim3A_378 = arith.constant 13 : i32
      %broadcast_in_dim3A_379 = vector.broadcast %broadcast_in_dim3A_378 : i32 to vector<16xi32>
      %gather3A_380 = tpu.vector_load_idx %arg14[%iota3A, %broadcast_in_dim3A_379] : memref<16x16xf32, #tpu.memory_space<vmem>>[vector<16xi32>, vector<16xi32>], vector<16xf32>,
      %add3A_381 = arith.addf %add3A_375, %gather3A_380 : vector<16xf32>
      %gather3A_382 = tpu.vector_load_idx %arg15[%iota3A, %broadcast_in_dim3A_379] : memref<16x16xf32, #tpu.memory_space<vmem>>[vector<16xi32>, vector<16xi32>], vector<16xf32>,
      %add3A_383 = arith.addf %add3A_377, %gather3A_382 : vector<16xf32>
      %broadcast_in_dim3A_384 = arith.constant 14 : i32
      %broadcast_in_dim3A_385 = vector.broadcast %broadcast_in_dim3A_384 : i32 to vector<16xi32>
      %gather3A_386 = tpu.vector_load_idx %arg14[%iota3A, %broadcast_in_dim3A_385] : memref<16x16xf32, #tpu.memory_space<vmem>>[vector<16xi32>, vector<16xi32>], vector<16xf32>,
      %add3A_387 = arith.addf %add3A_381, %gather3A_386 : vector<16xf32>
      %gather3A_388 = tpu.vector_load_idx %arg15[%iota3A, %broadcast_in_dim3A_385] : memref<16x16xf32, #tpu.memory_space<vmem>>[vector<16xi32>, vector<16xi32>], vector<16xf32>,
      %add3A_389 = arith.addf %add3A_383, %gather3A_388 : vector<16xf32>
      %broadcast_in_dim3A_390 = arith.constant 15 : i32
      %broadcast_in_dim3A_391 = vector.broadcast %broadcast_in_dim3A_390 : i32 to vector<16xi32>
      %gather3A_392 = tpu.vector_load_idx %arg14[%iota3A, %broadcast_in_dim3A_391] : memref<16x16xf32, #tpu.memory_space<vmem>>[vector<16xi32>, vector<16xi32>], vector<16xf32>,
      %add3A_393 = arith.addf %add3A_387, %gather3A_392 : vector<16xf32>
      %gather3A_394 = tpu.vector_load_idx %arg15[%iota3A, %broadcast_in_dim3A_391] : memref<16x16xf32, #tpu.memory_space<vmem>>[vector<16xi32>, vector<16xi32>], vector<16xf32>,
      %add3A_395 = arith.addf %add3A_389, %gather3A_394 : vector<16xf32>
      %mul3A_396 = arith.constant 16 : i32
      %mul3A_397 = arith.muli %mul3A_99, %mul3A_396 : i32
      %jit3A = arith.constant 128 : i32
      %div3A = arith.divsi %mul3A_397, %jit3A : i32
      %sign3A = arith.constant 0 : i32
      %sign3A_398 = arith.cmpi sgt, %mul3A_397, %sign3A : i32
      %sign3A_399 = arith.extui %sign3A_398 : i1 to i32
      %sign3A_400 = arith.constant 0 : i32
      %sign3A_401 = arith.cmpi slt, %mul3A_397, %sign3A_400 : i32
      %sign3A_402 = arith.extui %sign3A_401 : i1 to i32
      %sign3A_403 = arith.subi %sign3A_399, %sign3A_402 : i32
      %sign3A_404 = arith.constant 0 : i32
      %sign3A_405 = arith.cmpi sgt, %jit3A, %sign3A_404 : i32
      %sign3A_406 = arith.extui %sign3A_405 : i1 to i32
      %sign3A_407 = arith.constant 0 : i32
      %sign3A_408 = arith.cmpi slt, %jit3A, %sign3A_407 : i32
      %sign3A_409 = arith.extui %sign3A_408 : i1 to i32
      %sign3A_410 = arith.subi %sign3A_406, %sign3A_409 : i32
      %ne3A = arith.cmpi ne, %sign3A_403, %sign3A_410 : i32
      %rem3A = arith.remsi %mul3A_397, %jit3A : i32
      %ne3A_411 = arith.constant 0 : i32
      %ne3A_412 = arith.cmpi ne, %rem3A, %ne3A_411 : i32
      %and3A = arith.andi %ne3A, %ne3A_412 : i1
      %sub3A = arith.constant 1 : i32
      %sub3A_413 = arith.subi %div3A, %sub3A : i32
      %select_n3A = arith.select %and3A, %sub3A_413, %div3A : i32
      %jit3A_414 = arith.constant 128 : i32
      %eq3A = arith.constant 0 : i32
      %eq3A_415 = arith.cmpi eq, %jit3A_414, %eq3A : i32
      %jit3A_416 = arith.constant 1 : i32
      %select_n3A_417 = arith.select %eq3A_415, %jit3A_416, %jit3A_414 : i32
      %rem3A_418 = arith.remsi %mul3A_397, %select_n3A_417 : i32
      %ne3A_419 = arith.constant 0 : i32
      %ne3A_420 = arith.cmpi ne, %rem3A_418, %ne3A_419 : i32
      %lt3A = arith.constant 0 : i32
      %lt3A_421 = arith.cmpi slt, %rem3A_418, %lt3A : i32
      %lt3A_422 = arith.constant 0 : i32
      %lt3A_423 = arith.cmpi slt, %select_n3A_417, %lt3A_422 : i32
      %ne3A_424 = arith.xori %lt3A_421, %lt3A_423 : i1
      %and3A_425 = arith.andi %ne3A_424, %ne3A_420 : i1
      %add3A_426 = arith.addi %rem3A_418, %select_n3A_417 : i32
      %select_n3A_427 = arith.select %and3A_425, %add3A_426, %rem3A_418 : i32
      %swap3A = arith.index_cast %select_n3A : i32 to index
      %swap3A_428 = arith.index_cast %select_n3A_427 : i32 to index
      %swap3A_429 = tpu.vector_load %arg16[%swap3A, %swap3A_428] {strides = array<i32>} : memref<4x128xf32, #tpu.memory_space<vmem>>, vector<16xf32>,
      tpu.vector_store %arg16[%swap3A, %swap3A_428], %add3A_393 {strides = array<i32>} : memref<4x128xf32, #tpu.memory_space<vmem>>, vector<16xf32>,
      %swap3A_430 = arith.index_cast %select_n3A : i32 to index
      %swap3A_431 = arith.index_cast %select_n3A_427 : i32 to index
      %swap3A_432 = tpu.vector_load %arg17[%swap3A_430, %swap3A_431] {strides = array<i32>} : memref<4x128xf32, #tpu.memory_space<vmem>>, vector<16xf32>,
      tpu.vector_store %arg17[%swap3A_430, %swap3A_431], %add3A_395 {strides = array<i32>} : memref<4x128xf32, #tpu.memory_space<vmem>>, vector<16xf32>,
      %add3A_433 = arith.constant 2 : i32
      %add3A_434 = arith.addi %mul3A_99, %add3A_433 : i32
      %lt3A_435 = arith.constant 32 : i32
      %lt3A_436 = arith.cmpi slt, %add3A_434, %lt3A_435 : i32
      %convert_element_type3A = arith.extui %lt3A_436 : i1 to i32
      %cond3A = arith.constant 0 : i32
      %cond3A_437 = arith.cmpi ne, %convert_element_type3A, %cond3A : i32
      scf.if %cond3A_437 {
        %add3A_693 = arith.constant 2 : i32
        %add3A_694 = arith.addi %mul3A_99, %add3A_693 : i32
        %dma_start3A_695 = arith.constant 0 : i32
        %dma_start3A_696 = arith.constant 0 : i32
        %dma_start3A_697 = arith.constant 0 : i32
        %dma_start3A_698 = tpu.memref_slice %arg11[%dma_start3A_695, %dma_start3A_696, %dma_start3A_697] : memref<2x16x128xf32, #tpu.memory_space<vmem>> -> memref<1x16x128xf32, #tpu.memory_space<vmem>>
        %dma_start3A_699 = tpu.memref_squeeze %dma_start3A_698 : memref<1x16x128xf32, #tpu.memory_space<vmem>> -> memref<16x128xf32, #tpu.memory_space<vmem>>
        %dma_start3A_700 = arith.constant 0 : i32
        %dma_start3A_701 = tpu.memref_slice %arg8[%add3A_694, %dma_start3A_700] : memref<32x16xi32, #tpu.memory_space<vmem>> -> memref<1x16xi32, #tpu.memory_space<vmem>>
        %dma_start3A_702 = tpu.memref_squeeze %dma_start3A_701 : memref<1x16xi32, #tpu.memory_space<vmem>> -> memref<16xi32, #tpu.memory_space<vmem>>
        %dma_start3A_703 = arith.constant 0 : i32
        %dma_start3A_704 = arith.constant 0 : i32
        %dma_start3A_705 = tpu.memref_slice %arg5[%dma_start3A_703, %dma_start3A_704] : memref<1000000x128xf32, #tpu.memory_space<hbm>> -> memref<1000000x128xf32, #tpu.memory_space<hbm>>
        tpu.enqueue_indirect_dma source(%dma_start3A_705 : memref<1000000x128xf32, #tpu.memory_space<hbm>>) target(%dma_start3A_699 : memref<16x128xf32, #tpu.memory_space<vmem>>) offsets(%dma_start3A_702 : memref<16xi32, #tpu.memory_space<vmem>>) semaphore(%arg18 : memref<!tpu.dma_semaphore, #tpu.memory_space<semaphore_mem>>)
        %dma_start3A_706 = arith.constant 0 : i32
        %dma_start3A_707 = arith.constant 0 : i32
        %dma_start3A_708 = arith.constant 0 : i32
        %dma_start3A_709 = tpu.memref_slice %arg12[%dma_start3A_706, %dma_start3A_707, %dma_start3A_708] : memref<2x16x128xf32, #tpu.memory_space<vmem>> -> memref<1x16x128xf32, #tpu.memory_space<vmem>>
        %dma_start3A_710 = tpu.memref_squeeze %dma_start3A_709 : memref<1x16x128xf32, #tpu.memory_space<vmem>> -> memref<16x128xf32, #tpu.memory_space<vmem>>
        %dma_start3A_711 = arith.constant 0 : i32
        %dma_start3A_712 = tpu.memref_slice %arg9[%add3A_694, %dma_start3A_711] : memref<32x16xi32, #tpu.memory_space<vmem>> -> memref<1x16xi32, #tpu.memory_space<vmem>>
        %dma_start3A_713 = tpu.memref_squeeze %dma_start3A_712 : memref<1x16xi32, #tpu.memory_space<vmem>> -> memref<16xi32, #tpu.memory_space<vmem>>
        %dma_start3A_714 = arith.constant 0 : i32
        %dma_start3A_715 = arith.constant 0 : i32
        %dma_start3A_716 = tpu.memref_slice %arg5[%dma_start3A_714, %dma_start3A_715] : memref<1000000x128xf32, #tpu.memory_space<hbm>> -> memref<1000000x128xf32, #tpu.memory_space<hbm>>
        tpu.enqueue_indirect_dma source(%dma_start3A_716 : memref<1000000x128xf32, #tpu.memory_space<hbm>>) target(%dma_start3A_710 : memref<16x128xf32, #tpu.memory_space<vmem>>) offsets(%dma_start3A_713 : memref<16xi32, #tpu.memory_space<vmem>>) semaphore(%arg18 : memref<!tpu.dma_semaphore, #tpu.memory_space<semaphore_mem>>)
        %mul3A_717 = arith.constant 4 : i32
        %mul3A_718 = arith.muli %add3A_694, %mul3A_717 : i32
        %add3A_719 = arith.constant 0 : i32
        %add3A_720 = arith.addi %mul3A_718, %add3A_719 : i32
        %dma_start3A_721 = arith.constant 0 : i32
        %dma_start3A_722 = arith.constant 0 : i32
        %dma_start3A_723 = arith.constant 0 : i32
        %dma_start3A_724 = tpu.memref_slice %arg13[%dma_start3A_721, %dma_start3A_722, %dma_start3A_723] : memref<2x320x128xf32, #tpu.memory_space<vmem>> -> memref<1x320x128xf32, #tpu.memory_space<vmem>>
        %dma_start3A_725 = tpu.memref_squeeze %dma_start3A_724 : memref<1x320x128xf32, #tpu.memory_space<vmem>> -> memref<320x128xf32, #tpu.memory_space<vmem>>
        %dma_start3A_726 = arith.constant 0 : i32
        %dma_start3A_727 = arith.constant 0 : i32
        %dma_start3A_728 = tpu.memref_slice %dma_start3A_725[%dma_start3A_726, %dma_start3A_727] : memref<320x128xf32, #tpu.memory_space<vmem>> -> memref<80x128xf32, #tpu.memory_space<vmem>>
        %dma_start3A_729 = arith.constant 0 : i32
        %dma_start3A_730 = tpu.memref_slice %arg10[%add3A_720, %dma_start3A_729] : memref<128x80xi32, #tpu.memory_space<vmem>> -> memref<1x80xi32, #tpu.memory_space<vmem>>
        %dma_start3A_731 = tpu.memref_squeeze %dma_start3A_730 : memref<1x80xi32, #tpu.memory_space<vmem>> -> memref<80xi32, #tpu.memory_space<vmem>>
        %dma_start3A_732 = arith.constant 0 : i32
        %dma_start3A_733 = arith.constant 0 : i32
        %dma_start3A_734 = tpu.memref_slice %arg5[%dma_start3A_732, %dma_start3A_733] : memref<1000000x128xf32, #tpu.memory_space<hbm>> -> memref<1000000x128xf32, #tpu.memory_space<hbm>>
        tpu.enqueue_indirect_dma source(%dma_start3A_734 : memref<1000000x128xf32, #tpu.memory_space<hbm>>) target(%dma_start3A_728 : memref<80x128xf32, #tpu.memory_space<vmem>>) offsets(%dma_start3A_731 : memref<80xi32, #tpu.memory_space<vmem>>) semaphore(%arg18 : memref<!tpu.dma_semaphore, #tpu.memory_space<semaphore_mem>>)
        %mul3A_735 = arith.constant 4 : i32
        %mul3A_736 = arith.muli %add3A_694, %mul3A_735 : i32
        %add3A_737 = arith.constant 1 : i32
        %add3A_738 = arith.addi %mul3A_736, %add3A_737 : i32
        %dma_start3A_739 = arith.constant 0 : i32
        %dma_start3A_740 = arith.constant 0 : i32
        %dma_start3A_741 = arith.constant 0 : i32
        %dma_start3A_742 = tpu.memref_slice %arg13[%dma_start3A_739, %dma_start3A_740, %dma_start3A_741] : memref<2x320x128xf32, #tpu.memory_space<vmem>> -> memref<1x320x128xf32, #tpu.memory_space<vmem>>
        %dma_start3A_743 = tpu.memref_squeeze %dma_start3A_742 : memref<1x320x128xf32, #tpu.memory_space<vmem>> -> memref<320x128xf32, #tpu.memory_space<vmem>>
        %dma_start3A_744 = arith.constant 80 : i32
        %dma_start3A_745 = arith.constant 0 : i32
        %dma_start3A_746 = tpu.memref_slice %dma_start3A_743[%dma_start3A_744, %dma_start3A_745] : memref<320x128xf32, #tpu.memory_space<vmem>> -> memref<80x128xf32, #tpu.memory_space<vmem>>
        %dma_start3A_747 = arith.constant 0 : i32
        %dma_start3A_748 = tpu.memref_slice %arg10[%add3A_738, %dma_start3A_747] : memref<128x80xi32, #tpu.memory_space<vmem>> -> memref<1x80xi32, #tpu.memory_space<vmem>>
        %dma_start3A_749 = tpu.memref_squeeze %dma_start3A_748 : memref<1x80xi32, #tpu.memory_space<vmem>> -> memref<80xi32, #tpu.memory_space<vmem>>
        %dma_start3A_750 = arith.constant 0 : i32
        %dma_start3A_751 = arith.constant 0 : i32
        %dma_start3A_752 = tpu.memref_slice %arg5[%dma_start3A_750, %dma_start3A_751] : memref<1000000x128xf32, #tpu.memory_space<hbm>> -> memref<1000000x128xf32, #tpu.memory_space<hbm>>
        tpu.enqueue_indirect_dma source(%dma_start3A_752 : memref<1000000x128xf32, #tpu.memory_space<hbm>>) target(%dma_start3A_746 : memref<80x128xf32, #tpu.memory_space<vmem>>) offsets(%dma_start3A_749 : memref<80xi32, #tpu.memory_space<vmem>>) semaphore(%arg18 : memref<!tpu.dma_semaphore, #tpu.memory_space<semaphore_mem>>)
        %mul3A_753 = arith.constant 4 : i32
        %mul3A_754 = arith.muli %add3A_694, %mul3A_753 : i32
        %add3A_755 = arith.constant 2 : i32
        %add3A_756 = arith.addi %mul3A_754, %add3A_755 : i32
        %dma_start3A_757 = arith.constant 0 : i32
        %dma_start3A_758 = arith.constant 0 : i32
        %dma_start3A_759 = arith.constant 0 : i32
        %dma_start3A_760 = tpu.memref_slice %arg13[%dma_start3A_757, %dma_start3A_758, %dma_start3A_759] : memref<2x320x128xf32, #tpu.memory_space<vmem>> -> memref<1x320x128xf32, #tpu.memory_space<vmem>>
        %dma_start3A_761 = tpu.memref_squeeze %dma_start3A_760 : memref<1x320x128xf32, #tpu.memory_space<vmem>> -> memref<320x128xf32, #tpu.memory_space<vmem>>
        %dma_start3A_762 = arith.constant 160 : i32
        %dma_start3A_763 = arith.constant 0 : i32
        %dma_start3A_764 = tpu.memref_slice %dma_start3A_761[%dma_start3A_762, %dma_start3A_763] : memref<320x128xf32, #tpu.memory_space<vmem>> -> memref<80x128xf32, #tpu.memory_space<vmem>>
        %dma_start3A_765 = arith.constant 0 : i32
        %dma_start3A_766 = tpu.memref_slice %arg10[%add3A_756, %dma_start3A_765] : memref<128x80xi32, #tpu.memory_space<vmem>> -> memref<1x80xi32, #tpu.memory_space<vmem>>
        %dma_start3A_767 = tpu.memref_squeeze %dma_start3A_766 : memref<1x80xi32, #tpu.memory_space<vmem>> -> memref<80xi32, #tpu.memory_space<vmem>>
        %dma_start3A_768 = arith.constant 0 : i32
        %dma_start3A_769 = arith.constant 0 : i32
        %dma_start3A_770 = tpu.memref_slice %arg5[%dma_start3A_768, %dma_start3A_769] : memref<1000000x128xf32, #tpu.memory_space<hbm>> -> memref<1000000x128xf32, #tpu.memory_space<hbm>>
        tpu.enqueue_indirect_dma source(%dma_start3A_770 : memref<1000000x128xf32, #tpu.memory_space<hbm>>) target(%dma_start3A_764 : memref<80x128xf32, #tpu.memory_space<vmem>>) offsets(%dma_start3A_767 : memref<80xi32, #tpu.memory_space<vmem>>) semaphore(%arg18 : memref<!tpu.dma_semaphore, #tpu.memory_space<semaphore_mem>>)
        %mul3A_771 = arith.constant 4 : i32
        %mul3A_772 = arith.muli %add3A_694, %mul3A_771 : i32
        %add3A_773 = arith.constant 3 : i32
        %add3A_774 = arith.addi %mul3A_772, %add3A_773 : i32
        %dma_start3A_775 = arith.constant 0 : i32
        %dma_start3A_776 = arith.constant 0 : i32
        %dma_start3A_777 = arith.constant 0 : i32
        %dma_start3A_778 = tpu.memref_slice %arg13[%dma_start3A_775, %dma_start3A_776, %dma_start3A_777] : memref<2x320x128xf32, #tpu.memory_space<vmem>> -> memref<1x320x128xf32, #tpu.memory_space<vmem>>
        %dma_start3A_779 = tpu.memref_squeeze %dma_start3A_778 : memref<1x320x128xf32, #tpu.memory_space<vmem>> -> memref<320x128xf32, #tpu.memory_space<vmem>>
        %dma_start3A_780 = arith.constant 240 : i32
        %dma_start3A_781 = arith.constant 0 : i32
        %dma_start3A_782 = tpu.memref_slice %dma_start3A_779[%dma_start3A_780, %dma_start3A_781] : memref<320x128xf32, #tpu.memory_space<vmem>> -> memref<80x128xf32, #tpu.memory_space<vmem>>
        %dma_start3A_783 = arith.constant 0 : i32
        %dma_start3A_784 = tpu.memref_slice %arg10[%add3A_774, %dma_start3A_783] : memref<128x80xi32, #tpu.memory_space<vmem>> -> memref<1x80xi32, #tpu.memory_space<vmem>>
        %dma_start3A_785 = tpu.memref_squeeze %dma_start3A_784 : memref<1x80xi32, #tpu.memory_space<vmem>> -> memref<80xi32, #tpu.memory_space<vmem>>
        %dma_start3A_786 = arith.constant 0 : i32
        %dma_start3A_787 = arith.constant 0 : i32
        %dma_start3A_788 = tpu.memref_slice %arg5[%dma_start3A_786, %dma_start3A_787] : memref<1000000x128xf32, #tpu.memory_space<hbm>> -> memref<1000000x128xf32, #tpu.memory_space<hbm>>
        tpu.enqueue_indirect_dma source(%dma_start3A_788 : memref<1000000x128xf32, #tpu.memory_space<hbm>>) target(%dma_start3A_782 : memref<80x128xf32, #tpu.memory_space<vmem>>) offsets(%dma_start3A_785 : memref<80xi32, #tpu.memory_space<vmem>>) semaphore(%arg18 : memref<!tpu.dma_semaphore, #tpu.memory_space<semaphore_mem>>)
      } else {
      }
      %add3A_438 = arith.constant 1 : i32
      %add3A_439 = arith.addi %mul3A_99, %add3A_438 : i32
      %dma_wait3A_440 = arith.constant 1 : i32
      %dma_wait3A_441 = arith.constant 0 : i32
      %dma_wait3A_442 = arith.constant 0 : i32
      %dma_wait3A_443 = tpu.memref_slice %arg11[%dma_wait3A_440, %dma_wait3A_441, %dma_wait3A_442] : memref<2x16x128xf32, #tpu.memory_space<vmem>> -> memref<1x16x128xf32, #tpu.memory_space<vmem>>
      %dma_wait3A_444 = tpu.memref_squeeze %dma_wait3A_443 : memref<1x16x128xf32, #tpu.memory_space<vmem>> -> memref<16x128xf32, #tpu.memory_space<vmem>>
      %dma_wait3A_445 = arith.constant 0 : i32
      %dma_wait3A_446 = tpu.memref_slice %arg8[%add3A_439, %dma_wait3A_445] : memref<32x16xi32, #tpu.memory_space<vmem>> -> memref<1x16xi32, #tpu.memory_space<vmem>>
      %dma_wait3A_447 = tpu.memref_squeeze %dma_wait3A_446 : memref<1x16xi32, #tpu.memory_space<vmem>> -> memref<16xi32, #tpu.memory_space<vmem>>
      %dma_wait3A_448 = arith.constant 0 : i32
      %dma_wait3A_449 = arith.constant 0 : i32
      %dma_wait3A_450 = tpu.memref_slice %arg5[%dma_wait3A_448, %dma_wait3A_449] : memref<1000000x128xf32, #tpu.memory_space<hbm>> -> memref<1000000x128xf32, #tpu.memory_space<hbm>>
      tpu.wait_indirect_dma semaphore(%arg19 : memref<!tpu.dma_semaphore, #tpu.memory_space<semaphore_mem>>) src(%dma_wait3A_450 : memref<1000000x128xf32, #tpu.memory_space<hbm>>) dst(%dma_wait3A_444 : memref<16x128xf32, #tpu.memory_space<vmem>>)
      %dma_wait3A_451 = arith.constant 1 : i32
      %dma_wait3A_452 = arith.constant 0 : i32
      %dma_wait3A_453 = arith.constant 0 : i32
      %dma_wait3A_454 = tpu.memref_slice %arg12[%dma_wait3A_451, %dma_wait3A_452, %dma_wait3A_453] : memref<2x16x128xf32, #tpu.memory_space<vmem>> -> memref<1x16x128xf32, #tpu.memory_space<vmem>>
      %dma_wait3A_455 = tpu.memref_squeeze %dma_wait3A_454 : memref<1x16x128xf32, #tpu.memory_space<vmem>> -> memref<16x128xf32, #tpu.memory_space<vmem>>
      %dma_wait3A_456 = arith.constant 0 : i32
      %dma_wait3A_457 = tpu.memref_slice %arg9[%add3A_439, %dma_wait3A_456] : memref<32x16xi32, #tpu.memory_space<vmem>> -> memref<1x16xi32, #tpu.memory_space<vmem>>
      %dma_wait3A_458 = tpu.memref_squeeze %dma_wait3A_457 : memref<1x16xi32, #tpu.memory_space<vmem>> -> memref<16xi32, #tpu.memory_space<vmem>>
      %dma_wait3A_459 = arith.constant 0 : i32
      %dma_wait3A_460 = arith.constant 0 : i32
      %dma_wait3A_461 = tpu.memref_slice %arg5[%dma_wait3A_459, %dma_wait3A_460] : memref<1000000x128xf32, #tpu.memory_space<hbm>> -> memref<1000000x128xf32, #tpu.memory_space<hbm>>
      tpu.wait_indirect_dma semaphore(%arg19 : memref<!tpu.dma_semaphore, #tpu.memory_space<semaphore_mem>>) src(%dma_wait3A_461 : memref<1000000x128xf32, #tpu.memory_space<hbm>>) dst(%dma_wait3A_455 : memref<16x128xf32, #tpu.memory_space<vmem>>)
      %mul3A_462 = arith.constant 4 : i32
      %mul3A_463 = arith.muli %add3A_439, %mul3A_462 : i32
      %add3A_464 = arith.constant 0 : i32
      %add3A_465 = arith.addi %mul3A_463, %add3A_464 : i32
      %dma_wait3A_466 = arith.constant 1 : i32
      %dma_wait3A_467 = arith.constant 0 : i32
      %dma_wait3A_468 = arith.constant 0 : i32
      %dma_wait3A_469 = tpu.memref_slice %arg13[%dma_wait3A_466, %dma_wait3A_467, %dma_wait3A_468] : memref<2x320x128xf32, #tpu.memory_space<vmem>> -> memref<1x320x128xf32, #tpu.memory_space<vmem>>
      %dma_wait3A_470 = tpu.memref_squeeze %dma_wait3A_469 : memref<1x320x128xf32, #tpu.memory_space<vmem>> -> memref<320x128xf32, #tpu.memory_space<vmem>>
      %dma_wait3A_471 = arith.constant 0 : i32
      %dma_wait3A_472 = arith.constant 0 : i32
      %dma_wait3A_473 = tpu.memref_slice %dma_wait3A_470[%dma_wait3A_471, %dma_wait3A_472] : memref<320x128xf32, #tpu.memory_space<vmem>> -> memref<80x128xf32, #tpu.memory_space<vmem>>
      %dma_wait3A_474 = arith.constant 0 : i32
      %dma_wait3A_475 = tpu.memref_slice %arg10[%add3A_465, %dma_wait3A_474] : memref<128x80xi32, #tpu.memory_space<vmem>> -> memref<1x80xi32, #tpu.memory_space<vmem>>
      %dma_wait3A_476 = tpu.memref_squeeze %dma_wait3A_475 : memref<1x80xi32, #tpu.memory_space<vmem>> -> memref<80xi32, #tpu.memory_space<vmem>>
      %dma_wait3A_477 = arith.constant 0 : i32
      %dma_wait3A_478 = arith.constant 0 : i32
      %dma_wait3A_479 = tpu.memref_slice %arg5[%dma_wait3A_477, %dma_wait3A_478] : memref<1000000x128xf32, #tpu.memory_space<hbm>> -> memref<1000000x128xf32, #tpu.memory_space<hbm>>
      tpu.wait_indirect_dma semaphore(%arg19 : memref<!tpu.dma_semaphore, #tpu.memory_space<semaphore_mem>>) src(%dma_wait3A_479 : memref<1000000x128xf32, #tpu.memory_space<hbm>>) dst(%dma_wait3A_473 : memref<80x128xf32, #tpu.memory_space<vmem>>)
      %mul3A_480 = arith.constant 4 : i32
      %mul3A_481 = arith.muli %add3A_439, %mul3A_480 : i32
      %add3A_482 = arith.constant 1 : i32
      %add3A_483 = arith.addi %mul3A_481, %add3A_482 : i32
      %dma_wait3A_484 = arith.constant 1 : i32
      %dma_wait3A_485 = arith.constant 0 : i32
      %dma_wait3A_486 = arith.constant 0 : i32
      %dma_wait3A_487 = tpu.memref_slice %arg13[%dma_wait3A_484, %dma_wait3A_485, %dma_wait3A_486] : memref<2x320x128xf32, #tpu.memory_space<vmem>> -> memref<1x320x128xf32, #tpu.memory_space<vmem>>
      %dma_wait3A_488 = tpu.memref_squeeze %dma_wait3A_487 : memref<1x320x128xf32, #tpu.memory_space<vmem>> -> memref<320x128xf32, #tpu.memory_space<vmem>>
      %dma_wait3A_489 = arith.constant 80 : i32
      %dma_wait3A_490 = arith.constant 0 : i32
      %dma_wait3A_491 = tpu.memref_slice %dma_wait3A_488[%dma_wait3A_489, %dma_wait3A_490] : memref<320x128xf32, #tpu.memory_space<vmem>> -> memref<80x128xf32, #tpu.memory_space<vmem>>
      %dma_wait3A_492 = arith.constant 0 : i32
      %dma_wait3A_493 = tpu.memref_slice %arg10[%add3A_483, %dma_wait3A_492] : memref<128x80xi32, #tpu.memory_space<vmem>> -> memref<1x80xi32, #tpu.memory_space<vmem>>
      %dma_wait3A_494 = tpu.memref_squeeze %dma_wait3A_493 : memref<1x80xi32, #tpu.memory_space<vmem>> -> memref<80xi32, #tpu.memory_space<vmem>>
      %dma_wait3A_495 = arith.constant 0 : i32
      %dma_wait3A_496 = arith.constant 0 : i32
      %dma_wait3A_497 = tpu.memref_slice %arg5[%dma_wait3A_495, %dma_wait3A_496] : memref<1000000x128xf32, #tpu.memory_space<hbm>> -> memref<1000000x128xf32, #tpu.memory_space<hbm>>
      tpu.wait_indirect_dma semaphore(%arg19 : memref<!tpu.dma_semaphore, #tpu.memory_space<semaphore_mem>>) src(%dma_wait3A_497 : memref<1000000x128xf32, #tpu.memory_space<hbm>>) dst(%dma_wait3A_491 : memref<80x128xf32, #tpu.memory_space<vmem>>)
      %mul3A_498 = arith.constant 4 : i32
      %mul3A_499 = arith.muli %add3A_439, %mul3A_498 : i32
      %add3A_500 = arith.constant 2 : i32
      %add3A_501 = arith.addi %mul3A_499, %add3A_500 : i32
      %dma_wait3A_502 = arith.constant 1 : i32
      %dma_wait3A_503 = arith.constant 0 : i32
      %dma_wait3A_504 = arith.constant 0 : i32
      %dma_wait3A_505 = tpu.memref_slice %arg13[%dma_wait3A_502, %dma_wait3A_503, %dma_wait3A_504] : memref<2x320x128xf32, #tpu.memory_space<vmem>> -> memref<1x320x128xf32, #tpu.memory_space<vmem>>
      %dma_wait3A_506 = tpu.memref_squeeze %dma_wait3A_505 : memref<1x320x128xf32, #tpu.memory_space<vmem>> -> memref<320x128xf32, #tpu.memory_space<vmem>>
      %dma_wait3A_507 = arith.constant 160 : i32
      %dma_wait3A_508 = arith.constant 0 : i32
      %dma_wait3A_509 = tpu.memref_slice %dma_wait3A_506[%dma_wait3A_507, %dma_wait3A_508] : memref<320x128xf32, #tpu.memory_space<vmem>> -> memref<80x128xf32, #tpu.memory_space<vmem>>
      %dma_wait3A_510 = arith.constant 0 : i32
      %dma_wait3A_511 = tpu.memref_slice %arg10[%add3A_501, %dma_wait3A_510] : memref<128x80xi32, #tpu.memory_space<vmem>> -> memref<1x80xi32, #tpu.memory_space<vmem>>
      %dma_wait3A_512 = tpu.memref_squeeze %dma_wait3A_511 : memref<1x80xi32, #tpu.memory_space<vmem>> -> memref<80xi32, #tpu.memory_space<vmem>>
      %dma_wait3A_513 = arith.constant 0 : i32
      %dma_wait3A_514 = arith.constant 0 : i32
      %dma_wait3A_515 = tpu.memref_slice %arg5[%dma_wait3A_513, %dma_wait3A_514] : memref<1000000x128xf32, #tpu.memory_space<hbm>> -> memref<1000000x128xf32, #tpu.memory_space<hbm>>
      tpu.wait_indirect_dma semaphore(%arg19 : memref<!tpu.dma_semaphore, #tpu.memory_space<semaphore_mem>>) src(%dma_wait3A_515 : memref<1000000x128xf32, #tpu.memory_space<hbm>>) dst(%dma_wait3A_509 : memref<80x128xf32, #tpu.memory_space<vmem>>)
      %mul3A_516 = arith.constant 4 : i32
      %mul3A_517 = arith.muli %add3A_439, %mul3A_516 : i32
      %add3A_518 = arith.constant 3 : i32
      %add3A_519 = arith.addi %mul3A_517, %add3A_518 : i32
      %dma_wait3A_520 = arith.constant 1 : i32
      %dma_wait3A_521 = arith.constant 0 : i32
      %dma_wait3A_522 = arith.constant 0 : i32
      %dma_wait3A_523 = tpu.memref_slice %arg13[%dma_wait3A_520, %dma_wait3A_521, %dma_wait3A_522] : memref<2x320x128xf32, #tpu.memory_space<vmem>> -> memref<1x320x128xf32, #tpu.memory_space<vmem>>
      %dma_wait3A_524 = tpu.memref_squeeze %dma_wait3A_523 : memref<1x320x128xf32, #tpu.memory_space<vmem>> -> memref<320x128xf32, #tpu.memory_space<vmem>>
      %dma_wait3A_525 = arith.constant 240 : i32
      %dma_wait3A_526 = arith.constant 0 : i32
      %dma_wait3A_527 = tpu.memref_slice %dma_wait3A_524[%dma_wait3A_525, %dma_wait3A_526] : memref<320x128xf32, #tpu.memory_space<vmem>> -> memref<80x128xf32, #tpu.memory_space<vmem>>
      %dma_wait3A_528 = arith.constant 0 : i32
      %dma_wait3A_529 = tpu.memref_slice %arg10[%add3A_519, %dma_wait3A_528] : memref<128x80xi32, #tpu.memory_space<vmem>> -> memref<1x80xi32, #tpu.memory_space<vmem>>
      %dma_wait3A_530 = tpu.memref_squeeze %dma_wait3A_529 : memref<1x80xi32, #tpu.memory_space<vmem>> -> memref<80xi32, #tpu.memory_space<vmem>>
      %dma_wait3A_531 = arith.constant 0 : i32
      %dma_wait3A_532 = arith.constant 0 : i32
      %dma_wait3A_533 = tpu.memref_slice %arg5[%dma_wait3A_531, %dma_wait3A_532] : memref<1000000x128xf32, #tpu.memory_space<hbm>> -> memref<1000000x128xf32, #tpu.memory_space<hbm>>
      tpu.wait_indirect_dma semaphore(%arg19 : memref<!tpu.dma_semaphore, #tpu.memory_space<semaphore_mem>>) src(%dma_wait3A_533 : memref<1000000x128xf32, #tpu.memory_space<hbm>>) dst(%dma_wait3A_527 : memref<80x128xf32, #tpu.memory_space<vmem>>)
      %add3A_534 = arith.constant 1 : i32
      %add3A_535 = arith.addi %mul3A_99, %add3A_534 : i32
      %scan3A_536 = arith.constant 0 : i32
      %scan3A_537 = arith.constant 1 : i32
      %scan3A_538 = arith.constant 1 : i32
      %scan3A_539 = arith.constant 1 : i32
      %scan3A_540 = arith.constant 0 : i32
      %scan3A_541 = arith.constant 16 : i32
      %scan3A_542 = arith.addi %scan3A_540, %scan3A_541 : i32
      %scan3A_543 = arith.constant 1 : i32
      scf.for %scan3A_693 = %scan3A_540 to %scan3A_542 step %scan3A_543  : i32 {
        %get3A = arith.constant 0 : i32
        %get3A_694 = arith.constant 0 : i32
        %get3A_695 = tpu.memref_slice %arg11[%scan3A_537, %get3A, %get3A_694] : memref<2x16x128xf32, #tpu.memory_space<vmem>> -> memref<1x16x128xf32, #tpu.memory_space<vmem>>
        %get3A_696 = tpu.memref_squeeze %get3A_695 : memref<1x16x128xf32, #tpu.memory_space<vmem>> -> memref<16x128xf32, #tpu.memory_space<vmem>>
        %get3A_697 = arith.index_cast %scan3A_693 : i32 to index
        %get3A_698 = arith.constant 0 : index
        %get3A_699 = tpu.vector_load %get3A_696[%get3A_697, %get3A_698] {strides = array<i32>} : memref<16x128xf32, #tpu.memory_space<vmem>>, vector<16xf32>,
        %get3A_700 = arith.constant 0 : i32
        %get3A_701 = arith.constant 0 : i32
        %get3A_702 = tpu.memref_slice %arg11[%scan3A_537, %get3A_700, %get3A_701] : memref<2x16x128xf32, #tpu.memory_space<vmem>> -> memref<1x16x128xf32, #tpu.memory_space<vmem>>
        %get3A_703 = tpu.memref_squeeze %get3A_702 : memref<1x16x128xf32, #tpu.memory_space<vmem>> -> memref<16x128xf32, #tpu.memory_space<vmem>>
        %get3A_704 = arith.index_cast %scan3A_693 : i32 to index
        %get3A_705 = arith.constant 16 : index
        %get3A_706 = tpu.vector_load %get3A_703[%get3A_704, %get3A_705] {strides = array<i32>} : memref<16x128xf32, #tpu.memory_space<vmem>>, vector<16xf32>,
        %get3A_707 = arith.constant 0 : i32
        %get3A_708 = arith.constant 0 : i32
        %get3A_709 = tpu.memref_slice %arg11[%scan3A_537, %get3A_707, %get3A_708] : memref<2x16x128xf32, #tpu.memory_space<vmem>> -> memref<1x16x128xf32, #tpu.memory_space<vmem>>
        %get3A_710 = tpu.memref_squeeze %get3A_709 : memref<1x16x128xf32, #tpu.memory_space<vmem>> -> memref<16x128xf32, #tpu.memory_space<vmem>>
        %get3A_711 = arith.index_cast %scan3A_693 : i32 to index
        %get3A_712 = arith.constant 32 : index
        %get3A_713 = tpu.vector_load %get3A_710[%get3A_711, %get3A_712] {strides = array<i32>} : memref<16x128xf32, #tpu.memory_space<vmem>>, vector<16xf32>,
        %get3A_714 = arith.constant 0 : i32
        %get3A_715 = arith.constant 0 : i32
        %get3A_716 = tpu.memref_slice %arg11[%scan3A_537, %get3A_714, %get3A_715] : memref<2x16x128xf32, #tpu.memory_space<vmem>> -> memref<1x16x128xf32, #tpu.memory_space<vmem>>
        %get3A_717 = tpu.memref_squeeze %get3A_716 : memref<1x16x128xf32, #tpu.memory_space<vmem>> -> memref<16x128xf32, #tpu.memory_space<vmem>>
        %get3A_718 = arith.index_cast %scan3A_693 : i32 to index
        %get3A_719 = arith.constant 48 : index
        %get3A_720 = tpu.vector_load %get3A_717[%get3A_718, %get3A_719] {strides = array<i32>} : memref<16x128xf32, #tpu.memory_space<vmem>>, vector<16xf32>,
        %get3A_721 = arith.constant 0 : i32
        %get3A_722 = arith.constant 0 : i32
        %get3A_723 = tpu.memref_slice %arg12[%scan3A_538, %get3A_721, %get3A_722] : memref<2x16x128xf32, #tpu.memory_space<vmem>> -> memref<1x16x128xf32, #tpu.memory_space<vmem>>
        %get3A_724 = tpu.memref_squeeze %get3A_723 : memref<1x16x128xf32, #tpu.memory_space<vmem>> -> memref<16x128xf32, #tpu.memory_space<vmem>>
        %get3A_725 = arith.index_cast %scan3A_693 : i32 to index
        %get3A_726 = arith.constant 64 : index
        %get3A_727 = tpu.vector_load %get3A_724[%get3A_725, %get3A_726] {strides = array<i32>} : memref<16x128xf32, #tpu.memory_space<vmem>>, vector<16xf32>,
        %get3A_728 = arith.constant 0 : i32
        %get3A_729 = arith.constant 0 : i32
        %get3A_730 = tpu.memref_slice %arg12[%scan3A_538, %get3A_728, %get3A_729] : memref<2x16x128xf32, #tpu.memory_space<vmem>> -> memref<1x16x128xf32, #tpu.memory_space<vmem>>
        %get3A_731 = tpu.memref_squeeze %get3A_730 : memref<1x16x128xf32, #tpu.memory_space<vmem>> -> memref<16x128xf32, #tpu.memory_space<vmem>>
        %get3A_732 = arith.index_cast %scan3A_693 : i32 to index
        %get3A_733 = arith.constant 80 : index
        %get3A_734 = tpu.vector_load %get3A_731[%get3A_732, %get3A_733] {strides = array<i32>} : memref<16x128xf32, #tpu.memory_space<vmem>>, vector<16xf32>,
        %get3A_735 = arith.constant 0 : i32
        %get3A_736 = arith.constant 0 : i32
        %get3A_737 = tpu.memref_slice %arg12[%scan3A_538, %get3A_735, %get3A_736] : memref<2x16x128xf32, #tpu.memory_space<vmem>> -> memref<1x16x128xf32, #tpu.memory_space<vmem>>
        %get3A_738 = tpu.memref_squeeze %get3A_737 : memref<1x16x128xf32, #tpu.memory_space<vmem>> -> memref<16x128xf32, #tpu.memory_space<vmem>>
        %get3A_739 = arith.index_cast %scan3A_693 : i32 to index
        %get3A_740 = arith.constant 96 : index
        %get3A_741 = tpu.vector_load %get3A_738[%get3A_739, %get3A_740] {strides = array<i32>} : memref<16x128xf32, #tpu.memory_space<vmem>>, vector<16xf32>,
        %get3A_742 = arith.constant 0 : i32
        %get3A_743 = arith.constant 0 : i32
        %get3A_744 = tpu.memref_slice %arg12[%scan3A_538, %get3A_742, %get3A_743] : memref<2x16x128xf32, #tpu.memory_space<vmem>> -> memref<1x16x128xf32, #tpu.memory_space<vmem>>
        %get3A_745 = tpu.memref_squeeze %get3A_744 : memref<1x16x128xf32, #tpu.memory_space<vmem>> -> memref<16x128xf32, #tpu.memory_space<vmem>>
        %get3A_746 = arith.index_cast %scan3A_693 : i32 to index
        %get3A_747 = arith.constant 112 : index
        %get3A_748 = tpu.vector_load %get3A_745[%get3A_746, %get3A_747] {strides = array<i32>} : memref<16x128xf32, #tpu.memory_space<vmem>>, vector<16xf32>,
        %mul3A_749 = arith.mulf %get3A_699, %get3A_727 : vector<16xf32>
        %mul3A_750 = arith.mulf %get3A_706, %get3A_734 : vector<16xf32>
        %add3A_751 = arith.addf %mul3A_749, %mul3A_750 : vector<16xf32>
        %mul3A_752 = arith.mulf %get3A_713, %get3A_741 : vector<16xf32>
        %add3A_753 = arith.addf %add3A_751, %mul3A_752 : vector<16xf32>
        %mul3A_754 = arith.mulf %get3A_720, %get3A_748 : vector<16xf32>
        %add3A_755 = arith.addf %add3A_753, %mul3A_754 : vector<16xf32>
        %mul3A_756 = arith.constant 20 : i32
        %mul3A_757 = arith.muli %scan3A_693, %mul3A_756 : i32
        %get3A_758 = arith.constant 0 : i32
        %get3A_759 = arith.constant 0 : i32
        %get3A_760 = tpu.memref_slice %arg13[%scan3A_539, %get3A_758, %get3A_759] : memref<2x320x128xf32, #tpu.memory_space<vmem>> -> memref<1x320x128xf32, #tpu.memory_space<vmem>>
        %get3A_761 = tpu.memref_squeeze %get3A_760 : memref<1x320x128xf32, #tpu.memory_space<vmem>> -> memref<320x128xf32, #tpu.memory_space<vmem>>
        %get3A_762 = arith.index_cast %mul3A_757 : i32 to index
        %get3A_763 = arith.constant 64 : index
        %get3A_764 = tpu.vector_load %get3A_761[%get3A_762, %get3A_763] {strides = array<i32>} : memref<320x128xf32, #tpu.memory_space<vmem>>, vector<16xf32>,
        %get3A_765 = arith.constant 0 : i32
        %get3A_766 = arith.constant 0 : i32
        %get3A_767 = tpu.memref_slice %arg13[%scan3A_539, %get3A_765, %get3A_766] : memref<2x320x128xf32, #tpu.memory_space<vmem>> -> memref<1x320x128xf32, #tpu.memory_space<vmem>>
        %get3A_768 = tpu.memref_squeeze %get3A_767 : memref<1x320x128xf32, #tpu.memory_space<vmem>> -> memref<320x128xf32, #tpu.memory_space<vmem>>
        %get3A_769 = arith.index_cast %mul3A_757 : i32 to index
        %get3A_770 = arith.constant 80 : index
        %get3A_771 = tpu.vector_load %get3A_768[%get3A_769, %get3A_770] {strides = array<i32>} : memref<320x128xf32, #tpu.memory_space<vmem>>, vector<16xf32>,
        %get3A_772 = arith.constant 0 : i32
        %get3A_773 = arith.constant 0 : i32
        %get3A_774 = tpu.memref_slice %arg13[%scan3A_539, %get3A_772, %get3A_773] : memref<2x320x128xf32, #tpu.memory_space<vmem>> -> memref<1x320x128xf32, #tpu.memory_space<vmem>>
        %get3A_775 = tpu.memref_squeeze %get3A_774 : memref<1x320x128xf32, #tpu.memory_space<vmem>> -> memref<320x128xf32, #tpu.memory_space<vmem>>
        %get3A_776 = arith.index_cast %mul3A_757 : i32 to index
        %get3A_777 = arith.constant 96 : index
        %get3A_778 = tpu.vector_load %get3A_775[%get3A_776, %get3A_777] {strides = array<i32>} : memref<320x128xf32, #tpu.memory_space<vmem>>, vector<16xf32>,
        %get3A_779 = arith.constant 0 : i32
        %get3A_780 = arith.constant 0 : i32
        %get3A_781 = tpu.memref_slice %arg13[%scan3A_539, %get3A_779, %get3A_780] : memref<2x320x128xf32, #tpu.memory_space<vmem>> -> memref<1x320x128xf32, #tpu.memory_space<vmem>>
        %get3A_782 = tpu.memref_squeeze %get3A_781 : memref<1x320x128xf32, #tpu.memory_space<vmem>> -> memref<320x128xf32, #tpu.memory_space<vmem>>
        %get3A_783 = arith.index_cast %mul3A_757 : i32 to index
        %get3A_784 = arith.constant 112 : index
        %get3A_785 = tpu.vector_load %get3A_782[%get3A_783, %get3A_784] {strides = array<i32>} : memref<320x128xf32, #tpu.memory_space<vmem>>, vector<16xf32>,
        %add3A_786 = arith.constant 1 : i32
        %add3A_787 = arith.addi %mul3A_757, %add3A_786 : i32
        %get3A_788 = arith.constant 0 : i32
        %get3A_789 = arith.constant 0 : i32
        %get3A_790 = tpu.memref_slice %arg13[%scan3A_539, %get3A_788, %get3A_789] : memref<2x320x128xf32, #tpu.memory_space<vmem>> -> memref<1x320x128xf32, #tpu.memory_space<vmem>>
        %get3A_791 = tpu.memref_squeeze %get3A_790 : memref<1x320x128xf32, #tpu.memory_space<vmem>> -> memref<320x128xf32, #tpu.memory_space<vmem>>
        %get3A_792 = arith.index_cast %add3A_787 : i32 to index
        %get3A_793 = arith.constant 64 : index
        %get3A_794 = tpu.vector_load %get3A_791[%get3A_792, %get3A_793] {strides = array<i32>} : memref<320x128xf32, #tpu.memory_space<vmem>>, vector<16xf32>,
        %add3A_795 = arith.addf %get3A_764, %get3A_794 : vector<16xf32>
        %add3A_796 = arith.constant 1 : i32
        %add3A_797 = arith.addi %mul3A_757, %add3A_796 : i32
        %get3A_798 = arith.constant 0 : i32
        %get3A_799 = arith.constant 0 : i32
        %get3A_800 = tpu.memref_slice %arg13[%scan3A_539, %get3A_798, %get3A_799] : memref<2x320x128xf32, #tpu.memory_space<vmem>> -> memref<1x320x128xf32, #tpu.memory_space<vmem>>
        %get3A_801 = tpu.memref_squeeze %get3A_800 : memref<1x320x128xf32, #tpu.memory_space<vmem>> -> memref<320x128xf32, #tpu.memory_space<vmem>>
        %get3A_802 = arith.index_cast %add3A_797 : i32 to index
        %get3A_803 = arith.constant 80 : index
        %get3A_804 = tpu.vector_load %get3A_801[%get3A_802, %get3A_803] {strides = array<i32>} : memref<320x128xf32, #tpu.memory_space<vmem>>, vector<16xf32>,
        %add3A_805 = arith.addf %get3A_771, %get3A_804 : vector<16xf32>
        %add3A_806 = arith.constant 1 : i32
        %add3A_807 = arith.addi %mul3A_757, %add3A_806 : i32
        %get3A_808 = arith.constant 0 : i32
        %get3A_809 = arith.constant 0 : i32
        %get3A_810 = tpu.memref_slice %arg13[%scan3A_539, %get3A_808, %get3A_809] : memref<2x320x128xf32, #tpu.memory_space<vmem>> -> memref<1x320x128xf32, #tpu.memory_space<vmem>>
        %get3A_811 = tpu.memref_squeeze %get3A_810 : memref<1x320x128xf32, #tpu.memory_space<vmem>> -> memref<320x128xf32, #tpu.memory_space<vmem>>
        %get3A_812 = arith.index_cast %add3A_807 : i32 to index
        %get3A_813 = arith.constant 96 : index
        %get3A_814 = tpu.vector_load %get3A_811[%get3A_812, %get3A_813] {strides = array<i32>} : memref<320x128xf32, #tpu.memory_space<vmem>>, vector<16xf32>,
        %add3A_815 = arith.addf %get3A_778, %get3A_814 : vector<16xf32>
        %add3A_816 = arith.constant 1 : i32
        %add3A_817 = arith.addi %mul3A_757, %add3A_816 : i32
        %get3A_818 = arith.constant 0 : i32
        %get3A_819 = arith.constant 0 : i32
        %get3A_820 = tpu.memref_slice %arg13[%scan3A_539, %get3A_818, %get3A_819] : memref<2x320x128xf32, #tpu.memory_space<vmem>> -> memref<1x320x128xf32, #tpu.memory_space<vmem>>
        %get3A_821 = tpu.memref_squeeze %get3A_820 : memref<1x320x128xf32, #tpu.memory_space<vmem>> -> memref<320x128xf32, #tpu.memory_space<vmem>>
        %get3A_822 = arith.index_cast %add3A_817 : i32 to index
        %get3A_823 = arith.constant 112 : index
        %get3A_824 = tpu.vector_load %get3A_821[%get3A_822, %get3A_823] {strides = array<i32>} : memref<320x128xf32, #tpu.memory_space<vmem>>, vector<16xf32>,
        %add3A_825 = arith.addf %get3A_785, %get3A_824 : vector<16xf32>
        %add3A_826 = arith.constant 2 : i32
        %add3A_827 = arith.addi %mul3A_757, %add3A_826 : i32
        %get3A_828 = arith.constant 0 : i32
        %get3A_829 = arith.constant 0 : i32
        %get3A_830 = tpu.memref_slice %arg13[%scan3A_539, %get3A_828, %get3A_829] : memref<2x320x128xf32, #tpu.memory_space<vmem>> -> memref<1x320x128xf32, #tpu.memory_space<vmem>>
        %get3A_831 = tpu.memref_squeeze %get3A_830 : memref<1x320x128xf32, #tpu.memory_space<vmem>> -> memref<320x128xf32, #tpu.memory_space<vmem>>
        %get3A_832 = arith.index_cast %add3A_827 : i32 to index
        %get3A_833 = arith.constant 64 : index
        %get3A_834 = tpu.vector_load %get3A_831[%get3A_832, %get3A_833] {strides = array<i32>} : memref<320x128xf32, #tpu.memory_space<vmem>>, vector<16xf32>,
        %add3A_835 = arith.addf %add3A_795, %get3A_834 : vector<16xf32>
        %add3A_836 = arith.constant 2 : i32
        %add3A_837 = arith.addi %mul3A_757, %add3A_836 : i32
        %get3A_838 = arith.constant 0 : i32
        %get3A_839 = arith.constant 0 : i32
        %get3A_840 = tpu.memref_slice %arg13[%scan3A_539, %get3A_838, %get3A_839] : memref<2x320x128xf32, #tpu.memory_space<vmem>> -> memref<1x320x128xf32, #tpu.memory_space<vmem>>
        %get3A_841 = tpu.memref_squeeze %get3A_840 : memref<1x320x128xf32, #tpu.memory_space<vmem>> -> memref<320x128xf32, #tpu.memory_space<vmem>>
        %get3A_842 = arith.index_cast %add3A_837 : i32 to index
        %get3A_843 = arith.constant 80 : index
        %get3A_844 = tpu.vector_load %get3A_841[%get3A_842, %get3A_843] {strides = array<i32>} : memref<320x128xf32, #tpu.memory_space<vmem>>, vector<16xf32>,
        %add3A_845 = arith.addf %add3A_805, %get3A_844 : vector<16xf32>
        %add3A_846 = arith.constant 2 : i32
        %add3A_847 = arith.addi %mul3A_757, %add3A_846 : i32
        %get3A_848 = arith.constant 0 : i32
        %get3A_849 = arith.constant 0 : i32
        %get3A_850 = tpu.memref_slice %arg13[%scan3A_539, %get3A_848, %get3A_849] : memref<2x320x128xf32, #tpu.memory_space<vmem>> -> memref<1x320x128xf32, #tpu.memory_space<vmem>>
        %get3A_851 = tpu.memref_squeeze %get3A_850 : memref<1x320x128xf32, #tpu.memory_space<vmem>> -> memref<320x128xf32, #tpu.memory_space<vmem>>
        %get3A_852 = arith.index_cast %add3A_847 : i32 to index
        %get3A_853 = arith.constant 96 : index
        %get3A_854 = tpu.vector_load %get3A_851[%get3A_852, %get3A_853] {strides = array<i32>} : memref<320x128xf32, #tpu.memory_space<vmem>>, vector<16xf32>,
        %add3A_855 = arith.addf %add3A_815, %get3A_854 : vector<16xf32>
        %add3A_856 = arith.constant 2 : i32
        %add3A_857 = arith.addi %mul3A_757, %add3A_856 : i32
        %get3A_858 = arith.constant 0 : i32
        %get3A_859 = arith.constant 0 : i32
        %get3A_860 = tpu.memref_slice %arg13[%scan3A_539, %get3A_858, %get3A_859] : memref<2x320x128xf32, #tpu.memory_space<vmem>> -> memref<1x320x128xf32, #tpu.memory_space<vmem>>
        %get3A_861 = tpu.memref_squeeze %get3A_860 : memref<1x320x128xf32, #tpu.memory_space<vmem>> -> memref<320x128xf32, #tpu.memory_space<vmem>>
        %get3A_862 = arith.index_cast %add3A_857 : i32 to index
        %get3A_863 = arith.constant 112 : index
        %get3A_864 = tpu.vector_load %get3A_861[%get3A_862, %get3A_863] {strides = array<i32>} : memref<320x128xf32, #tpu.memory_space<vmem>>, vector<16xf32>,
        %add3A_865 = arith.addf %add3A_825, %get3A_864 : vector<16xf32>
        %add3A_866 = arith.constant 3 : i32
        %add3A_867 = arith.addi %mul3A_757, %add3A_866 : i32
        %get3A_868 = arith.constant 0 : i32
        %get3A_869 = arith.constant 0 : i32
        %get3A_870 = tpu.memref_slice %arg13[%scan3A_539, %get3A_868, %get3A_869] : memref<2x320x128xf32, #tpu.memory_space<vmem>> -> memref<1x320x128xf32, #tpu.memory_space<vmem>>
        %get3A_871 = tpu.memref_squeeze %get3A_870 : memref<1x320x128xf32, #tpu.memory_space<vmem>> -> memref<320x128xf32, #tpu.memory_space<vmem>>
        %get3A_872 = arith.index_cast %add3A_867 : i32 to index
        %get3A_873 = arith.constant 64 : index
        %get3A_874 = tpu.vector_load %get3A_871[%get3A_872, %get3A_873] {strides = array<i32>} : memref<320x128xf32, #tpu.memory_space<vmem>>, vector<16xf32>,
        %add3A_875 = arith.addf %add3A_835, %get3A_874 : vector<16xf32>
        %add3A_876 = arith.constant 3 : i32
        %add3A_877 = arith.addi %mul3A_757, %add3A_876 : i32
        %get3A_878 = arith.constant 0 : i32
        %get3A_879 = arith.constant 0 : i32
        %get3A_880 = tpu.memref_slice %arg13[%scan3A_539, %get3A_878, %get3A_879] : memref<2x320x128xf32, #tpu.memory_space<vmem>> -> memref<1x320x128xf32, #tpu.memory_space<vmem>>
        %get3A_881 = tpu.memref_squeeze %get3A_880 : memref<1x320x128xf32, #tpu.memory_space<vmem>> -> memref<320x128xf32, #tpu.memory_space<vmem>>
        %get3A_882 = arith.index_cast %add3A_877 : i32 to index
        %get3A_883 = arith.constant 80 : index
        %get3A_884 = tpu.vector_load %get3A_881[%get3A_882, %get3A_883] {strides = array<i32>} : memref<320x128xf32, #tpu.memory_space<vmem>>, vector<16xf32>,
        %add3A_885 = arith.addf %add3A_845, %get3A_884 : vector<16xf32>
        %add3A_886 = arith.constant 3 : i32
        %add3A_887 = arith.addi %mul3A_757, %add3A_886 : i32
        %get3A_888 = arith.constant 0 : i32
        %get3A_889 = arith.constant 0 : i32
        %get3A_890 = tpu.memref_slice %arg13[%scan3A_539, %get3A_888, %get3A_889] : memref<2x320x128xf32, #tpu.memory_space<vmem>> -> memref<1x320x128xf32, #tpu.memory_space<vmem>>
        %get3A_891 = tpu.memref_squeeze %get3A_890 : memref<1x320x128xf32, #tpu.memory_space<vmem>> -> memref<320x128xf32, #tpu.memory_space<vmem>>
        %get3A_892 = arith.index_cast %add3A_887 : i32 to index
        %get3A_893 = arith.constant 96 : index
        %get3A_894 = tpu.vector_load %get3A_891[%get3A_892, %get3A_893] {strides = array<i32>} : memref<320x128xf32, #tpu.memory_space<vmem>>, vector<16xf32>,
        %add3A_895 = arith.addf %add3A_855, %get3A_894 : vector<16xf32>
        %add3A_896 = arith.constant 3 : i32
        %add3A_897 = arith.addi %mul3A_757, %add3A_896 : i32
        %get3A_898 = arith.constant 0 : i32
        %get3A_899 = arith.constant 0 : i32
        %get3A_900 = tpu.memref_slice %arg13[%scan3A_539, %get3A_898, %get3A_899] : memref<2x320x128xf32, #tpu.memory_space<vmem>> -> memref<1x320x128xf32, #tpu.memory_space<vmem>>
        %get3A_901 = tpu.memref_squeeze %get3A_900 : memref<1x320x128xf32, #tpu.memory_space<vmem>> -> memref<320x128xf32, #tpu.memory_space<vmem>>
        %get3A_902 = arith.index_cast %add3A_897 : i32 to index
        %get3A_903 = arith.constant 112 : index
        %get3A_904 = tpu.vector_load %get3A_901[%get3A_902, %get3A_903] {strides = array<i32>} : memref<320x128xf32, #tpu.memory_space<vmem>>, vector<16xf32>,
        %add3A_905 = arith.addf %add3A_865, %get3A_904 : vector<16xf32>
        %add3A_906 = arith.constant 4 : i32
        %add3A_907 = arith.addi %mul3A_757, %add3A_906 : i32
        %get3A_908 = arith.constant 0 : i32
        %get3A_909 = arith.constant 0 : i32
        %get3A_910 = tpu.memref_slice %arg13[%scan3A_539, %get3A_908, %get3A_909] : memref<2x320x128xf32, #tpu.memory_space<vmem>> -> memref<1x320x128xf32, #tpu.memory_space<vmem>>
        %get3A_911 = tpu.memref_squeeze %get3A_910 : memref<1x320x128xf32, #tpu.memory_space<vmem>> -> memref<320x128xf32, #tpu.memory_space<vmem>>
        %get3A_912 = arith.index_cast %add3A_907 : i32 to index
        %get3A_913 = arith.constant 64 : index
        %get3A_914 = tpu.vector_load %get3A_911[%get3A_912, %get3A_913] {strides = array<i32>} : memref<320x128xf32, #tpu.memory_space<vmem>>, vector<16xf32>,
        %add3A_915 = arith.addf %add3A_875, %get3A_914 : vector<16xf32>
        %add3A_916 = arith.constant 4 : i32
        %add3A_917 = arith.addi %mul3A_757, %add3A_916 : i32
        %get3A_918 = arith.constant 0 : i32
        %get3A_919 = arith.constant 0 : i32
        %get3A_920 = tpu.memref_slice %arg13[%scan3A_539, %get3A_918, %get3A_919] : memref<2x320x128xf32, #tpu.memory_space<vmem>> -> memref<1x320x128xf32, #tpu.memory_space<vmem>>
        %get3A_921 = tpu.memref_squeeze %get3A_920 : memref<1x320x128xf32, #tpu.memory_space<vmem>> -> memref<320x128xf32, #tpu.memory_space<vmem>>
        %get3A_922 = arith.index_cast %add3A_917 : i32 to index
        %get3A_923 = arith.constant 80 : index
        %get3A_924 = tpu.vector_load %get3A_921[%get3A_922, %get3A_923] {strides = array<i32>} : memref<320x128xf32, #tpu.memory_space<vmem>>, vector<16xf32>,
        %add3A_925 = arith.addf %add3A_885, %get3A_924 : vector<16xf32>
        %add3A_926 = arith.constant 4 : i32
        %add3A_927 = arith.addi %mul3A_757, %add3A_926 : i32
        %get3A_928 = arith.constant 0 : i32
        %get3A_929 = arith.constant 0 : i32
        %get3A_930 = tpu.memref_slice %arg13[%scan3A_539, %get3A_928, %get3A_929] : memref<2x320x128xf32, #tpu.memory_space<vmem>> -> memref<1x320x128xf32, #tpu.memory_space<vmem>>
        %get3A_931 = tpu.memref_squeeze %get3A_930 : memref<1x320x128xf32, #tpu.memory_space<vmem>> -> memref<320x128xf32, #tpu.memory_space<vmem>>
        %get3A_932 = arith.index_cast %add3A_927 : i32 to index
        %get3A_933 = arith.constant 96 : index
        %get3A_934 = tpu.vector_load %get3A_931[%get3A_932, %get3A_933] {strides = array<i32>} : memref<320x128xf32, #tpu.memory_space<vmem>>, vector<16xf32>,
        %add3A_935 = arith.addf %add3A_895, %get3A_934 : vector<16xf32>
        %add3A_936 = arith.constant 4 : i32
        %add3A_937 = arith.addi %mul3A_757, %add3A_936 : i32
        %get3A_938 = arith.constant 0 : i32
        %get3A_939 = arith.constant 0 : i32
        %get3A_940 = tpu.memref_slice %arg13[%scan3A_539, %get3A_938, %get3A_939] : memref<2x320x128xf32, #tpu.memory_space<vmem>> -> memref<1x320x128xf32, #tpu.memory_space<vmem>>
        %get3A_941 = tpu.memref_squeeze %get3A_940 : memref<1x320x128xf32, #tpu.memory_space<vmem>> -> memref<320x128xf32, #tpu.memory_space<vmem>>
        %get3A_942 = arith.index_cast %add3A_937 : i32 to index
        %get3A_943 = arith.constant 112 : index
        %get3A_944 = tpu.vector_load %get3A_941[%get3A_942, %get3A_943] {strides = array<i32>} : memref<320x128xf32, #tpu.memory_space<vmem>>, vector<16xf32>,
        %add3A_945 = arith.addf %add3A_905, %get3A_944 : vector<16xf32>
        %add3A_946 = arith.constant 5 : i32
        %add3A_947 = arith.addi %mul3A_757, %add3A_946 : i32
        %get3A_948 = arith.constant 0 : i32
        %get3A_949 = arith.constant 0 : i32
        %get3A_950 = tpu.memref_slice %arg13[%scan3A_539, %get3A_948, %get3A_949] : memref<2x320x128xf32, #tpu.memory_space<vmem>> -> memref<1x320x128xf32, #tpu.memory_space<vmem>>
        %get3A_951 = tpu.memref_squeeze %get3A_950 : memref<1x320x128xf32, #tpu.memory_space<vmem>> -> memref<320x128xf32, #tpu.memory_space<vmem>>
        %get3A_952 = arith.index_cast %add3A_947 : i32 to index
        %get3A_953 = arith.constant 64 : index
        %get3A_954 = tpu.vector_load %get3A_951[%get3A_952, %get3A_953] {strides = array<i32>} : memref<320x128xf32, #tpu.memory_space<vmem>>, vector<16xf32>,
        %add3A_955 = arith.addf %add3A_915, %get3A_954 : vector<16xf32>
        %add3A_956 = arith.constant 5 : i32
        %add3A_957 = arith.addi %mul3A_757, %add3A_956 : i32
        %get3A_958 = arith.constant 0 : i32
        %get3A_959 = arith.constant 0 : i32
        %get3A_960 = tpu.memref_slice %arg13[%scan3A_539, %get3A_958, %get3A_959] : memref<2x320x128xf32, #tpu.memory_space<vmem>> -> memref<1x320x128xf32, #tpu.memory_space<vmem>>
        %get3A_961 = tpu.memref_squeeze %get3A_960 : memref<1x320x128xf32, #tpu.memory_space<vmem>> -> memref<320x128xf32, #tpu.memory_space<vmem>>
        %get3A_962 = arith.index_cast %add3A_957 : i32 to index
        %get3A_963 = arith.constant 80 : index
        %get3A_964 = tpu.vector_load %get3A_961[%get3A_962, %get3A_963] {strides = array<i32>} : memref<320x128xf32, #tpu.memory_space<vmem>>, vector<16xf32>,
        %add3A_965 = arith.addf %add3A_925, %get3A_964 : vector<16xf32>
        %add3A_966 = arith.constant 5 : i32
        %add3A_967 = arith.addi %mul3A_757, %add3A_966 : i32
        %get3A_968 = arith.constant 0 : i32
        %get3A_969 = arith.constant 0 : i32
        %get3A_970 = tpu.memref_slice %arg13[%scan3A_539, %get3A_968, %get3A_969] : memref<2x320x128xf32, #tpu.memory_space<vmem>> -> memref<1x320x128xf32, #tpu.memory_space<vmem>>
        %get3A_971 = tpu.memref_squeeze %get3A_970 : memref<1x320x128xf32, #tpu.memory_space<vmem>> -> memref<320x128xf32, #tpu.memory_space<vmem>>
        %get3A_972 = arith.index_cast %add3A_967 : i32 to index
        %get3A_973 = arith.constant 96 : index
        %get3A_974 = tpu.vector_load %get3A_971[%get3A_972, %get3A_973] {strides = array<i32>} : memref<320x128xf32, #tpu.memory_space<vmem>>, vector<16xf32>,
        %add3A_975 = arith.addf %add3A_935, %get3A_974 : vector<16xf32>
        %add3A_976 = arith.constant 5 : i32
        %add3A_977 = arith.addi %mul3A_757, %add3A_976 : i32
        %get3A_978 = arith.constant 0 : i32
        %get3A_979 = arith.constant 0 : i32
        %get3A_980 = tpu.memref_slice %arg13[%scan3A_539, %get3A_978, %get3A_979] : memref<2x320x128xf32, #tpu.memory_space<vmem>> -> memref<1x320x128xf32, #tpu.memory_space<vmem>>
        %get3A_981 = tpu.memref_squeeze %get3A_980 : memref<1x320x128xf32, #tpu.memory_space<vmem>> -> memref<320x128xf32, #tpu.memory_space<vmem>>
        %get3A_982 = arith.index_cast %add3A_977 : i32 to index
        %get3A_983 = arith.constant 112 : index
        %get3A_984 = tpu.vector_load %get3A_981[%get3A_982, %get3A_983] {strides = array<i32>} : memref<320x128xf32, #tpu.memory_space<vmem>>, vector<16xf32>,
        %add3A_985 = arith.addf %add3A_945, %get3A_984 : vector<16xf32>
        %add3A_986 = arith.constant 6 : i32
        %add3A_987 = arith.addi %mul3A_757, %add3A_986 : i32
        %get3A_988 = arith.constant 0 : i32
        %get3A_989 = arith.constant 0 : i32
        %get3A_990 = tpu.memref_slice %arg13[%scan3A_539, %get3A_988, %get3A_989] : memref<2x320x128xf32, #tpu.memory_space<vmem>> -> memref<1x320x128xf32, #tpu.memory_space<vmem>>
        %get3A_991 = tpu.memref_squeeze %get3A_990 : memref<1x320x128xf32, #tpu.memory_space<vmem>> -> memref<320x128xf32, #tpu.memory_space<vmem>>
        %get3A_992 = arith.index_cast %add3A_987 : i32 to index
        %get3A_993 = arith.constant 64 : index
        %get3A_994 = tpu.vector_load %get3A_991[%get3A_992, %get3A_993] {strides = array<i32>} : memref<320x128xf32, #tpu.memory_space<vmem>>, vector<16xf32>,
        %add3A_995 = arith.addf %add3A_955, %get3A_994 : vector<16xf32>
        %add3A_996 = arith.constant 6 : i32
        %add3A_997 = arith.addi %mul3A_757, %add3A_996 : i32
        %get3A_998 = arith.constant 0 : i32
        %get3A_999 = arith.constant 0 : i32
        %get3A_1000 = tpu.memref_slice %arg13[%scan3A_539, %get3A_998, %get3A_999] : memref<2x320x128xf32, #tpu.memory_space<vmem>> -> memref<1x320x128xf32, #tpu.memory_space<vmem>>
        %get3A_1001 = tpu.memref_squeeze %get3A_1000 : memref<1x320x128xf32, #tpu.memory_space<vmem>> -> memref<320x128xf32, #tpu.memory_space<vmem>>
        %get3A_1002 = arith.index_cast %add3A_997 : i32 to index
        %get3A_1003 = arith.constant 80 : index
        %get3A_1004 = tpu.vector_load %get3A_1001[%get3A_1002, %get3A_1003] {strides = array<i32>} : memref<320x128xf32, #tpu.memory_space<vmem>>, vector<16xf32>,
        %add3A_1005 = arith.addf %add3A_965, %get3A_1004 : vector<16xf32>
        %add3A_1006 = arith.constant 6 : i32
        %add3A_1007 = arith.addi %mul3A_757, %add3A_1006 : i32
        %get3A_1008 = arith.constant 0 : i32
        %get3A_1009 = arith.constant 0 : i32
        %get3A_1010 = tpu.memref_slice %arg13[%scan3A_539, %get3A_1008, %get3A_1009] : memref<2x320x128xf32, #tpu.memory_space<vmem>> -> memref<1x320x128xf32, #tpu.memory_space<vmem>>
        %get3A_1011 = tpu.memref_squeeze %get3A_1010 : memref<1x320x128xf32, #tpu.memory_space<vmem>> -> memref<320x128xf32, #tpu.memory_space<vmem>>
        %get3A_1012 = arith.index_cast %add3A_1007 : i32 to index
        %get3A_1013 = arith.constant 96 : index
        %get3A_1014 = tpu.vector_load %get3A_1011[%get3A_1012, %get3A_1013] {strides = array<i32>} : memref<320x128xf32, #tpu.memory_space<vmem>>, vector<16xf32>,
        %add3A_1015 = arith.addf %add3A_975, %get3A_1014 : vector<16xf32>
        %add3A_1016 = arith.constant 6 : i32
        %add3A_1017 = arith.addi %mul3A_757, %add3A_1016 : i32
        %get3A_1018 = arith.constant 0 : i32
        %get3A_1019 = arith.constant 0 : i32
        %get3A_1020 = tpu.memref_slice %arg13[%scan3A_539, %get3A_1018, %get3A_1019] : memref<2x320x128xf32, #tpu.memory_space<vmem>> -> memref<1x320x128xf32, #tpu.memory_space<vmem>>
        %get3A_1021 = tpu.memref_squeeze %get3A_1020 : memref<1x320x128xf32, #tpu.memory_space<vmem>> -> memref<320x128xf32, #tpu.memory_space<vmem>>
        %get3A_1022 = arith.index_cast %add3A_1017 : i32 to index
        %get3A_1023 = arith.constant 112 : index
        %get3A_1024 = tpu.vector_load %get3A_1021[%get3A_1022, %get3A_1023] {strides = array<i32>} : memref<320x128xf32, #tpu.memory_space<vmem>>, vector<16xf32>,
        %add3A_1025 = arith.addf %add3A_985, %get3A_1024 : vector<16xf32>
        %add3A_1026 = arith.constant 7 : i32
        %add3A_1027 = arith.addi %mul3A_757, %add3A_1026 : i32
        %get3A_1028 = arith.constant 0 : i32
        %get3A_1029 = arith.constant 0 : i32
        %get3A_1030 = tpu.memref_slice %arg13[%scan3A_539, %get3A_1028, %get3A_1029] : memref<2x320x128xf32, #tpu.memory_space<vmem>> -> memref<1x320x128xf32, #tpu.memory_space<vmem>>
        %get3A_1031 = tpu.memref_squeeze %get3A_1030 : memref<1x320x128xf32, #tpu.memory_space<vmem>> -> memref<320x128xf32, #tpu.memory_space<vmem>>
        %get3A_1032 = arith.index_cast %add3A_1027 : i32 to index
        %get3A_1033 = arith.constant 64 : index
        %get3A_1034 = tpu.vector_load %get3A_1031[%get3A_1032, %get3A_1033] {strides = array<i32>} : memref<320x128xf32, #tpu.memory_space<vmem>>, vector<16xf32>,
        %add3A_1035 = arith.addf %add3A_995, %get3A_1034 : vector<16xf32>
        %add3A_1036 = arith.constant 7 : i32
        %add3A_1037 = arith.addi %mul3A_757, %add3A_1036 : i32
        %get3A_1038 = arith.constant 0 : i32
        %get3A_1039 = arith.constant 0 : i32
        %get3A_1040 = tpu.memref_slice %arg13[%scan3A_539, %get3A_1038, %get3A_1039] : memref<2x320x128xf32, #tpu.memory_space<vmem>> -> memref<1x320x128xf32, #tpu.memory_space<vmem>>
        %get3A_1041 = tpu.memref_squeeze %get3A_1040 : memref<1x320x128xf32, #tpu.memory_space<vmem>> -> memref<320x128xf32, #tpu.memory_space<vmem>>
        %get3A_1042 = arith.index_cast %add3A_1037 : i32 to index
        %get3A_1043 = arith.constant 80 : index
        %get3A_1044 = tpu.vector_load %get3A_1041[%get3A_1042, %get3A_1043] {strides = array<i32>} : memref<320x128xf32, #tpu.memory_space<vmem>>, vector<16xf32>,
        %add3A_1045 = arith.addf %add3A_1005, %get3A_1044 : vector<16xf32>
        %add3A_1046 = arith.constant 7 : i32
        %add3A_1047 = arith.addi %mul3A_757, %add3A_1046 : i32
        %get3A_1048 = arith.constant 0 : i32
        %get3A_1049 = arith.constant 0 : i32
        %get3A_1050 = tpu.memref_slice %arg13[%scan3A_539, %get3A_1048, %get3A_1049] : memref<2x320x128xf32, #tpu.memory_space<vmem>> -> memref<1x320x128xf32, #tpu.memory_space<vmem>>
        %get3A_1051 = tpu.memref_squeeze %get3A_1050 : memref<1x320x128xf32, #tpu.memory_space<vmem>> -> memref<320x128xf32, #tpu.memory_space<vmem>>
        %get3A_1052 = arith.index_cast %add3A_1047 : i32 to index
        %get3A_1053 = arith.constant 96 : index
        %get3A_1054 = tpu.vector_load %get3A_1051[%get3A_1052, %get3A_1053] {strides = array<i32>} : memref<320x128xf32, #tpu.memory_space<vmem>>, vector<16xf32>,
        %add3A_1055 = arith.addf %add3A_1015, %get3A_1054 : vector<16xf32>
        %add3A_1056 = arith.constant 7 : i32
        %add3A_1057 = arith.addi %mul3A_757, %add3A_1056 : i32
        %get3A_1058 = arith.constant 0 : i32
        %get3A_1059 = arith.constant 0 : i32
        %get3A_1060 = tpu.memref_slice %arg13[%scan3A_539, %get3A_1058, %get3A_1059] : memref<2x320x128xf32, #tpu.memory_space<vmem>> -> memref<1x320x128xf32, #tpu.memory_space<vmem>>
        %get3A_1061 = tpu.memref_squeeze %get3A_1060 : memref<1x320x128xf32, #tpu.memory_space<vmem>> -> memref<320x128xf32, #tpu.memory_space<vmem>>
        %get3A_1062 = arith.index_cast %add3A_1057 : i32 to index
        %get3A_1063 = arith.constant 112 : index
        %get3A_1064 = tpu.vector_load %get3A_1061[%get3A_1062, %get3A_1063] {strides = array<i32>} : memref<320x128xf32, #tpu.memory_space<vmem>>, vector<16xf32>,
        %add3A_1065 = arith.addf %add3A_1025, %get3A_1064 : vector<16xf32>
        %add3A_1066 = arith.constant 8 : i32
        %add3A_1067 = arith.addi %mul3A_757, %add3A_1066 : i32
        %get3A_1068 = arith.constant 0 : i32
        %get3A_1069 = arith.constant 0 : i32
        %get3A_1070 = tpu.memref_slice %arg13[%scan3A_539, %get3A_1068, %get3A_1069] : memref<2x320x128xf32, #tpu.memory_space<vmem>> -> memref<1x320x128xf32, #tpu.memory_space<vmem>>
        %get3A_1071 = tpu.memref_squeeze %get3A_1070 : memref<1x320x128xf32, #tpu.memory_space<vmem>> -> memref<320x128xf32, #tpu.memory_space<vmem>>
        %get3A_1072 = arith.index_cast %add3A_1067 : i32 to index
        %get3A_1073 = arith.constant 64 : index
        %get3A_1074 = tpu.vector_load %get3A_1071[%get3A_1072, %get3A_1073] {strides = array<i32>} : memref<320x128xf32, #tpu.memory_space<vmem>>, vector<16xf32>,
        %add3A_1075 = arith.addf %add3A_1035, %get3A_1074 : vector<16xf32>
        %add3A_1076 = arith.constant 8 : i32
        %add3A_1077 = arith.addi %mul3A_757, %add3A_1076 : i32
        %get3A_1078 = arith.constant 0 : i32
        %get3A_1079 = arith.constant 0 : i32
        %get3A_1080 = tpu.memref_slice %arg13[%scan3A_539, %get3A_1078, %get3A_1079] : memref<2x320x128xf32, #tpu.memory_space<vmem>> -> memref<1x320x128xf32, #tpu.memory_space<vmem>>
        %get3A_1081 = tpu.memref_squeeze %get3A_1080 : memref<1x320x128xf32, #tpu.memory_space<vmem>> -> memref<320x128xf32, #tpu.memory_space<vmem>>
        %get3A_1082 = arith.index_cast %add3A_1077 : i32 to index
        %get3A_1083 = arith.constant 80 : index
        %get3A_1084 = tpu.vector_load %get3A_1081[%get3A_1082, %get3A_1083] {strides = array<i32>} : memref<320x128xf32, #tpu.memory_space<vmem>>, vector<16xf32>,
        %add3A_1085 = arith.addf %add3A_1045, %get3A_1084 : vector<16xf32>
        %add3A_1086 = arith.constant 8 : i32
        %add3A_1087 = arith.addi %mul3A_757, %add3A_1086 : i32
        %get3A_1088 = arith.constant 0 : i32
        %get3A_1089 = arith.constant 0 : i32
        %get3A_1090 = tpu.memref_slice %arg13[%scan3A_539, %get3A_1088, %get3A_1089] : memref<2x320x128xf32, #tpu.memory_space<vmem>> -> memref<1x320x128xf32, #tpu.memory_space<vmem>>
        %get3A_1091 = tpu.memref_squeeze %get3A_1090 : memref<1x320x128xf32, #tpu.memory_space<vmem>> -> memref<320x128xf32, #tpu.memory_space<vmem>>
        %get3A_1092 = arith.index_cast %add3A_1087 : i32 to index
        %get3A_1093 = arith.constant 96 : index
        %get3A_1094 = tpu.vector_load %get3A_1091[%get3A_1092, %get3A_1093] {strides = array<i32>} : memref<320x128xf32, #tpu.memory_space<vmem>>, vector<16xf32>,
        %add3A_1095 = arith.addf %add3A_1055, %get3A_1094 : vector<16xf32>
        %add3A_1096 = arith.constant 8 : i32
        %add3A_1097 = arith.addi %mul3A_757, %add3A_1096 : i32
        %get3A_1098 = arith.constant 0 : i32
        %get3A_1099 = arith.constant 0 : i32
        %get3A_1100 = tpu.memref_slice %arg13[%scan3A_539, %get3A_1098, %get3A_1099] : memref<2x320x128xf32, #tpu.memory_space<vmem>> -> memref<1x320x128xf32, #tpu.memory_space<vmem>>
        %get3A_1101 = tpu.memref_squeeze %get3A_1100 : memref<1x320x128xf32, #tpu.memory_space<vmem>> -> memref<320x128xf32, #tpu.memory_space<vmem>>
        %get3A_1102 = arith.index_cast %add3A_1097 : i32 to index
        %get3A_1103 = arith.constant 112 : index
        %get3A_1104 = tpu.vector_load %get3A_1101[%get3A_1102, %get3A_1103] {strides = array<i32>} : memref<320x128xf32, #tpu.memory_space<vmem>>, vector<16xf32>,
        %add3A_1105 = arith.addf %add3A_1065, %get3A_1104 : vector<16xf32>
        %add3A_1106 = arith.constant 9 : i32
        %add3A_1107 = arith.addi %mul3A_757, %add3A_1106 : i32
        %get3A_1108 = arith.constant 0 : i32
        %get3A_1109 = arith.constant 0 : i32
        %get3A_1110 = tpu.memref_slice %arg13[%scan3A_539, %get3A_1108, %get3A_1109] : memref<2x320x128xf32, #tpu.memory_space<vmem>> -> memref<1x320x128xf32, #tpu.memory_space<vmem>>
        %get3A_1111 = tpu.memref_squeeze %get3A_1110 : memref<1x320x128xf32, #tpu.memory_space<vmem>> -> memref<320x128xf32, #tpu.memory_space<vmem>>
        %get3A_1112 = arith.index_cast %add3A_1107 : i32 to index
        %get3A_1113 = arith.constant 64 : index
        %get3A_1114 = tpu.vector_load %get3A_1111[%get3A_1112, %get3A_1113] {strides = array<i32>} : memref<320x128xf32, #tpu.memory_space<vmem>>, vector<16xf32>,
        %add3A_1115 = arith.addf %add3A_1075, %get3A_1114 : vector<16xf32>
        %add3A_1116 = arith.constant 9 : i32
        %add3A_1117 = arith.addi %mul3A_757, %add3A_1116 : i32
        %get3A_1118 = arith.constant 0 : i32
        %get3A_1119 = arith.constant 0 : i32
        %get3A_1120 = tpu.memref_slice %arg13[%scan3A_539, %get3A_1118, %get3A_1119] : memref<2x320x128xf32, #tpu.memory_space<vmem>> -> memref<1x320x128xf32, #tpu.memory_space<vmem>>
        %get3A_1121 = tpu.memref_squeeze %get3A_1120 : memref<1x320x128xf32, #tpu.memory_space<vmem>> -> memref<320x128xf32, #tpu.memory_space<vmem>>
        %get3A_1122 = arith.index_cast %add3A_1117 : i32 to index
        %get3A_1123 = arith.constant 80 : index
        %get3A_1124 = tpu.vector_load %get3A_1121[%get3A_1122, %get3A_1123] {strides = array<i32>} : memref<320x128xf32, #tpu.memory_space<vmem>>, vector<16xf32>,
        %add3A_1125 = arith.addf %add3A_1085, %get3A_1124 : vector<16xf32>
        %add3A_1126 = arith.constant 9 : i32
        %add3A_1127 = arith.addi %mul3A_757, %add3A_1126 : i32
        %get3A_1128 = arith.constant 0 : i32
        %get3A_1129 = arith.constant 0 : i32
        %get3A_1130 = tpu.memref_slice %arg13[%scan3A_539, %get3A_1128, %get3A_1129] : memref<2x320x128xf32, #tpu.memory_space<vmem>> -> memref<1x320x128xf32, #tpu.memory_space<vmem>>
        %get3A_1131 = tpu.memref_squeeze %get3A_1130 : memref<1x320x128xf32, #tpu.memory_space<vmem>> -> memref<320x128xf32, #tpu.memory_space<vmem>>
        %get3A_1132 = arith.index_cast %add3A_1127 : i32 to index
        %get3A_1133 = arith.constant 96 : index
        %get3A_1134 = tpu.vector_load %get3A_1131[%get3A_1132, %get3A_1133] {strides = array<i32>} : memref<320x128xf32, #tpu.memory_space<vmem>>, vector<16xf32>,
        %add3A_1135 = arith.addf %add3A_1095, %get3A_1134 : vector<16xf32>
        %add3A_1136 = arith.constant 9 : i32
        %add3A_1137 = arith.addi %mul3A_757, %add3A_1136 : i32
        %get3A_1138 = arith.constant 0 : i32
        %get3A_1139 = arith.constant 0 : i32
        %get3A_1140 = tpu.memref_slice %arg13[%scan3A_539, %get3A_1138, %get3A_1139] : memref<2x320x128xf32, #tpu.memory_space<vmem>> -> memref<1x320x128xf32, #tpu.memory_space<vmem>>
        %get3A_1141 = tpu.memref_squeeze %get3A_1140 : memref<1x320x128xf32, #tpu.memory_space<vmem>> -> memref<320x128xf32, #tpu.memory_space<vmem>>
        %get3A_1142 = arith.index_cast %add3A_1137 : i32 to index
        %get3A_1143 = arith.constant 112 : index
        %get3A_1144 = tpu.vector_load %get3A_1141[%get3A_1142, %get3A_1143] {strides = array<i32>} : memref<320x128xf32, #tpu.memory_space<vmem>>, vector<16xf32>,
        %add3A_1145 = arith.addf %add3A_1105, %get3A_1144 : vector<16xf32>
        %add3A_1146 = arith.constant 10 : i32
        %add3A_1147 = arith.addi %mul3A_757, %add3A_1146 : i32
        %get3A_1148 = arith.constant 0 : i32
        %get3A_1149 = arith.constant 0 : i32
        %get3A_1150 = tpu.memref_slice %arg13[%scan3A_539, %get3A_1148, %get3A_1149] : memref<2x320x128xf32, #tpu.memory_space<vmem>> -> memref<1x320x128xf32, #tpu.memory_space<vmem>>
        %get3A_1151 = tpu.memref_squeeze %get3A_1150 : memref<1x320x128xf32, #tpu.memory_space<vmem>> -> memref<320x128xf32, #tpu.memory_space<vmem>>
        %get3A_1152 = arith.index_cast %add3A_1147 : i32 to index
        %get3A_1153 = arith.constant 64 : index
        %get3A_1154 = tpu.vector_load %get3A_1151[%get3A_1152, %get3A_1153] {strides = array<i32>} : memref<320x128xf32, #tpu.memory_space<vmem>>, vector<16xf32>,
        %add3A_1155 = arith.addf %add3A_1115, %get3A_1154 : vector<16xf32>
        %add3A_1156 = arith.constant 10 : i32
        %add3A_1157 = arith.addi %mul3A_757, %add3A_1156 : i32
        %get3A_1158 = arith.constant 0 : i32
        %get3A_1159 = arith.constant 0 : i32
        %get3A_1160 = tpu.memref_slice %arg13[%scan3A_539, %get3A_1158, %get3A_1159] : memref<2x320x128xf32, #tpu.memory_space<vmem>> -> memref<1x320x128xf32, #tpu.memory_space<vmem>>
        %get3A_1161 = tpu.memref_squeeze %get3A_1160 : memref<1x320x128xf32, #tpu.memory_space<vmem>> -> memref<320x128xf32, #tpu.memory_space<vmem>>
        %get3A_1162 = arith.index_cast %add3A_1157 : i32 to index
        %get3A_1163 = arith.constant 80 : index
        %get3A_1164 = tpu.vector_load %get3A_1161[%get3A_1162, %get3A_1163] {strides = array<i32>} : memref<320x128xf32, #tpu.memory_space<vmem>>, vector<16xf32>,
        %add3A_1165 = arith.addf %add3A_1125, %get3A_1164 : vector<16xf32>
        %add3A_1166 = arith.constant 10 : i32
        %add3A_1167 = arith.addi %mul3A_757, %add3A_1166 : i32
        %get3A_1168 = arith.constant 0 : i32
        %get3A_1169 = arith.constant 0 : i32
        %get3A_1170 = tpu.memref_slice %arg13[%scan3A_539, %get3A_1168, %get3A_1169] : memref<2x320x128xf32, #tpu.memory_space<vmem>> -> memref<1x320x128xf32, #tpu.memory_space<vmem>>
        %get3A_1171 = tpu.memref_squeeze %get3A_1170 : memref<1x320x128xf32, #tpu.memory_space<vmem>> -> memref<320x128xf32, #tpu.memory_space<vmem>>
        %get3A_1172 = arith.index_cast %add3A_1167 : i32 to index
        %get3A_1173 = arith.constant 96 : index
        %get3A_1174 = tpu.vector_load %get3A_1171[%get3A_1172, %get3A_1173] {strides = array<i32>} : memref<320x128xf32, #tpu.memory_space<vmem>>, vector<16xf32>,
        %add3A_1175 = arith.addf %add3A_1135, %get3A_1174 : vector<16xf32>
        %add3A_1176 = arith.constant 10 : i32
        %add3A_1177 = arith.addi %mul3A_757, %add3A_1176 : i32
        %get3A_1178 = arith.constant 0 : i32
        %get3A_1179 = arith.constant 0 : i32
        %get3A_1180 = tpu.memref_slice %arg13[%scan3A_539, %get3A_1178, %get3A_1179] : memref<2x320x128xf32, #tpu.memory_space<vmem>> -> memref<1x320x128xf32, #tpu.memory_space<vmem>>
        %get3A_1181 = tpu.memref_squeeze %get3A_1180 : memref<1x320x128xf32, #tpu.memory_space<vmem>> -> memref<320x128xf32, #tpu.memory_space<vmem>>
        %get3A_1182 = arith.index_cast %add3A_1177 : i32 to index
        %get3A_1183 = arith.constant 112 : index
        %get3A_1184 = tpu.vector_load %get3A_1181[%get3A_1182, %get3A_1183] {strides = array<i32>} : memref<320x128xf32, #tpu.memory_space<vmem>>, vector<16xf32>,
        %add3A_1185 = arith.addf %add3A_1145, %get3A_1184 : vector<16xf32>
        %add3A_1186 = arith.constant 11 : i32
        %add3A_1187 = arith.addi %mul3A_757, %add3A_1186 : i32
        %get3A_1188 = arith.constant 0 : i32
        %get3A_1189 = arith.constant 0 : i32
        %get3A_1190 = tpu.memref_slice %arg13[%scan3A_539, %get3A_1188, %get3A_1189] : memref<2x320x128xf32, #tpu.memory_space<vmem>> -> memref<1x320x128xf32, #tpu.memory_space<vmem>>
        %get3A_1191 = tpu.memref_squeeze %get3A_1190 : memref<1x320x128xf32, #tpu.memory_space<vmem>> -> memref<320x128xf32, #tpu.memory_space<vmem>>
        %get3A_1192 = arith.index_cast %add3A_1187 : i32 to index
        %get3A_1193 = arith.constant 64 : index
        %get3A_1194 = tpu.vector_load %get3A_1191[%get3A_1192, %get3A_1193] {strides = array<i32>} : memref<320x128xf32, #tpu.memory_space<vmem>>, vector<16xf32>,
        %add3A_1195 = arith.addf %add3A_1155, %get3A_1194 : vector<16xf32>
        %add3A_1196 = arith.constant 11 : i32
        %add3A_1197 = arith.addi %mul3A_757, %add3A_1196 : i32
        %get3A_1198 = arith.constant 0 : i32
        %get3A_1199 = arith.constant 0 : i32
        %get3A_1200 = tpu.memref_slice %arg13[%scan3A_539, %get3A_1198, %get3A_1199] : memref<2x320x128xf32, #tpu.memory_space<vmem>> -> memref<1x320x128xf32, #tpu.memory_space<vmem>>
        %get3A_1201 = tpu.memref_squeeze %get3A_1200 : memref<1x320x128xf32, #tpu.memory_space<vmem>> -> memref<320x128xf32, #tpu.memory_space<vmem>>
        %get3A_1202 = arith.index_cast %add3A_1197 : i32 to index
        %get3A_1203 = arith.constant 80 : index
        %get3A_1204 = tpu.vector_load %get3A_1201[%get3A_1202, %get3A_1203] {strides = array<i32>} : memref<320x128xf32, #tpu.memory_space<vmem>>, vector<16xf32>,
        %add3A_1205 = arith.addf %add3A_1165, %get3A_1204 : vector<16xf32>
        %add3A_1206 = arith.constant 11 : i32
        %add3A_1207 = arith.addi %mul3A_757, %add3A_1206 : i32
        %get3A_1208 = arith.constant 0 : i32
        %get3A_1209 = arith.constant 0 : i32
        %get3A_1210 = tpu.memref_slice %arg13[%scan3A_539, %get3A_1208, %get3A_1209] : memref<2x320x128xf32, #tpu.memory_space<vmem>> -> memref<1x320x128xf32, #tpu.memory_space<vmem>>
        %get3A_1211 = tpu.memref_squeeze %get3A_1210 : memref<1x320x128xf32, #tpu.memory_space<vmem>> -> memref<320x128xf32, #tpu.memory_space<vmem>>
        %get3A_1212 = arith.index_cast %add3A_1207 : i32 to index
        %get3A_1213 = arith.constant 96 : index
        %get3A_1214 = tpu.vector_load %get3A_1211[%get3A_1212, %get3A_1213] {strides = array<i32>} : memref<320x128xf32, #tpu.memory_space<vmem>>, vector<16xf32>,
        %add3A_1215 = arith.addf %add3A_1175, %get3A_1214 : vector<16xf32>
        %add3A_1216 = arith.constant 11 : i32
        %add3A_1217 = arith.addi %mul3A_757, %add3A_1216 : i32
        %get3A_1218 = arith.constant 0 : i32
        %get3A_1219 = arith.constant 0 : i32
        %get3A_1220 = tpu.memref_slice %arg13[%scan3A_539, %get3A_1218, %get3A_1219] : memref<2x320x128xf32, #tpu.memory_space<vmem>> -> memref<1x320x128xf32, #tpu.memory_space<vmem>>
        %get3A_1221 = tpu.memref_squeeze %get3A_1220 : memref<1x320x128xf32, #tpu.memory_space<vmem>> -> memref<320x128xf32, #tpu.memory_space<vmem>>
        %get3A_1222 = arith.index_cast %add3A_1217 : i32 to index
        %get3A_1223 = arith.constant 112 : index
        %get3A_1224 = tpu.vector_load %get3A_1221[%get3A_1222, %get3A_1223] {strides = array<i32>} : memref<320x128xf32, #tpu.memory_space<vmem>>, vector<16xf32>,
        %add3A_1225 = arith.addf %add3A_1185, %get3A_1224 : vector<16xf32>
        %add3A_1226 = arith.constant 12 : i32
        %add3A_1227 = arith.addi %mul3A_757, %add3A_1226 : i32
        %get3A_1228 = arith.constant 0 : i32
        %get3A_1229 = arith.constant 0 : i32
        %get3A_1230 = tpu.memref_slice %arg13[%scan3A_539, %get3A_1228, %get3A_1229] : memref<2x320x128xf32, #tpu.memory_space<vmem>> -> memref<1x320x128xf32, #tpu.memory_space<vmem>>
        %get3A_1231 = tpu.memref_squeeze %get3A_1230 : memref<1x320x128xf32, #tpu.memory_space<vmem>> -> memref<320x128xf32, #tpu.memory_space<vmem>>
        %get3A_1232 = arith.index_cast %add3A_1227 : i32 to index
        %get3A_1233 = arith.constant 64 : index
        %get3A_1234 = tpu.vector_load %get3A_1231[%get3A_1232, %get3A_1233] {strides = array<i32>} : memref<320x128xf32, #tpu.memory_space<vmem>>, vector<16xf32>,
        %add3A_1235 = arith.addf %add3A_1195, %get3A_1234 : vector<16xf32>
        %add3A_1236 = arith.constant 12 : i32
        %add3A_1237 = arith.addi %mul3A_757, %add3A_1236 : i32
        %get3A_1238 = arith.constant 0 : i32
        %get3A_1239 = arith.constant 0 : i32
        %get3A_1240 = tpu.memref_slice %arg13[%scan3A_539, %get3A_1238, %get3A_1239] : memref<2x320x128xf32, #tpu.memory_space<vmem>> -> memref<1x320x128xf32, #tpu.memory_space<vmem>>
        %get3A_1241 = tpu.memref_squeeze %get3A_1240 : memref<1x320x128xf32, #tpu.memory_space<vmem>> -> memref<320x128xf32, #tpu.memory_space<vmem>>
        %get3A_1242 = arith.index_cast %add3A_1237 : i32 to index
        %get3A_1243 = arith.constant 80 : index
        %get3A_1244 = tpu.vector_load %get3A_1241[%get3A_1242, %get3A_1243] {strides = array<i32>} : memref<320x128xf32, #tpu.memory_space<vmem>>, vector<16xf32>,
        %add3A_1245 = arith.addf %add3A_1205, %get3A_1244 : vector<16xf32>
        %add3A_1246 = arith.constant 12 : i32
        %add3A_1247 = arith.addi %mul3A_757, %add3A_1246 : i32
        %get3A_1248 = arith.constant 0 : i32
        %get3A_1249 = arith.constant 0 : i32
        %get3A_1250 = tpu.memref_slice %arg13[%scan3A_539, %get3A_1248, %get3A_1249] : memref<2x320x128xf32, #tpu.memory_space<vmem>> -> memref<1x320x128xf32, #tpu.memory_space<vmem>>
        %get3A_1251 = tpu.memref_squeeze %get3A_1250 : memref<1x320x128xf32, #tpu.memory_space<vmem>> -> memref<320x128xf32, #tpu.memory_space<vmem>>
        %get3A_1252 = arith.index_cast %add3A_1247 : i32 to index
        %get3A_1253 = arith.constant 96 : index
        %get3A_1254 = tpu.vector_load %get3A_1251[%get3A_1252, %get3A_1253] {strides = array<i32>} : memref<320x128xf32, #tpu.memory_space<vmem>>, vector<16xf32>,
        %add3A_1255 = arith.addf %add3A_1215, %get3A_1254 : vector<16xf32>
        %add3A_1256 = arith.constant 12 : i32
        %add3A_1257 = arith.addi %mul3A_757, %add3A_1256 : i32
        %get3A_1258 = arith.constant 0 : i32
        %get3A_1259 = arith.constant 0 : i32
        %get3A_1260 = tpu.memref_slice %arg13[%scan3A_539, %get3A_1258, %get3A_1259] : memref<2x320x128xf32, #tpu.memory_space<vmem>> -> memref<1x320x128xf32, #tpu.memory_space<vmem>>
        %get3A_1261 = tpu.memref_squeeze %get3A_1260 : memref<1x320x128xf32, #tpu.memory_space<vmem>> -> memref<320x128xf32, #tpu.memory_space<vmem>>
        %get3A_1262 = arith.index_cast %add3A_1257 : i32 to index
        %get3A_1263 = arith.constant 112 : index
        %get3A_1264 = tpu.vector_load %get3A_1261[%get3A_1262, %get3A_1263] {strides = array<i32>} : memref<320x128xf32, #tpu.memory_space<vmem>>, vector<16xf32>,
        %add3A_1265 = arith.addf %add3A_1225, %get3A_1264 : vector<16xf32>
        %add3A_1266 = arith.constant 13 : i32
        %add3A_1267 = arith.addi %mul3A_757, %add3A_1266 : i32
        %get3A_1268 = arith.constant 0 : i32
        %get3A_1269 = arith.constant 0 : i32
        %get3A_1270 = tpu.memref_slice %arg13[%scan3A_539, %get3A_1268, %get3A_1269] : memref<2x320x128xf32, #tpu.memory_space<vmem>> -> memref<1x320x128xf32, #tpu.memory_space<vmem>>
        %get3A_1271 = tpu.memref_squeeze %get3A_1270 : memref<1x320x128xf32, #tpu.memory_space<vmem>> -> memref<320x128xf32, #tpu.memory_space<vmem>>
        %get3A_1272 = arith.index_cast %add3A_1267 : i32 to index
        %get3A_1273 = arith.constant 64 : index
        %get3A_1274 = tpu.vector_load %get3A_1271[%get3A_1272, %get3A_1273] {strides = array<i32>} : memref<320x128xf32, #tpu.memory_space<vmem>>, vector<16xf32>,
        %add3A_1275 = arith.addf %add3A_1235, %get3A_1274 : vector<16xf32>
        %add3A_1276 = arith.constant 13 : i32
        %add3A_1277 = arith.addi %mul3A_757, %add3A_1276 : i32
        %get3A_1278 = arith.constant 0 : i32
        %get3A_1279 = arith.constant 0 : i32
        %get3A_1280 = tpu.memref_slice %arg13[%scan3A_539, %get3A_1278, %get3A_1279] : memref<2x320x128xf32, #tpu.memory_space<vmem>> -> memref<1x320x128xf32, #tpu.memory_space<vmem>>
        %get3A_1281 = tpu.memref_squeeze %get3A_1280 : memref<1x320x128xf32, #tpu.memory_space<vmem>> -> memref<320x128xf32, #tpu.memory_space<vmem>>
        %get3A_1282 = arith.index_cast %add3A_1277 : i32 to index
        %get3A_1283 = arith.constant 80 : index
        %get3A_1284 = tpu.vector_load %get3A_1281[%get3A_1282, %get3A_1283] {strides = array<i32>} : memref<320x128xf32, #tpu.memory_space<vmem>>, vector<16xf32>,
        %add3A_1285 = arith.addf %add3A_1245, %get3A_1284 : vector<16xf32>
        %add3A_1286 = arith.constant 13 : i32
        %add3A_1287 = arith.addi %mul3A_757, %add3A_1286 : i32
        %get3A_1288 = arith.constant 0 : i32
        %get3A_1289 = arith.constant 0 : i32
        %get3A_1290 = tpu.memref_slice %arg13[%scan3A_539, %get3A_1288, %get3A_1289] : memref<2x320x128xf32, #tpu.memory_space<vmem>> -> memref<1x320x128xf32, #tpu.memory_space<vmem>>
        %get3A_1291 = tpu.memref_squeeze %get3A_1290 : memref<1x320x128xf32, #tpu.memory_space<vmem>> -> memref<320x128xf32, #tpu.memory_space<vmem>>
        %get3A_1292 = arith.index_cast %add3A_1287 : i32 to index
        %get3A_1293 = arith.constant 96 : index
        %get3A_1294 = tpu.vector_load %get3A_1291[%get3A_1292, %get3A_1293] {strides = array<i32>} : memref<320x128xf32, #tpu.memory_space<vmem>>, vector<16xf32>,
        %add3A_1295 = arith.addf %add3A_1255, %get3A_1294 : vector<16xf32>
        %add3A_1296 = arith.constant 13 : i32
        %add3A_1297 = arith.addi %mul3A_757, %add3A_1296 : i32
        %get3A_1298 = arith.constant 0 : i32
        %get3A_1299 = arith.constant 0 : i32
        %get3A_1300 = tpu.memref_slice %arg13[%scan3A_539, %get3A_1298, %get3A_1299] : memref<2x320x128xf32, #tpu.memory_space<vmem>> -> memref<1x320x128xf32, #tpu.memory_space<vmem>>
        %get3A_1301 = tpu.memref_squeeze %get3A_1300 : memref<1x320x128xf32, #tpu.memory_space<vmem>> -> memref<320x128xf32, #tpu.memory_space<vmem>>
        %get3A_1302 = arith.index_cast %add3A_1297 : i32 to index
        %get3A_1303 = arith.constant 112 : index
        %get3A_1304 = tpu.vector_load %get3A_1301[%get3A_1302, %get3A_1303] {strides = array<i32>} : memref<320x128xf32, #tpu.memory_space<vmem>>, vector<16xf32>,
        %add3A_1305 = arith.addf %add3A_1265, %get3A_1304 : vector<16xf32>
        %add3A_1306 = arith.constant 14 : i32
        %add3A_1307 = arith.addi %mul3A_757, %add3A_1306 : i32
        %get3A_1308 = arith.constant 0 : i32
        %get3A_1309 = arith.constant 0 : i32
        %get3A_1310 = tpu.memref_slice %arg13[%scan3A_539, %get3A_1308, %get3A_1309] : memref<2x320x128xf32, #tpu.memory_space<vmem>> -> memref<1x320x128xf32, #tpu.memory_space<vmem>>
        %get3A_1311 = tpu.memref_squeeze %get3A_1310 : memref<1x320x128xf32, #tpu.memory_space<vmem>> -> memref<320x128xf32, #tpu.memory_space<vmem>>
        %get3A_1312 = arith.index_cast %add3A_1307 : i32 to index
        %get3A_1313 = arith.constant 64 : index
        %get3A_1314 = tpu.vector_load %get3A_1311[%get3A_1312, %get3A_1313] {strides = array<i32>} : memref<320x128xf32, #tpu.memory_space<vmem>>, vector<16xf32>,
        %add3A_1315 = arith.addf %add3A_1275, %get3A_1314 : vector<16xf32>
        %add3A_1316 = arith.constant 14 : i32
        %add3A_1317 = arith.addi %mul3A_757, %add3A_1316 : i32
        %get3A_1318 = arith.constant 0 : i32
        %get3A_1319 = arith.constant 0 : i32
        %get3A_1320 = tpu.memref_slice %arg13[%scan3A_539, %get3A_1318, %get3A_1319] : memref<2x320x128xf32, #tpu.memory_space<vmem>> -> memref<1x320x128xf32, #tpu.memory_space<vmem>>
        %get3A_1321 = tpu.memref_squeeze %get3A_1320 : memref<1x320x128xf32, #tpu.memory_space<vmem>> -> memref<320x128xf32, #tpu.memory_space<vmem>>
        %get3A_1322 = arith.index_cast %add3A_1317 : i32 to index
        %get3A_1323 = arith.constant 80 : index
        %get3A_1324 = tpu.vector_load %get3A_1321[%get3A_1322, %get3A_1323] {strides = array<i32>} : memref<320x128xf32, #tpu.memory_space<vmem>>, vector<16xf32>,
        %add3A_1325 = arith.addf %add3A_1285, %get3A_1324 : vector<16xf32>
        %add3A_1326 = arith.constant 14 : i32
        %add3A_1327 = arith.addi %mul3A_757, %add3A_1326 : i32
        %get3A_1328 = arith.constant 0 : i32
        %get3A_1329 = arith.constant 0 : i32
        %get3A_1330 = tpu.memref_slice %arg13[%scan3A_539, %get3A_1328, %get3A_1329] : memref<2x320x128xf32, #tpu.memory_space<vmem>> -> memref<1x320x128xf32, #tpu.memory_space<vmem>>
        %get3A_1331 = tpu.memref_squeeze %get3A_1330 : memref<1x320x128xf32, #tpu.memory_space<vmem>> -> memref<320x128xf32, #tpu.memory_space<vmem>>
        %get3A_1332 = arith.index_cast %add3A_1327 : i32 to index
        %get3A_1333 = arith.constant 96 : index
        %get3A_1334 = tpu.vector_load %get3A_1331[%get3A_1332, %get3A_1333] {strides = array<i32>} : memref<320x128xf32, #tpu.memory_space<vmem>>, vector<16xf32>,
        %add3A_1335 = arith.addf %add3A_1295, %get3A_1334 : vector<16xf32>
        %add3A_1336 = arith.constant 14 : i32
        %add3A_1337 = arith.addi %mul3A_757, %add3A_1336 : i32
        %get3A_1338 = arith.constant 0 : i32
        %get3A_1339 = arith.constant 0 : i32
        %get3A_1340 = tpu.memref_slice %arg13[%scan3A_539, %get3A_1338, %get3A_1339] : memref<2x320x128xf32, #tpu.memory_space<vmem>> -> memref<1x320x128xf32, #tpu.memory_space<vmem>>
        %get3A_1341 = tpu.memref_squeeze %get3A_1340 : memref<1x320x128xf32, #tpu.memory_space<vmem>> -> memref<320x128xf32, #tpu.memory_space<vmem>>
        %get3A_1342 = arith.index_cast %add3A_1337 : i32 to index
        %get3A_1343 = arith.constant 112 : index
        %get3A_1344 = tpu.vector_load %get3A_1341[%get3A_1342, %get3A_1343] {strides = array<i32>} : memref<320x128xf32, #tpu.memory_space<vmem>>, vector<16xf32>,
        %add3A_1345 = arith.addf %add3A_1305, %get3A_1344 : vector<16xf32>
        %add3A_1346 = arith.constant 15 : i32
        %add3A_1347 = arith.addi %mul3A_757, %add3A_1346 : i32
        %get3A_1348 = arith.constant 0 : i32
        %get3A_1349 = arith.constant 0 : i32
        %get3A_1350 = tpu.memref_slice %arg13[%scan3A_539, %get3A_1348, %get3A_1349] : memref<2x320x128xf32, #tpu.memory_space<vmem>> -> memref<1x320x128xf32, #tpu.memory_space<vmem>>
        %get3A_1351 = tpu.memref_squeeze %get3A_1350 : memref<1x320x128xf32, #tpu.memory_space<vmem>> -> memref<320x128xf32, #tpu.memory_space<vmem>>
        %get3A_1352 = arith.index_cast %add3A_1347 : i32 to index
        %get3A_1353 = arith.constant 64 : index
        %get3A_1354 = tpu.vector_load %get3A_1351[%get3A_1352, %get3A_1353] {strides = array<i32>} : memref<320x128xf32, #tpu.memory_space<vmem>>, vector<16xf32>,
        %add3A_1355 = arith.addf %add3A_1315, %get3A_1354 : vector<16xf32>
        %add3A_1356 = arith.constant 15 : i32
        %add3A_1357 = arith.addi %mul3A_757, %add3A_1356 : i32
        %get3A_1358 = arith.constant 0 : i32
        %get3A_1359 = arith.constant 0 : i32
        %get3A_1360 = tpu.memref_slice %arg13[%scan3A_539, %get3A_1358, %get3A_1359] : memref<2x320x128xf32, #tpu.memory_space<vmem>> -> memref<1x320x128xf32, #tpu.memory_space<vmem>>
        %get3A_1361 = tpu.memref_squeeze %get3A_1360 : memref<1x320x128xf32, #tpu.memory_space<vmem>> -> memref<320x128xf32, #tpu.memory_space<vmem>>
        %get3A_1362 = arith.index_cast %add3A_1357 : i32 to index
        %get3A_1363 = arith.constant 80 : index
        %get3A_1364 = tpu.vector_load %get3A_1361[%get3A_1362, %get3A_1363] {strides = array<i32>} : memref<320x128xf32, #tpu.memory_space<vmem>>, vector<16xf32>,
        %add3A_1365 = arith.addf %add3A_1325, %get3A_1364 : vector<16xf32>
        %add3A_1366 = arith.constant 15 : i32
        %add3A_1367 = arith.addi %mul3A_757, %add3A_1366 : i32
        %get3A_1368 = arith.constant 0 : i32
        %get3A_1369 = arith.constant 0 : i32
        %get3A_1370 = tpu.memref_slice %arg13[%scan3A_539, %get3A_1368, %get3A_1369] : memref<2x320x128xf32, #tpu.memory_space<vmem>> -> memref<1x320x128xf32, #tpu.memory_space<vmem>>
        %get3A_1371 = tpu.memref_squeeze %get3A_1370 : memref<1x320x128xf32, #tpu.memory_space<vmem>> -> memref<320x128xf32, #tpu.memory_space<vmem>>
        %get3A_1372 = arith.index_cast %add3A_1367 : i32 to index
        %get3A_1373 = arith.constant 96 : index
        %get3A_1374 = tpu.vector_load %get3A_1371[%get3A_1372, %get3A_1373] {strides = array<i32>} : memref<320x128xf32, #tpu.memory_space<vmem>>, vector<16xf32>,
        %add3A_1375 = arith.addf %add3A_1335, %get3A_1374 : vector<16xf32>
        %add3A_1376 = arith.constant 15 : i32
        %add3A_1377 = arith.addi %mul3A_757, %add3A_1376 : i32
        %get3A_1378 = arith.constant 0 : i32
        %get3A_1379 = arith.constant 0 : i32
        %get3A_1380 = tpu.memref_slice %arg13[%scan3A_539, %get3A_1378, %get3A_1379] : memref<2x320x128xf32, #tpu.memory_space<vmem>> -> memref<1x320x128xf32, #tpu.memory_space<vmem>>
        %get3A_1381 = tpu.memref_squeeze %get3A_1380 : memref<1x320x128xf32, #tpu.memory_space<vmem>> -> memref<320x128xf32, #tpu.memory_space<vmem>>
        %get3A_1382 = arith.index_cast %add3A_1377 : i32 to index
        %get3A_1383 = arith.constant 112 : index
        %get3A_1384 = tpu.vector_load %get3A_1381[%get3A_1382, %get3A_1383] {strides = array<i32>} : memref<320x128xf32, #tpu.memory_space<vmem>>, vector<16xf32>,
        %add3A_1385 = arith.addf %add3A_1345, %get3A_1384 : vector<16xf32>
        %add3A_1386 = arith.constant 16 : i32
        %add3A_1387 = arith.addi %mul3A_757, %add3A_1386 : i32
        %get3A_1388 = arith.constant 0 : i32
        %get3A_1389 = arith.constant 0 : i32
        %get3A_1390 = tpu.memref_slice %arg13[%scan3A_539, %get3A_1388, %get3A_1389] : memref<2x320x128xf32, #tpu.memory_space<vmem>> -> memref<1x320x128xf32, #tpu.memory_space<vmem>>
        %get3A_1391 = tpu.memref_squeeze %get3A_1390 : memref<1x320x128xf32, #tpu.memory_space<vmem>> -> memref<320x128xf32, #tpu.memory_space<vmem>>
        %get3A_1392 = arith.index_cast %add3A_1387 : i32 to index
        %get3A_1393 = arith.constant 64 : index
        %get3A_1394 = tpu.vector_load %get3A_1391[%get3A_1392, %get3A_1393] {strides = array<i32>} : memref<320x128xf32, #tpu.memory_space<vmem>>, vector<16xf32>,
        %add3A_1395 = arith.addf %add3A_1355, %get3A_1394 : vector<16xf32>
        %add3A_1396 = arith.constant 16 : i32
        %add3A_1397 = arith.addi %mul3A_757, %add3A_1396 : i32
        %get3A_1398 = arith.constant 0 : i32
        %get3A_1399 = arith.constant 0 : i32
        %get3A_1400 = tpu.memref_slice %arg13[%scan3A_539, %get3A_1398, %get3A_1399] : memref<2x320x128xf32, #tpu.memory_space<vmem>> -> memref<1x320x128xf32, #tpu.memory_space<vmem>>
        %get3A_1401 = tpu.memref_squeeze %get3A_1400 : memref<1x320x128xf32, #tpu.memory_space<vmem>> -> memref<320x128xf32, #tpu.memory_space<vmem>>
        %get3A_1402 = arith.index_cast %add3A_1397 : i32 to index
        %get3A_1403 = arith.constant 80 : index
        %get3A_1404 = tpu.vector_load %get3A_1401[%get3A_1402, %get3A_1403] {strides = array<i32>} : memref<320x128xf32, #tpu.memory_space<vmem>>, vector<16xf32>,
        %add3A_1405 = arith.addf %add3A_1365, %get3A_1404 : vector<16xf32>
        %add3A_1406 = arith.constant 16 : i32
        %add3A_1407 = arith.addi %mul3A_757, %add3A_1406 : i32
        %get3A_1408 = arith.constant 0 : i32
        %get3A_1409 = arith.constant 0 : i32
        %get3A_1410 = tpu.memref_slice %arg13[%scan3A_539, %get3A_1408, %get3A_1409] : memref<2x320x128xf32, #tpu.memory_space<vmem>> -> memref<1x320x128xf32, #tpu.memory_space<vmem>>
        %get3A_1411 = tpu.memref_squeeze %get3A_1410 : memref<1x320x128xf32, #tpu.memory_space<vmem>> -> memref<320x128xf32, #tpu.memory_space<vmem>>
        %get3A_1412 = arith.index_cast %add3A_1407 : i32 to index
        %get3A_1413 = arith.constant 96 : index
        %get3A_1414 = tpu.vector_load %get3A_1411[%get3A_1412, %get3A_1413] {strides = array<i32>} : memref<320x128xf32, #tpu.memory_space<vmem>>, vector<16xf32>,
        %add3A_1415 = arith.addf %add3A_1375, %get3A_1414 : vector<16xf32>
        %add3A_1416 = arith.constant 16 : i32
        %add3A_1417 = arith.addi %mul3A_757, %add3A_1416 : i32
        %get3A_1418 = arith.constant 0 : i32
        %get3A_1419 = arith.constant 0 : i32
        %get3A_1420 = tpu.memref_slice %arg13[%scan3A_539, %get3A_1418, %get3A_1419] : memref<2x320x128xf32, #tpu.memory_space<vmem>> -> memref<1x320x128xf32, #tpu.memory_space<vmem>>
        %get3A_1421 = tpu.memref_squeeze %get3A_1420 : memref<1x320x128xf32, #tpu.memory_space<vmem>> -> memref<320x128xf32, #tpu.memory_space<vmem>>
        %get3A_1422 = arith.index_cast %add3A_1417 : i32 to index
        %get3A_1423 = arith.constant 112 : index
        %get3A_1424 = tpu.vector_load %get3A_1421[%get3A_1422, %get3A_1423] {strides = array<i32>} : memref<320x128xf32, #tpu.memory_space<vmem>>, vector<16xf32>,
        %add3A_1425 = arith.addf %add3A_1385, %get3A_1424 : vector<16xf32>
        %add3A_1426 = arith.constant 17 : i32
        %add3A_1427 = arith.addi %mul3A_757, %add3A_1426 : i32
        %get3A_1428 = arith.constant 0 : i32
        %get3A_1429 = arith.constant 0 : i32
        %get3A_1430 = tpu.memref_slice %arg13[%scan3A_539, %get3A_1428, %get3A_1429] : memref<2x320x128xf32, #tpu.memory_space<vmem>> -> memref<1x320x128xf32, #tpu.memory_space<vmem>>
        %get3A_1431 = tpu.memref_squeeze %get3A_1430 : memref<1x320x128xf32, #tpu.memory_space<vmem>> -> memref<320x128xf32, #tpu.memory_space<vmem>>
        %get3A_1432 = arith.index_cast %add3A_1427 : i32 to index
        %get3A_1433 = arith.constant 64 : index
        %get3A_1434 = tpu.vector_load %get3A_1431[%get3A_1432, %get3A_1433] {strides = array<i32>} : memref<320x128xf32, #tpu.memory_space<vmem>>, vector<16xf32>,
        %add3A_1435 = arith.addf %add3A_1395, %get3A_1434 : vector<16xf32>
        %add3A_1436 = arith.constant 17 : i32
        %add3A_1437 = arith.addi %mul3A_757, %add3A_1436 : i32
        %get3A_1438 = arith.constant 0 : i32
        %get3A_1439 = arith.constant 0 : i32
        %get3A_1440 = tpu.memref_slice %arg13[%scan3A_539, %get3A_1438, %get3A_1439] : memref<2x320x128xf32, #tpu.memory_space<vmem>> -> memref<1x320x128xf32, #tpu.memory_space<vmem>>
        %get3A_1441 = tpu.memref_squeeze %get3A_1440 : memref<1x320x128xf32, #tpu.memory_space<vmem>> -> memref<320x128xf32, #tpu.memory_space<vmem>>
        %get3A_1442 = arith.index_cast %add3A_1437 : i32 to index
        %get3A_1443 = arith.constant 80 : index
        %get3A_1444 = tpu.vector_load %get3A_1441[%get3A_1442, %get3A_1443] {strides = array<i32>} : memref<320x128xf32, #tpu.memory_space<vmem>>, vector<16xf32>,
        %add3A_1445 = arith.addf %add3A_1405, %get3A_1444 : vector<16xf32>
        %add3A_1446 = arith.constant 17 : i32
        %add3A_1447 = arith.addi %mul3A_757, %add3A_1446 : i32
        %get3A_1448 = arith.constant 0 : i32
        %get3A_1449 = arith.constant 0 : i32
        %get3A_1450 = tpu.memref_slice %arg13[%scan3A_539, %get3A_1448, %get3A_1449] : memref<2x320x128xf32, #tpu.memory_space<vmem>> -> memref<1x320x128xf32, #tpu.memory_space<vmem>>
        %get3A_1451 = tpu.memref_squeeze %get3A_1450 : memref<1x320x128xf32, #tpu.memory_space<vmem>> -> memref<320x128xf32, #tpu.memory_space<vmem>>
        %get3A_1452 = arith.index_cast %add3A_1447 : i32 to index
        %get3A_1453 = arith.constant 96 : index
        %get3A_1454 = tpu.vector_load %get3A_1451[%get3A_1452, %get3A_1453] {strides = array<i32>} : memref<320x128xf32, #tpu.memory_space<vmem>>, vector<16xf32>,
        %add3A_1455 = arith.addf %add3A_1415, %get3A_1454 : vector<16xf32>
        %add3A_1456 = arith.constant 17 : i32
        %add3A_1457 = arith.addi %mul3A_757, %add3A_1456 : i32
        %get3A_1458 = arith.constant 0 : i32
        %get3A_1459 = arith.constant 0 : i32
        %get3A_1460 = tpu.memref_slice %arg13[%scan3A_539, %get3A_1458, %get3A_1459] : memref<2x320x128xf32, #tpu.memory_space<vmem>> -> memref<1x320x128xf32, #tpu.memory_space<vmem>>
        %get3A_1461 = tpu.memref_squeeze %get3A_1460 : memref<1x320x128xf32, #tpu.memory_space<vmem>> -> memref<320x128xf32, #tpu.memory_space<vmem>>
        %get3A_1462 = arith.index_cast %add3A_1457 : i32 to index
        %get3A_1463 = arith.constant 112 : index
        %get3A_1464 = tpu.vector_load %get3A_1461[%get3A_1462, %get3A_1463] {strides = array<i32>} : memref<320x128xf32, #tpu.memory_space<vmem>>, vector<16xf32>,
        %add3A_1465 = arith.addf %add3A_1425, %get3A_1464 : vector<16xf32>
        %add3A_1466 = arith.constant 18 : i32
        %add3A_1467 = arith.addi %mul3A_757, %add3A_1466 : i32
        %get3A_1468 = arith.constant 0 : i32
        %get3A_1469 = arith.constant 0 : i32
        %get3A_1470 = tpu.memref_slice %arg13[%scan3A_539, %get3A_1468, %get3A_1469] : memref<2x320x128xf32, #tpu.memory_space<vmem>> -> memref<1x320x128xf32, #tpu.memory_space<vmem>>
        %get3A_1471 = tpu.memref_squeeze %get3A_1470 : memref<1x320x128xf32, #tpu.memory_space<vmem>> -> memref<320x128xf32, #tpu.memory_space<vmem>>
        %get3A_1472 = arith.index_cast %add3A_1467 : i32 to index
        %get3A_1473 = arith.constant 64 : index
        %get3A_1474 = tpu.vector_load %get3A_1471[%get3A_1472, %get3A_1473] {strides = array<i32>} : memref<320x128xf32, #tpu.memory_space<vmem>>, vector<16xf32>,
        %add3A_1475 = arith.addf %add3A_1435, %get3A_1474 : vector<16xf32>
        %add3A_1476 = arith.constant 18 : i32
        %add3A_1477 = arith.addi %mul3A_757, %add3A_1476 : i32
        %get3A_1478 = arith.constant 0 : i32
        %get3A_1479 = arith.constant 0 : i32
        %get3A_1480 = tpu.memref_slice %arg13[%scan3A_539, %get3A_1478, %get3A_1479] : memref<2x320x128xf32, #tpu.memory_space<vmem>> -> memref<1x320x128xf32, #tpu.memory_space<vmem>>
        %get3A_1481 = tpu.memref_squeeze %get3A_1480 : memref<1x320x128xf32, #tpu.memory_space<vmem>> -> memref<320x128xf32, #tpu.memory_space<vmem>>
        %get3A_1482 = arith.index_cast %add3A_1477 : i32 to index
        %get3A_1483 = arith.constant 80 : index
        %get3A_1484 = tpu.vector_load %get3A_1481[%get3A_1482, %get3A_1483] {strides = array<i32>} : memref<320x128xf32, #tpu.memory_space<vmem>>, vector<16xf32>,
        %add3A_1485 = arith.addf %add3A_1445, %get3A_1484 : vector<16xf32>
        %add3A_1486 = arith.constant 18 : i32
        %add3A_1487 = arith.addi %mul3A_757, %add3A_1486 : i32
        %get3A_1488 = arith.constant 0 : i32
        %get3A_1489 = arith.constant 0 : i32
        %get3A_1490 = tpu.memref_slice %arg13[%scan3A_539, %get3A_1488, %get3A_1489] : memref<2x320x128xf32, #tpu.memory_space<vmem>> -> memref<1x320x128xf32, #tpu.memory_space<vmem>>
        %get3A_1491 = tpu.memref_squeeze %get3A_1490 : memref<1x320x128xf32, #tpu.memory_space<vmem>> -> memref<320x128xf32, #tpu.memory_space<vmem>>
        %get3A_1492 = arith.index_cast %add3A_1487 : i32 to index
        %get3A_1493 = arith.constant 96 : index
        %get3A_1494 = tpu.vector_load %get3A_1491[%get3A_1492, %get3A_1493] {strides = array<i32>} : memref<320x128xf32, #tpu.memory_space<vmem>>, vector<16xf32>,
        %add3A_1495 = arith.addf %add3A_1455, %get3A_1494 : vector<16xf32>
        %add3A_1496 = arith.constant 18 : i32
        %add3A_1497 = arith.addi %mul3A_757, %add3A_1496 : i32
        %get3A_1498 = arith.constant 0 : i32
        %get3A_1499 = arith.constant 0 : i32
        %get3A_1500 = tpu.memref_slice %arg13[%scan3A_539, %get3A_1498, %get3A_1499] : memref<2x320x128xf32, #tpu.memory_space<vmem>> -> memref<1x320x128xf32, #tpu.memory_space<vmem>>
        %get3A_1501 = tpu.memref_squeeze %get3A_1500 : memref<1x320x128xf32, #tpu.memory_space<vmem>> -> memref<320x128xf32, #tpu.memory_space<vmem>>
        %get3A_1502 = arith.index_cast %add3A_1497 : i32 to index
        %get3A_1503 = arith.constant 112 : index
        %get3A_1504 = tpu.vector_load %get3A_1501[%get3A_1502, %get3A_1503] {strides = array<i32>} : memref<320x128xf32, #tpu.memory_space<vmem>>, vector<16xf32>,
        %add3A_1505 = arith.addf %add3A_1465, %get3A_1504 : vector<16xf32>
        %add3A_1506 = arith.constant 19 : i32
        %add3A_1507 = arith.addi %mul3A_757, %add3A_1506 : i32
        %get3A_1508 = arith.constant 0 : i32
        %get3A_1509 = arith.constant 0 : i32
        %get3A_1510 = tpu.memref_slice %arg13[%scan3A_539, %get3A_1508, %get3A_1509] : memref<2x320x128xf32, #tpu.memory_space<vmem>> -> memref<1x320x128xf32, #tpu.memory_space<vmem>>
        %get3A_1511 = tpu.memref_squeeze %get3A_1510 : memref<1x320x128xf32, #tpu.memory_space<vmem>> -> memref<320x128xf32, #tpu.memory_space<vmem>>
        %get3A_1512 = arith.index_cast %add3A_1507 : i32 to index
        %get3A_1513 = arith.constant 64 : index
        %get3A_1514 = tpu.vector_load %get3A_1511[%get3A_1512, %get3A_1513] {strides = array<i32>} : memref<320x128xf32, #tpu.memory_space<vmem>>, vector<16xf32>,
        %add3A_1515 = arith.addf %add3A_1475, %get3A_1514 : vector<16xf32>
        %add3A_1516 = arith.constant 19 : i32
        %add3A_1517 = arith.addi %mul3A_757, %add3A_1516 : i32
        %get3A_1518 = arith.constant 0 : i32
        %get3A_1519 = arith.constant 0 : i32
        %get3A_1520 = tpu.memref_slice %arg13[%scan3A_539, %get3A_1518, %get3A_1519] : memref<2x320x128xf32, #tpu.memory_space<vmem>> -> memref<1x320x128xf32, #tpu.memory_space<vmem>>
        %get3A_1521 = tpu.memref_squeeze %get3A_1520 : memref<1x320x128xf32, #tpu.memory_space<vmem>> -> memref<320x128xf32, #tpu.memory_space<vmem>>
        %get3A_1522 = arith.index_cast %add3A_1517 : i32 to index
        %get3A_1523 = arith.constant 80 : index
        %get3A_1524 = tpu.vector_load %get3A_1521[%get3A_1522, %get3A_1523] {strides = array<i32>} : memref<320x128xf32, #tpu.memory_space<vmem>>, vector<16xf32>,
        %add3A_1525 = arith.addf %add3A_1485, %get3A_1524 : vector<16xf32>
        %add3A_1526 = arith.constant 19 : i32
        %add3A_1527 = arith.addi %mul3A_757, %add3A_1526 : i32
        %get3A_1528 = arith.constant 0 : i32
        %get3A_1529 = arith.constant 0 : i32
        %get3A_1530 = tpu.memref_slice %arg13[%scan3A_539, %get3A_1528, %get3A_1529] : memref<2x320x128xf32, #tpu.memory_space<vmem>> -> memref<1x320x128xf32, #tpu.memory_space<vmem>>
        %get3A_1531 = tpu.memref_squeeze %get3A_1530 : memref<1x320x128xf32, #tpu.memory_space<vmem>> -> memref<320x128xf32, #tpu.memory_space<vmem>>
        %get3A_1532 = arith.index_cast %add3A_1527 : i32 to index
        %get3A_1533 = arith.constant 96 : index
        %get3A_1534 = tpu.vector_load %get3A_1531[%get3A_1532, %get3A_1533] {strides = array<i32>} : memref<320x128xf32, #tpu.memory_space<vmem>>, vector<16xf32>,
        %add3A_1535 = arith.addf %add3A_1495, %get3A_1534 : vector<16xf32>
        %add3A_1536 = arith.constant 19 : i32
        %add3A_1537 = arith.addi %mul3A_757, %add3A_1536 : i32
        %get3A_1538 = arith.constant 0 : i32
        %get3A_1539 = arith.constant 0 : i32
        %get3A_1540 = tpu.memref_slice %arg13[%scan3A_539, %get3A_1538, %get3A_1539] : memref<2x320x128xf32, #tpu.memory_space<vmem>> -> memref<1x320x128xf32, #tpu.memory_space<vmem>>
        %get3A_1541 = tpu.memref_squeeze %get3A_1540 : memref<1x320x128xf32, #tpu.memory_space<vmem>> -> memref<320x128xf32, #tpu.memory_space<vmem>>
        %get3A_1542 = arith.index_cast %add3A_1537 : i32 to index
        %get3A_1543 = arith.constant 112 : index
        %get3A_1544 = tpu.vector_load %get3A_1541[%get3A_1542, %get3A_1543] {strides = array<i32>} : memref<320x128xf32, #tpu.memory_space<vmem>>, vector<16xf32>,
        %add3A_1545 = arith.addf %add3A_1505, %get3A_1544 : vector<16xf32>
        %mul3A_1546 = arith.mulf %get3A_699, %add3A_1515 : vector<16xf32>
        %mul3A_1547 = arith.mulf %get3A_706, %add3A_1525 : vector<16xf32>
        %add3A_1548 = arith.addf %mul3A_1546, %mul3A_1547 : vector<16xf32>
        %mul3A_1549 = arith.mulf %get3A_713, %add3A_1535 : vector<16xf32>
        %add3A_1550 = arith.addf %add3A_1548, %mul3A_1549 : vector<16xf32>
        %mul3A_1551 = arith.mulf %get3A_720, %add3A_1545 : vector<16xf32>
        %add3A_1552 = arith.addf %add3A_1550, %mul3A_1551 : vector<16xf32>
        %swap3A_1553 = arith.index_cast %scan3A_693 : i32 to index
        %swap3A_1554 = arith.constant 0 : index
        %swap3A_1555 = tpu.vector_load %arg14[%swap3A_1553, %swap3A_1554] {strides = array<i32>} : memref<16x16xf32, #tpu.memory_space<vmem>>, vector<16xf32>,
        tpu.vector_store %arg14[%swap3A_1553, %swap3A_1554], %add3A_755 {strides = array<i32>} : memref<16x16xf32, #tpu.memory_space<vmem>>, vector<16xf32>,
        %swap3A_1556 = arith.index_cast %scan3A_693 : i32 to index
        %swap3A_1557 = arith.constant 0 : index
        %swap3A_1558 = tpu.vector_load %arg15[%swap3A_1556, %swap3A_1557] {strides = array<i32>} : memref<16x16xf32, #tpu.memory_space<vmem>>, vector<16xf32>,
        tpu.vector_store %arg15[%swap3A_1556, %swap3A_1557], %add3A_1552 {strides = array<i32>} : memref<16x16xf32, #tpu.memory_space<vmem>>, vector<16xf32>,
      }
      %scan3A_544 = arith.constant 16 : i32
      %broadcast_in_dim3A_545 = arith.constant 0.000000e+00 : f32
      %broadcast_in_dim3A_546 = vector.broadcast %broadcast_in_dim3A_545 : f32 to vector<16xf32>
      %broadcast_in_dim3A_547 = arith.constant 0.000000e+00 : f32
      %broadcast_in_dim3A_548 = vector.broadcast %broadcast_in_dim3A_547 : f32 to vector<16xf32>
      %broadcast_in_dim3A_549 = arith.constant 0 : i32
      %broadcast_in_dim3A_550 = vector.broadcast %broadcast_in_dim3A_549 : i32 to vector<16xi32>
      %gather3A_551 = tpu.vector_load_idx %arg14[%iota3A, %broadcast_in_dim3A_550] : memref<16x16xf32, #tpu.memory_space<vmem>>[vector<16xi32>, vector<16xi32>], vector<16xf32>,
      %add3A_552 = arith.addf %broadcast_in_dim3A_546, %gather3A_551 : vector<16xf32>
      %gather3A_553 = tpu.vector_load_idx %arg15[%iota3A, %broadcast_in_dim3A_550] : memref<16x16xf32, #tpu.memory_space<vmem>>[vector<16xi32>, vector<16xi32>], vector<16xf32>,
      %add3A_554 = arith.addf %broadcast_in_dim3A_548, %gather3A_553 : vector<16xf32>
      %broadcast_in_dim3A_555 = arith.constant 1 : i32
      %broadcast_in_dim3A_556 = vector.broadcast %broadcast_in_dim3A_555 : i32 to vector<16xi32>
      %gather3A_557 = tpu.vector_load_idx %arg14[%iota3A, %broadcast_in_dim3A_556] : memref<16x16xf32, #tpu.memory_space<vmem>>[vector<16xi32>, vector<16xi32>], vector<16xf32>,
      %add3A_558 = arith.addf %add3A_552, %gather3A_557 : vector<16xf32>
      %gather3A_559 = tpu.vector_load_idx %arg15[%iota3A, %broadcast_in_dim3A_556] : memref<16x16xf32, #tpu.memory_space<vmem>>[vector<16xi32>, vector<16xi32>], vector<16xf32>,
      %add3A_560 = arith.addf %add3A_554, %gather3A_559 : vector<16xf32>
      %broadcast_in_dim3A_561 = arith.constant 2 : i32
      %broadcast_in_dim3A_562 = vector.broadcast %broadcast_in_dim3A_561 : i32 to vector<16xi32>
      %gather3A_563 = tpu.vector_load_idx %arg14[%iota3A, %broadcast_in_dim3A_562] : memref<16x16xf32, #tpu.memory_space<vmem>>[vector<16xi32>, vector<16xi32>], vector<16xf32>,
      %add3A_564 = arith.addf %add3A_558, %gather3A_563 : vector<16xf32>
      %gather3A_565 = tpu.vector_load_idx %arg15[%iota3A, %broadcast_in_dim3A_562] : memref<16x16xf32, #tpu.memory_space<vmem>>[vector<16xi32>, vector<16xi32>], vector<16xf32>,
      %add3A_566 = arith.addf %add3A_560, %gather3A_565 : vector<16xf32>
      %broadcast_in_dim3A_567 = arith.constant 3 : i32
      %broadcast_in_dim3A_568 = vector.broadcast %broadcast_in_dim3A_567 : i32 to vector<16xi32>
      %gather3A_569 = tpu.vector_load_idx %arg14[%iota3A, %broadcast_in_dim3A_568] : memref<16x16xf32, #tpu.memory_space<vmem>>[vector<16xi32>, vector<16xi32>], vector<16xf32>,
      %add3A_570 = arith.addf %add3A_564, %gather3A_569 : vector<16xf32>
      %gather3A_571 = tpu.vector_load_idx %arg15[%iota3A, %broadcast_in_dim3A_568] : memref<16x16xf32, #tpu.memory_space<vmem>>[vector<16xi32>, vector<16xi32>], vector<16xf32>,
      %add3A_572 = arith.addf %add3A_566, %gather3A_571 : vector<16xf32>
      %broadcast_in_dim3A_573 = arith.constant 4 : i32
      %broadcast_in_dim3A_574 = vector.broadcast %broadcast_in_dim3A_573 : i32 to vector<16xi32>
      %gather3A_575 = tpu.vector_load_idx %arg14[%iota3A, %broadcast_in_dim3A_574] : memref<16x16xf32, #tpu.memory_space<vmem>>[vector<16xi32>, vector<16xi32>], vector<16xf32>,
      %add3A_576 = arith.addf %add3A_570, %gather3A_575 : vector<16xf32>
      %gather3A_577 = tpu.vector_load_idx %arg15[%iota3A, %broadcast_in_dim3A_574] : memref<16x16xf32, #tpu.memory_space<vmem>>[vector<16xi32>, vector<16xi32>], vector<16xf32>,
      %add3A_578 = arith.addf %add3A_572, %gather3A_577 : vector<16xf32>
      %broadcast_in_dim3A_579 = arith.constant 5 : i32
      %broadcast_in_dim3A_580 = vector.broadcast %broadcast_in_dim3A_579 : i32 to vector<16xi32>
      %gather3A_581 = tpu.vector_load_idx %arg14[%iota3A, %broadcast_in_dim3A_580] : memref<16x16xf32, #tpu.memory_space<vmem>>[vector<16xi32>, vector<16xi32>], vector<16xf32>,
      %add3A_582 = arith.addf %add3A_576, %gather3A_581 : vector<16xf32>
      %gather3A_583 = tpu.vector_load_idx %arg15[%iota3A, %broadcast_in_dim3A_580] : memref<16x16xf32, #tpu.memory_space<vmem>>[vector<16xi32>, vector<16xi32>], vector<16xf32>,
      %add3A_584 = arith.addf %add3A_578, %gather3A_583 : vector<16xf32>
      %broadcast_in_dim3A_585 = arith.constant 6 : i32
      %broadcast_in_dim3A_586 = vector.broadcast %broadcast_in_dim3A_585 : i32 to vector<16xi32>
      %gather3A_587 = tpu.vector_load_idx %arg14[%iota3A, %broadcast_in_dim3A_586] : memref<16x16xf32, #tpu.memory_space<vmem>>[vector<16xi32>, vector<16xi32>], vector<16xf32>,
      %add3A_588 = arith.addf %add3A_582, %gather3A_587 : vector<16xf32>
      %gather3A_589 = tpu.vector_load_idx %arg15[%iota3A, %broadcast_in_dim3A_586] : memref<16x16xf32, #tpu.memory_space<vmem>>[vector<16xi32>, vector<16xi32>], vector<16xf32>,
      %add3A_590 = arith.addf %add3A_584, %gather3A_589 : vector<16xf32>
      %broadcast_in_dim3A_591 = arith.constant 7 : i32
      %broadcast_in_dim3A_592 = vector.broadcast %broadcast_in_dim3A_591 : i32 to vector<16xi32>
      %gather3A_593 = tpu.vector_load_idx %arg14[%iota3A, %broadcast_in_dim3A_592] : memref<16x16xf32, #tpu.memory_space<vmem>>[vector<16xi32>, vector<16xi32>], vector<16xf32>,
      %add3A_594 = arith.addf %add3A_588, %gather3A_593 : vector<16xf32>
      %gather3A_595 = tpu.vector_load_idx %arg15[%iota3A, %broadcast_in_dim3A_592] : memref<16x16xf32, #tpu.memory_space<vmem>>[vector<16xi32>, vector<16xi32>], vector<16xf32>,
      %add3A_596 = arith.addf %add3A_590, %gather3A_595 : vector<16xf32>
      %broadcast_in_dim3A_597 = arith.constant 8 : i32
      %broadcast_in_dim3A_598 = vector.broadcast %broadcast_in_dim3A_597 : i32 to vector<16xi32>
      %gather3A_599 = tpu.vector_load_idx %arg14[%iota3A, %broadcast_in_dim3A_598] : memref<16x16xf32, #tpu.memory_space<vmem>>[vector<16xi32>, vector<16xi32>], vector<16xf32>,
      %add3A_600 = arith.addf %add3A_594, %gather3A_599 : vector<16xf32>
      %gather3A_601 = tpu.vector_load_idx %arg15[%iota3A, %broadcast_in_dim3A_598] : memref<16x16xf32, #tpu.memory_space<vmem>>[vector<16xi32>, vector<16xi32>], vector<16xf32>,
      %add3A_602 = arith.addf %add3A_596, %gather3A_601 : vector<16xf32>
      %broadcast_in_dim3A_603 = arith.constant 9 : i32
      %broadcast_in_dim3A_604 = vector.broadcast %broadcast_in_dim3A_603 : i32 to vector<16xi32>
      %gather3A_605 = tpu.vector_load_idx %arg14[%iota3A, %broadcast_in_dim3A_604] : memref<16x16xf32, #tpu.memory_space<vmem>>[vector<16xi32>, vector<16xi32>], vector<16xf32>,
      %add3A_606 = arith.addf %add3A_600, %gather3A_605 : vector<16xf32>
      %gather3A_607 = tpu.vector_load_idx %arg15[%iota3A, %broadcast_in_dim3A_604] : memref<16x16xf32, #tpu.memory_space<vmem>>[vector<16xi32>, vector<16xi32>], vector<16xf32>,
      %add3A_608 = arith.addf %add3A_602, %gather3A_607 : vector<16xf32>
      %broadcast_in_dim3A_609 = arith.constant 10 : i32
      %broadcast_in_dim3A_610 = vector.broadcast %broadcast_in_dim3A_609 : i32 to vector<16xi32>
      %gather3A_611 = tpu.vector_load_idx %arg14[%iota3A, %broadcast_in_dim3A_610] : memref<16x16xf32, #tpu.memory_space<vmem>>[vector<16xi32>, vector<16xi32>], vector<16xf32>,
      %add3A_612 = arith.addf %add3A_606, %gather3A_611 : vector<16xf32>
      %gather3A_613 = tpu.vector_load_idx %arg15[%iota3A, %broadcast_in_dim3A_610] : memref<16x16xf32, #tpu.memory_space<vmem>>[vector<16xi32>, vector<16xi32>], vector<16xf32>,
      %add3A_614 = arith.addf %add3A_608, %gather3A_613 : vector<16xf32>
      %broadcast_in_dim3A_615 = arith.constant 11 : i32
      %broadcast_in_dim3A_616 = vector.broadcast %broadcast_in_dim3A_615 : i32 to vector<16xi32>
      %gather3A_617 = tpu.vector_load_idx %arg14[%iota3A, %broadcast_in_dim3A_616] : memref<16x16xf32, #tpu.memory_space<vmem>>[vector<16xi32>, vector<16xi32>], vector<16xf32>,
      %add3A_618 = arith.addf %add3A_612, %gather3A_617 : vector<16xf32>
      %gather3A_619 = tpu.vector_load_idx %arg15[%iota3A, %broadcast_in_dim3A_616] : memref<16x16xf32, #tpu.memory_space<vmem>>[vector<16xi32>, vector<16xi32>], vector<16xf32>,
      %add3A_620 = arith.addf %add3A_614, %gather3A_619 : vector<16xf32>
      %broadcast_in_dim3A_621 = arith.constant 12 : i32
      %broadcast_in_dim3A_622 = vector.broadcast %broadcast_in_dim3A_621 : i32 to vector<16xi32>
      %gather3A_623 = tpu.vector_load_idx %arg14[%iota3A, %broadcast_in_dim3A_622] : memref<16x16xf32, #tpu.memory_space<vmem>>[vector<16xi32>, vector<16xi32>], vector<16xf32>,
      %add3A_624 = arith.addf %add3A_618, %gather3A_623 : vector<16xf32>
      %gather3A_625 = tpu.vector_load_idx %arg15[%iota3A, %broadcast_in_dim3A_622] : memref<16x16xf32, #tpu.memory_space<vmem>>[vector<16xi32>, vector<16xi32>], vector<16xf32>,
      %add3A_626 = arith.addf %add3A_620, %gather3A_625 : vector<16xf32>
      %broadcast_in_dim3A_627 = arith.constant 13 : i32
      %broadcast_in_dim3A_628 = vector.broadcast %broadcast_in_dim3A_627 : i32 to vector<16xi32>
      %gather3A_629 = tpu.vector_load_idx %arg14[%iota3A, %broadcast_in_dim3A_628] : memref<16x16xf32, #tpu.memory_space<vmem>>[vector<16xi32>, vector<16xi32>], vector<16xf32>,
      %add3A_630 = arith.addf %add3A_624, %gather3A_629 : vector<16xf32>
      %gather3A_631 = tpu.vector_load_idx %arg15[%iota3A, %broadcast_in_dim3A_628] : memref<16x16xf32, #tpu.memory_space<vmem>>[vector<16xi32>, vector<16xi32>], vector<16xf32>,
      %add3A_632 = arith.addf %add3A_626, %gather3A_631 : vector<16xf32>
      %broadcast_in_dim3A_633 = arith.constant 14 : i32
      %broadcast_in_dim3A_634 = vector.broadcast %broadcast_in_dim3A_633 : i32 to vector<16xi32>
      %gather3A_635 = tpu.vector_load_idx %arg14[%iota3A, %broadcast_in_dim3A_634] : memref<16x16xf32, #tpu.memory_space<vmem>>[vector<16xi32>, vector<16xi32>], vector<16xf32>,
      %add3A_636 = arith.addf %add3A_630, %gather3A_635 : vector<16xf32>
      %gather3A_637 = tpu.vector_load_idx %arg15[%iota3A, %broadcast_in_dim3A_634] : memref<16x16xf32, #tpu.memory_space<vmem>>[vector<16xi32>, vector<16xi32>], vector<16xf32>,
      %add3A_638 = arith.addf %add3A_632, %gather3A_637 : vector<16xf32>
      %broadcast_in_dim3A_639 = arith.constant 15 : i32
      %broadcast_in_dim3A_640 = vector.broadcast %broadcast_in_dim3A_639 : i32 to vector<16xi32>
      %gather3A_641 = tpu.vector_load_idx %arg14[%iota3A, %broadcast_in_dim3A_640] : memref<16x16xf32, #tpu.memory_space<vmem>>[vector<16xi32>, vector<16xi32>], vector<16xf32>,
      %add3A_642 = arith.addf %add3A_636, %gather3A_641 : vector<16xf32>
      %gather3A_643 = tpu.vector_load_idx %arg15[%iota3A, %broadcast_in_dim3A_640] : memref<16x16xf32, #tpu.memory_space<vmem>>[vector<16xi32>, vector<16xi32>], vector<16xf32>,
      %add3A_644 = arith.addf %add3A_638, %gather3A_643 : vector<16xf32>
      %mul3A_645 = arith.constant 16 : i32
      %mul3A_646 = arith.muli %add3A_535, %mul3A_645 : i32
      %jit3A_647 = arith.constant 128 : i32
      %div3A_648 = arith.divsi %mul3A_646, %jit3A_647 : i32
      %sign3A_649 = arith.constant 0 : i32
      %sign3A_650 = arith.cmpi sgt, %mul3A_646, %sign3A_649 : i32
      %sign3A_651 = arith.extui %sign3A_650 : i1 to i32
      %sign3A_652 = arith.constant 0 : i32
      %sign3A_653 = arith.cmpi slt, %mul3A_646, %sign3A_652 : i32
      %sign3A_654 = arith.extui %sign3A_653 : i1 to i32
      %sign3A_655 = arith.subi %sign3A_651, %sign3A_654 : i32
      %sign3A_656 = arith.constant 0 : i32
      %sign3A_657 = arith.cmpi sgt, %jit3A_647, %sign3A_656 : i32
      %sign3A_658 = arith.extui %sign3A_657 : i1 to i32
      %sign3A_659 = arith.constant 0 : i32
      %sign3A_660 = arith.cmpi slt, %jit3A_647, %sign3A_659 : i32
      %sign3A_661 = arith.extui %sign3A_660 : i1 to i32
      %sign3A_662 = arith.subi %sign3A_658, %sign3A_661 : i32
      %ne3A_663 = arith.cmpi ne, %sign3A_655, %sign3A_662 : i32
      %rem3A_664 = arith.remsi %mul3A_646, %jit3A_647 : i32
      %ne3A_665 = arith.constant 0 : i32
      %ne3A_666 = arith.cmpi ne, %rem3A_664, %ne3A_665 : i32
      %and3A_667 = arith.andi %ne3A_663, %ne3A_666 : i1
      %sub3A_668 = arith.constant 1 : i32
      %sub3A_669 = arith.subi %div3A_648, %sub3A_668 : i32
      %select_n3A_670 = arith.select %and3A_667, %sub3A_669, %div3A_648 : i32
      %jit3A_671 = arith.constant 128 : i32
      %eq3A_672 = arith.constant 0 : i32
      %eq3A_673 = arith.cmpi eq, %jit3A_671, %eq3A_672 : i32
      %jit3A_674 = arith.constant 1 : i32
      %select_n3A_675 = arith.select %eq3A_673, %jit3A_674, %jit3A_671 : i32
      %rem3A_676 = arith.remsi %mul3A_646, %select_n3A_675 : i32
      %ne3A_677 = arith.constant 0 : i32
      %ne3A_678 = arith.cmpi ne, %rem3A_676, %ne3A_677 : i32
      %lt3A_679 = arith.constant 0 : i32
      %lt3A_680 = arith.cmpi slt, %rem3A_676, %lt3A_679 : i32
      %lt3A_681 = arith.constant 0 : i32
      %lt3A_682 = arith.cmpi slt, %select_n3A_675, %lt3A_681 : i32
      %ne3A_683 = arith.xori %lt3A_680, %lt3A_682 : i1
      %and3A_684 = arith.andi %ne3A_683, %ne3A_678 : i1
      %add3A_685 = arith.addi %rem3A_676, %select_n3A_675 : i32
      %select_n3A_686 = arith.select %and3A_684, %add3A_685, %rem3A_676 : i32
      %swap3A_687 = arith.index_cast %select_n3A_670 : i32 to index
      %swap3A_688 = arith.index_cast %select_n3A_686 : i32 to index
      %swap3A_689 = tpu.vector_load %arg16[%swap3A_687, %swap3A_688] {strides = array<i32>} : memref<4x128xf32, #tpu.memory_space<vmem>>, vector<16xf32>,
      tpu.vector_store %arg16[%swap3A_687, %swap3A_688], %add3A_642 {strides = array<i32>} : memref<4x128xf32, #tpu.memory_space<vmem>>, vector<16xf32>,
      %swap3A_690 = arith.index_cast %select_n3A_670 : i32 to index
      %swap3A_691 = arith.index_cast %select_n3A_686 : i32 to index
      %swap3A_692 = tpu.vector_load %arg17[%swap3A_690, %swap3A_691] {strides = array<i32>} : memref<4x128xf32, #tpu.memory_space<vmem>>, vector<16xf32>,
      tpu.vector_store %arg17[%swap3A_690, %swap3A_691], %add3A_644 {strides = array<i32>} : memref<4x128xf32, #tpu.memory_space<vmem>>, vector<16xf32>,
    }
    %scan3A_96 = arith.constant 16 : i32
    "tpu.region"() ({
      %run_scoped3A = tpu.sem_alloc : memref<!tpu.dma_semaphore, #tpu.memory_space<semaphore_mem>>
      %dma_start3A_97 = arith.constant 0 : i32
      %dma_start3A_98 = tpu.memref_slice %arg6[%mul3A_2, %dma_start3A_97] : memref<128x128xf32, #tpu.memory_space<hbm>> -> memref<4x128xf32, #tpu.memory_space<hbm>>
      %dma_start3A_99 = arith.constant 0 : i32
      %dma_start3A_100 = tpu.memref_slice %arg6[%mul3A_2, %dma_start3A_99] : memref<128x128xf32, #tpu.memory_space<hbm>> -> memref<4x128xf32, #tpu.memory_space<hbm>>
      tpu.enqueue_dma source(%arg16 : memref<4x128xf32, #tpu.memory_space<vmem>>) target(%dma_start3A_100 : memref<4x128xf32, #tpu.memory_space<hbm>>) target_semaphore(%run_scoped3A : memref<!tpu.dma_semaphore, #tpu.memory_space<semaphore_mem>>)
      %dma_wait3A = arith.constant 0 : i32
      %dma_wait3A_101 = tpu.memref_slice %arg6[%mul3A_2, %dma_wait3A] : memref<128x128xf32, #tpu.memory_space<hbm>> -> memref<4x128xf32, #tpu.memory_space<hbm>>
      %dma_wait3A_102 = arith.constant 0 : i32
      %dma_wait3A_103 = tpu.memref_slice %arg6[%mul3A_2, %dma_wait3A_102] : memref<128x128xf32, #tpu.memory_space<hbm>> -> memref<4x128xf32, #tpu.memory_space<hbm>>
      tpu.wait_dma2 semaphore(%run_scoped3A : memref<!tpu.dma_semaphore, #tpu.memory_space<semaphore_mem>>) src(%arg16 : memref<4x128xf32, #tpu.memory_space<vmem>>) dst(%dma_wait3A_103 : memref<4x128xf32, #tpu.memory_space<hbm>>)
      tpu.yield
    }) : () -> ()
    "tpu.region"() ({
      %run_scoped3A = tpu.sem_alloc : memref<!tpu.dma_semaphore, #tpu.memory_space<semaphore_mem>>
      %dma_start3A_97 = arith.constant 0 : i32
      %dma_start3A_98 = tpu.memref_slice %arg7[%mul3A_2, %dma_start3A_97] : memref<128x128xf32, #tpu.memory_space<hbm>> -> memref<4x128xf32, #tpu.memory_space<hbm>>
      %dma_start3A_99 = arith.constant 0 : i32
      %dma_start3A_100 = tpu.memref_slice %arg7[%mul3A_2, %dma_start3A_99] : memref<128x128xf32, #tpu.memory_space<hbm>> -> memref<4x128xf32, #tpu.memory_space<hbm>>
      tpu.enqueue_dma source(%arg17 : memref<4x128xf32, #tpu.memory_space<vmem>>) target(%dma_start3A_100 : memref<4x128xf32, #tpu.memory_space<hbm>>) target_semaphore(%run_scoped3A : memref<!tpu.dma_semaphore, #tpu.memory_space<semaphore_mem>>)
      %dma_wait3A = arith.constant 0 : i32
      %dma_wait3A_101 = tpu.memref_slice %arg7[%mul3A_2, %dma_wait3A] : memref<128x128xf32, #tpu.memory_space<hbm>> -> memref<4x128xf32, #tpu.memory_space<hbm>>
      %dma_wait3A_102 = arith.constant 0 : i32
      %dma_wait3A_103 = tpu.memref_slice %arg7[%mul3A_2, %dma_wait3A_102] : memref<128x128xf32, #tpu.memory_space<hbm>> -> memref<4x128xf32, #tpu.memory_space<hbm>>
      tpu.wait_dma2 semaphore(%run_scoped3A : memref<!tpu.dma_semaphore, #tpu.memory_space<semaphore_mem>>) src(%arg17 : memref<4x128xf32, #tpu.memory_space<vmem>>) dst(%dma_wait3A_103 : memref<4x128xf32, #tpu.memory_space<hbm>>)
      tpu.yield
    }) : () -> ()
    return
  }
}

module attributes {stable_mosaic.version = 14 : i64} {
  func.func @_loss_body(%arg0: memref<128x128xf32, #tpu.memory_space<vmem>>, %arg1: memref<128x128xf32, #tpu.memory_space<vmem>>, %arg2: memref<1x1xf32, #tpu.memory_space<smem>>) attributes {dimension_semantics = [], scalar_prefetch = 0 : i64, scratch_operands = 0 : i64, tpu.core_type = #tpu.core_type<tc>} {
    %get3A = arith.constant 0 : index
    %get3A_0 = arith.constant 0 : index
    %get3A_1 = vector.load %arg0[%get3A, %get3A_0] : memref<128x128xf32, #tpu.memory_space<vmem>>, vector<128x128xf32>
    %get3A_2 = arith.constant 0 : index
    %get3A_3 = arith.constant 0 : index
    %get3A_4 = vector.load %arg1[%get3A_2, %get3A_3] : memref<128x128xf32, #tpu.memory_space<vmem>>, vector<128x128xf32>
    %min3A = arith.constant 0.000000e+00 : f32
    %min3A_5 = vector.broadcast %min3A : f32 to vector<128x128xf32>
    %min3A_6 = arith.minimumf %get3A_1, %min3A_5 : vector<128x128xf32>
    %abs3A = math.absf %get3A_1 : vector<128x128xf32>
    %neg3A = arith.constant 0.000000e+00 : f32
    %neg3A_7 = vector.broadcast %neg3A : f32 to vector<128x128xf32>
    %neg3A_8 = arith.subf %neg3A_7, %abs3A : vector<128x128xf32>
    %exp3A = math.exp %neg3A_8 : vector<128x128xf32>
    %add3A = arith.constant 1.000000e+00 : f32
    %add3A_9 = vector.broadcast %add3A : f32 to vector<128x128xf32>
    %add3A_10 = arith.addf %add3A_9, %exp3A : vector<128x128xf32>
    %log3A = math.log %add3A_10 : vector<128x128xf32>
    %sub3A = arith.subf %min3A_6, %log3A : vector<128x128xf32>
    %neg3A_11 = arith.constant 0.000000e+00 : f32
    %neg3A_12 = vector.broadcast %neg3A_11 : f32 to vector<128x128xf32>
    %neg3A_13 = arith.subf %neg3A_12, %get3A_4 : vector<128x128xf32>
    %min3A_14 = arith.constant 0.000000e+00 : f32
    %min3A_15 = vector.broadcast %min3A_14 : f32 to vector<128x128xf32>
    %min3A_16 = arith.minimumf %neg3A_13, %min3A_15 : vector<128x128xf32>
    %abs3A_17 = math.absf %get3A_4 : vector<128x128xf32>
    %neg3A_18 = arith.constant 0.000000e+00 : f32
    %neg3A_19 = vector.broadcast %neg3A_18 : f32 to vector<128x128xf32>
    %neg3A_20 = arith.subf %neg3A_19, %abs3A_17 : vector<128x128xf32>
    %exp3A_21 = math.exp %neg3A_20 : vector<128x128xf32>
    %add3A_22 = arith.constant 1.000000e+00 : f32
    %add3A_23 = vector.broadcast %add3A_22 : f32 to vector<128x128xf32>
    %add3A_24 = arith.addf %add3A_23, %exp3A_21 : vector<128x128xf32>
    %log3A_25 = math.log %add3A_24 : vector<128x128xf32>
    %sub3A_26 = arith.subf %min3A_16, %log3A_25 : vector<128x128xf32>
    %reduce_sum3A = vector.shape_cast %sub3A : vector<128x128xf32> to vector<1x128x128xf32>
    %reduce_sum3A_27 = arith.constant dense<0.000000e+00> : vector<1xf32>
    %reduce_sum3A_28 = vector.multi_reduction <add>, %reduce_sum3A, %reduce_sum3A_27 [1, 2] : vector<1x128x128xf32> to vector<1xf32>
    %reduce_sum3A_29 = vector.shape_cast %reduce_sum3A_28 : vector<1xf32> to vector<1x1x1xf32>
    %reduce_sum3A_30 = vector.extract %reduce_sum3A_29[0, 0, 0] : f32 from vector<1x1x1xf32>
    %reduce_sum3A_31 = vector.shape_cast %sub3A_26 : vector<128x128xf32> to vector<1x128x128xf32>
    %reduce_sum3A_32 = arith.constant dense<0.000000e+00> : vector<1xf32>
    %reduce_sum3A_33 = vector.multi_reduction <add>, %reduce_sum3A_31, %reduce_sum3A_32 [1, 2] : vector<1x128x128xf32> to vector<1xf32>
    %reduce_sum3A_34 = vector.shape_cast %reduce_sum3A_33 : vector<1xf32> to vector<1x1x1xf32>
    %reduce_sum3A_35 = vector.extract %reduce_sum3A_34[0, 0, 0] : f32 from vector<1x1x1xf32>
    %add3A_36 = arith.addf %reduce_sum3A_30, %reduce_sum3A_35 : f32
    %neg3A_37 = arith.constant 0.000000e+00 : f32
    %neg3A_38 = arith.subf %neg3A_37, %add3A_36 : f32
    %div3A = arith.constant 1.638400e+04 : f32
    %div3A_39 = arith.divf %neg3A_38, %div3A : f32
    %swap3A = arith.constant 0 : index
    %swap3A_40 = arith.constant 0 : index
    %swap3A_41 = memref.load %arg2[%swap3A, %swap3A_40] : memref<1x1xf32, #tpu.memory_space<smem>>
    memref.store %div3A_39, %arg2[%swap3A, %swap3A_40] : memref<1x1xf32, #tpu.memory_space<smem>>
    return
  }
}

module attributes {stable_mosaic.version = 14 : i64} {
  func.func @_tr_body(%arg0: i32, %arg1: memref<64x2048xf32, #tpu.memory_space<vmem>>, %arg2: memref<64x2048xf32, #tpu.memory_space<vmem>>, %arg3: memref<2048x128xf32, #tpu.memory_space<vmem>>) attributes {dimension_semantics = [#tpu.dimension_semantics<arbitrary>], iteration_bounds = array<i64: 489>, scalar_prefetch = 0 : i64, scratch_operands = 0 : i64, tpu.core_type = #tpu.core_type<tc>, window_params = [{transform_indices = @transform_0, window_bounds = array<i64: 64, 2048>}, {transform_indices = @transform_1, window_bounds = array<i64: 64, 2048>}, {transform_indices = @transform_2, window_bounds = array<i64: 2048, 128>}]} {
    %get3A = arith.constant 0 : index
    %get3A_0 = arith.constant 0 : index
    %get3A_1 = vector.load %arg1[%get3A, %get3A_0] : memref<64x2048xf32, #tpu.memory_space<vmem>>, vector<64x2048xf32>
    %transpose3A = tpu.transpose %get3A_1, [1, 0] : vector<64x2048xf32> -> vector<2048x64xf32>
    %swap3A = arith.constant 0 : index
    %swap3A_2 = arith.constant 0 : index
    %swap3A_3 = vector.load %arg3[%swap3A, %swap3A_2] : memref<2048x128xf32, #tpu.memory_space<vmem>>, vector<2048x64xf32>
    tpu.vector_store %arg3[%swap3A, %swap3A_2], %transpose3A {strides = array<i32>} : memref<2048x128xf32, #tpu.memory_space<vmem>>, vector<2048x64xf32>,
    %get3A_4 = arith.constant 0 : index
    %get3A_5 = arith.constant 0 : index
    %get3A_6 = vector.load %arg2[%get3A_4, %get3A_5] : memref<64x2048xf32, #tpu.memory_space<vmem>>, vector<64x2048xf32>
    %transpose3A_7 = tpu.transpose %get3A_6, [1, 0] : vector<64x2048xf32> -> vector<2048x64xf32>
    %swap3A_8 = arith.constant 0 : index
    %swap3A_9 = arith.constant 64 : index
    %swap3A_10 = vector.load %arg3[%swap3A_8, %swap3A_9] : memref<2048x128xf32, #tpu.memory_space<vmem>>, vector<2048x64xf32>
    tpu.vector_store %arg3[%swap3A_8, %swap3A_9], %transpose3A_7 {strides = array<i32>} : memref<2048x128xf32, #tpu.memory_space<vmem>>, vector<2048x64xf32>,
    return
  }
  func.func @transform_0(%arg0: i32) -> (i32, i32) {
    %c0_i32 = arith.constant 0 : i32
    %c0_i32_0 = arith.constant 0 : i32
    return %c0_i32, %arg0 : i32, i32
  }
  func.func @transform_1(%arg0: i32) -> (i32, i32) {
    %c0_i32 = arith.constant 0 : i32
    %c0_i32_0 = arith.constant 0 : i32
    return %c0_i32, %arg0 : i32, i32
  }
  func.func @transform_2(%arg0: i32) -> (i32, i32) {
    %c0_i32 = arith.constant 0 : i32
    %c0_i32_0 = arith.constant 0 : i32
    return %arg0, %c0_i32 : i32, i32
  }
}

</mosaic_0001>

<sc_bundles>
// kernel: kernel.5.cloned.1.call-start
scs
__scs_entry_jumppad:
0x0: {  	(pc) =	sbr.rel $0x88, $3  }
0x1: {  	(tag) =	ssettag $0x0;
	lr =	simm.s32 $0x1  }
0x2: {  	[smem:$0x3F9C] =	sst lr;
	_ =	strace $0xD0000000  }
0x3: {  	_ = 	snop  }
0x4: {  	_ = 	snop  }
0x5: {  	_ = 	snop  }
0x6: {  	_ = 	snop  }
0x7: {  	_ = 	snop  }
__scs_overlays_trampoline_lowered:
0x8: {  	[smem:$0x3FAB] =	sst s0  }
0x9: {  	[smem:$0x3FAC] =	sst s1  }
0xa: {  	[smem:$0x3FAD] =	sst s2  }
0xb: {  	[smem:$0x3FAE] =	sst s3  }
0xc: {  	[smem:$0x3FAF] =	sst s4  }
0xd: {  	[smem:$0x3FB0] =	sst s5  }
0xe: {  	[smem:$0x3FB1] =	sst s6  }
0xf: {  	[smem:$0x3FB2] =	sst s7  }
0x10: {  	[smem:$0x3FB3] =	sst s8  }
0x11: {  	[smem:$0x3FB4] =	sst s9;
	s0 =	simm.s32 @!p0 $0x0  }
0x12: {  	s1 =	sld [smem:$0x3F9A];
	s0 =	simm.s32 @p0 $0x1  }
0x13: {  	[smem:$0x3FB5] =	sst s0;
	s0 =	simm.s32 @!p1 $0x0  }
0x14: {  	s2 =	sld [smem:$0x3F99];
	s0 =	simm.s32 @p1 $0x1  }
0x15: {  	[smem:$0x3FB6] =	sst s0;
	s0 =	simm.s32 @!p2 $0x0  }
0x16: {  	s3 =	sld [smem:$0x3FDB];
	s0 =	simm.s32 @p2 $0x1  }
0x17: {  	s4 =	simm.s32 $0x1BF5;
	[smem:$0x3FB8] =	sst s0  }
0x18: {  	s0 =	sld [smem:$0x3F9B];
	_ =	swait.ge [sflag:s4], $0x0  }
0x19: {  	s7 =	sld [smem:$0x3F9C]  }
0x1a: {  	s8 =	sadd.s32 $0xFFFFE003, lr  }
0x1b: {  	s9 =	sadd.s32 $0xFFFFFEF7, lr;
	s5 =	simm.s32 $0xFFFFFFFF;
	p2 =	slt.u32 s8, $0xFFFFF086  }
0x1c: {  	p1 =	slt.u32 s9, $0xF7A;
	s5 =	simm.s32 @!p2 $0x0  }
0x1d: {  	s5 =	simm.s32 @p1 $0x1;
	p0 =	seq.s32 s7, s2  }
0x1e: {  	s7 =	smul.u32 @!p0 $0xF7A, s2;
	p2 =	seq.s32 @!p0 s5, $0x0  }
0x1f: {  	s9 =	smul.u32 $0xF7A, s1;
	s8 =	simm.s32 @!p0 $0x1BF5;
	p2 =	por !p2, p0  }
0x20: {  	[sflag:s8] =	ssyncset.s32 @!p0 $0xFFFFF086;
	s6 =	sadd.s32 @!p0 s3, s7;
	s7 =	simm.s32 @!p0 $0x108  }
0x21: {  	s3 =	sadd.s32 s3, s9;
	s6 =	sadd.s32 @!p0 $0x88, s6;
	s7 =	simm.s32 @p2 $0x1082  }
0x22: {  	[simem:s7], [sflag:s8] =	dma.local @!p0 [hbm:s6], $0xF7A  }
0x23: {  	s9 =	sor.u32 $0xD0000000, s2;
	s6 =	simm.s32 $0x108;
	_ =	swait.ge @!p0 [sflag:s8], $0x0  }
0x24: {  	s3 =	sadd.s32 $0x88, s3;
	s6 =	simm.s32 @!p1 $0x1082;
	[sflag:s4] =	ssyncset.s32 $0xFFFFF086  }
0x25: {  	[simem:s6], [sflag:s4] =	dma.local [hbm:s3], $0xF7A  }
0x26: {  	[smem:$0x3F9C] =	sst s1;
	(tag) =	ssettag s2;
	_ =	strace s9  }
0x27: {  	s1 =	sld [smem:$0x3FAC]  }
0x28: {  	s2 =	sld [smem:$0x3FAD]  }
0x29: {  	s4 =	sld [smem:$0x3FAF]  }
0x2a: {  	p0 =	seq.s32 s5, $0x0;
	s5 =	sld [smem:$0x3FB0]  }
0x2b: {  	s6 =	sld [smem:$0x3FB1]  }
0x2c: {  	s7 =	sld [smem:$0x3FB2]  }
0x2d: {  	s3 =	simm.s32 $0x108;
	s8 =	sld [smem:$0x3FB3]  }
0x2e: {  	s3 =	simm.s32 @!p0 $0x1082;
	s9 =	sld [smem:$0x3FB4]  }
0x2f: {  	lr =	sadd.s32 s0, s3;
	s0 =	sld [smem:$0x3FAB]  }
0x30: {  	s3 =	sld [smem:$0x3FAE]  }
0x31: {  	[smem:$0x3FB7] =	sst s10  }
0x32: {  	s10 =	sld [smem:$0x3FB5];
	_ =	sdelay $0x3  }
0x33: {  	p0 =	seq.s32 s10, $0x1;
	s10 =	sld [smem:$0x3FB7];
	_ =	sdelay $0x3  }
0x34: {  	[smem:$0x3FB7] =	sst s10  }
0x35: {  	s10 =	sld [smem:$0x3FB6];
	_ =	sdelay $0x3  }
0x36: {  	p1 =	seq.s32 s10, $0x1;
	s10 =	sld [smem:$0x3FB7];
	_ =	sdelay $0x3  }
0x37: {  	[smem:$0x3FB7] =	sst s10  }
0x38: {  	s10 =	sld [smem:$0x3FB8]  }
0x39: {  	_ = 	snop;
	(pc) =	sbr.ind lr, $3  }
0x3a: {  	_ = 	snop  }
0x3b: {  	_ = 	snop  }
0x3c: {  	p2 =	seq.s32 s10, $0x1;
	s10 =	sld [smem:$0x3FB7]  }
0x3d: {  	_ =	shalt  }
0x3e: {  	_ =	shalt  }
0x3f: {  	_ =	shalt  }
0x40: {  	_ =	shalt  }
0x41: {  	_ =	shalt  }
0x42: {  	_ =	shalt  }
0x43: {  	_ =	shalt  }
0x44: {  	_ =	shalt  }
0x45: {  	_ =	shalt  }
0x46: {  	_ =	shalt  }
0x47: {  	_ =	shalt  }
0x48: {  	_ =	shalt  }
0x49: {  	_ =	shalt  }
0x4a: {  	_ =	shalt  }
0x4b: {  	_ =	shalt  }
0x4c: {  	_ =	shalt  }
0x4d: {  	_ =	shalt  }
0x4e: {  	_ =	shalt  }
0x4f: {  	_ =	shalt  }
0x50: {  	_ =	shalt  }
0x51: {  	_ =	shalt  }
0x52: {  	_ =	shalt  }
0x53: {  	_ =	shalt  }
0x54: {  	_ =	shalt  }
0x55: {  	_ =	shalt  }
0x56: {  	_ =	shalt  }
0x57: {  	_ =	shalt  }
0x58: {  	_ =	shalt  }
0x59: {  	_ =	shalt  }
0x5a: {  	_ =	shalt  }
0x5b: {  	_ =	shalt  }
0x5c: {  	_ =	shalt  }
0x5d: {  	_ =	shalt  }
0x5e: {  	_ =	shalt  }
0x5f: {  	_ =	shalt  }
0x60: {  	_ =	shalt  }
0x61: {  	_ =	shalt  }
0x62: {  	_ =	shalt  }
0x63: {  	_ =	shalt  }
0x64: {  	_ =	shalt  }
0x65: {  	_ =	shalt  }
0x66: {  	_ =	shalt  }
0x67: {  	_ =	shalt  }
0x68: {  	_ =	shalt  }
0x69: {  	_ =	shalt  }
0x6a: {  	_ =	shalt  }
0x6b: {  	_ =	shalt  }
0x6c: {  	_ =	shalt  }
0x6d: {  	_ =	shalt  }
0x6e: {  	_ =	shalt  }
0x6f: {  	_ =	shalt  }
0x70: {  	_ =	shalt  }
0x71: {  	_ =	shalt  }
0x72: {  	_ =	shalt  }
0x73: {  	_ =	shalt  }
0x74: {  	_ =	shalt  }
0x75: {  	_ =	shalt  }
0x76: {  	_ =	shalt  }
0x77: {  	_ =	shalt  }
0x78: {  	_ =	shalt  }
0x79: {  	_ =	shalt  }
0x7a: {  	_ =	shalt  }
0x7b: {  	_ =	shalt  }
0x7c: {  	_ =	shalt  }
0x7d: {  	_ =	shalt  }
0x7e: {  	_ =	shalt  }
0x7f: {  	_ =	shalt  }
0x80: {  	_ =	shalt  }
0x81: {  	_ =	shalt  }
0x82: {  	_ =	shalt  }
0x83: {  	_ =	shalt  }
0x84: {  	_ =	shalt  }
0x85: {  	_ =	shalt  }
0x86: {  	_ =	shalt  }
0x87: {  	_ =	shalt  }
.Lfunc_end0:
.L_simem_size_0:
called_computation_lowered:
.L_overlay_start_0:
0x88: {  	s2 =	sld [smem:$0x3FD9]  }
0x89: {  	s3 =	sld [smem:$0x3FFE];
	_ =	sdelay $0x1  }
0x8a: {  	s1 =	srdreg.scid  }
0x8b: {  	s0 =	sand.u32 $0x1, s1  }
0x8c: {  	s17 =	sshll.u32 s0, $0xA;
	s2 =	sadd.s32 s3, s2  }
0x8d: {  	s2 =	sadd.s32 s2, s17  }
0x8e: {  	[smem:$0x3FC3] =	sst s2  }
0x8f: {  	_ = 	snop  }
0x90: {  	s2 =	sld [smem:$0x3FC9]  }
0x91: {  	s18 =	sld [smem:$0x3FC8];
	(tm) =	ssettm $0x1  }
0x92: {  	s4 =	sld [smem:$0x3FFB];
	_ =	sdelay $0x3  }
0x93: {  	_ =	strace s4  }
0x94: {  	s4 =	sld [smem:$0x3FFC];
	_ =	sdelay $0x3  }
0x95: {  	_ =	strace s4  }
0x96: {  	s4 =	sld [smem:$0x3FFD];
	_ =	sdelay $0x3  }
0x97: {  	_ =	strace s4  }
0x98: {  	_ =	strace $0x8FFFFFFF  }
0x99: {  	s19 =	sld [smem:$0x3FDB];
	_ =	sdelay $0x1  }
0x9a: {  	s5 =	simm.s32 $_scs_section_size  }
0x9b: {  	s6 =	simm.s32 $_size__tile_overlayer_lowered;
	s7 =	simm.s32 $_tile_overlayer_lowered  }
0x9c: {  	s22 =	simm.s32 $0x1BFF;
	s21 =	sshll.u32 s7, $0x1;
	s4 =	sadd.s32 s5, s19  }
0x9d: {  	s8 =	simm.s32 $0x0;
	s20 =	sshll.u32 s6, $0x1;
	s6 =	sadd.s32 s21, s4  }
0x9e: {  	[timem:s8], [sflag:s22] =	dma.local [hbm:s6], s20  }
0x9f: {  	_ =	swait.ge [sflag:s22], s20  }
0xa0: {  	s5 =	ssub.s32 $0x0, s20;
	[sflag:s22] =	ssyncset.done $0x0  }
0xa1: {  	[sflag:s22] =	ssyncadd.s32 s5;
	_ =	sdelay $0x1  }
0xa2: {  	s23 =	simm.s32 $0x1B8B  }
0xa3: {  	_ =	swait.ge [sflag:s23], $0x1  }
0xa4: {  	[sflag:s23] =	ssyncset.done $0x0  }
0xa5: {  	s25 =	simm.s32 $0x1B8E;
	s24 =	sld [smem:$0x3FFE];
	[sflag:s23] =	ssyncadd.s32 $0xFFFFFFFF  }
0xa6: {  	s26 =	simm.s32 $execute0_lowered;
	[smem:$0x3FD2] =	sst s25  }
0xa7: {  	s6 =	sshll.u32 s26, $0x1;
	_ =	strace $0x80000046;
	[dreg:$0x1] =	wrdreg $0xFFFFFFFF  }
0xa8: {  	s28 =	simm.s32 $_size_execute0_lowered;
	s4 =	sadd.s32 s4, s6;
	[dreg:$0x0] =	wrdreg $0x0  }
0xa9: {  	s6 =	sshll.u32 s28, $0x1;
	[dreg:$0x2] =	wrdreg s4  }
0xaa: {  	[dreg:$0x3] =	wrdreg s6  }
0xab: {  	[dreg:$0x4] =	wrdreg $0xC0  }
0xac: {  	_ =	task [dreg:s8], $0x5FFFF  }
0xad: {  	[dreg:$0x1] =	wrdreg $0xFFFFFFFF  }
0xae: {  	[dreg:$0x0] =	wrdreg $0x60  }
0xaf: {  	[dreg:$0x2] =	wrdreg s2  }
0xb0: {  	[dreg:$0x3] =	wrdreg s18  }
0xb1: {  	[dreg:$0x4] =	wrdreg s24  }
0xb2: {  	[dreg:$0x5] =	wrdreg $0x9  }
0xb3: {  	_ =	task.clear_ibuf [dreg:s8], $0x6FFFF;
	_ =	strace $0x90000046  }
0xb4: {  	s29 =	simm.s32 $0x9;
	_ =	strace $0x80000048  }
0xb5: {  	_ =	swait.ge [sflag:s29], $0x1  }
0xb6: {  	[sflag:s29] =	ssyncadd.s32 $0xFFFFFFFF  }
0xb7: {  	_ =	strace $0x90000048  }
0xb8: {  	_ =	sfence  }
0xb9: {  	s30 =	sld [smem:$0x0];
	_ =	sdelay $0x2  }
0xba: {  	s31 =	sshll.u32 s1, $0xD;
	s1 =	sshrl.u32 s1, $0x2  }
0xbb: {  	s3 =	sand.u32 $0x4000, s31;
	s1 =	sadd.s32 s1, s30  }
0xbc: {  	s0 =	sor.u32 s3, s0;
	s1 =	sshll.u32 s1, $0x11  }
0xbd: {  	s0 =	sor.u32 s1, s0  }
0xbe: {  	s0 =	sadd.s32 $0x8F2B, s0  }
0xbf: {  	[sflag:s0] =	ssyncadd.remote.s32 $0x1  }
0xc0: {  	_ =	sfence.sel $0xFFFF  }
0xc1: {  	[dreg:$0x0] =	wrdreg $0xFFFFFFFF;
	(pc) =	sbr.abs _section_cstart, $3  }
0xc2: {  	[dreg:$0x1] =	wrdreg $0xFFFFFFFF  }
0xc3: {  	_ =	task.clear_ibuf [dreg:s8], $0x2FFFF;
	_ =	strace $0x9FFFFFFF  }
0xc4: {  	(tm) =	ssettm $0x7FFFFFFF  }
0xc5: {  	_ =	shalt  }
tec
execute0_lowered:
.L_overlay_start_1:
0x0: {  	(tag) =	ssettag $0x1  }
0x1: {  	s0 =	rddreg [dreg:$0x0]  }
0x2: {  	s1 =	rddreg [dreg:$0x1];
	s2 =	srdreg.scid  }
0x3: {  	s5 =	stileid.u32;
	s4 =	rddreg [dreg:$0x2];
	s13 =	simm.s32 $0x10  }
0x4: {  	s16 =	simm.s32 $0x50;
	s24 =	simm.s32 $0x3400;
	s25 =	simm.s32 $0x4400  }
0x5: {  	s26 =	simm.s32 $0xEC00;
	s28 =	simm.s32 $0x11400;
	s29 =	simm.s32 $0x13C00  }
0x6: {  	s30 =	simm.s32 $0x16400;
	s31 =	simm.s32 $0x1;
	s14 =	simm.s32 $0x2  }
0x7: {  	v0 =	vlaneseq.u32;
	s3 =	sand.u32 $0x1, s2;
	s5 =	sshll.u32 s5, $0x1;
	s2 =	simm.s32 $0x0  }
0x8: {  	s18 =	simm.s32 $0x0;
	v0 =	vmul.u32 $0x10, v0;
	s5 =	sor.u32 s3, s5;
	[smem:$0x7FF] =	sst s2  }
0x9: {  	s7 =	ssub.s32 $0x2, s3;
	s3 =	sadd.s32 $0xAC00, s4;
	s6 =	smul.u32 $0x500, s5  }
0xa: {  	_ =	strace $0x80000047;
	s5 =	sshll.u32 s5, $0x6;
	s8 =	sshrl.u32 s7, $0x1;
	v1 =	vor.u32 $0x1, v0;
	v3 =	vor.u32 $0x3, v0;
	v4 =	vor.u32 $0x4, v0  }
0xb: {  	v5 =	vor.u32 $0x5, v0;
	v6 =	vor.u32 $0x6, v0;
	v7 =	vor.u32 $0x7, v0;
	s9 =	sadd.s32 s5, s4;
	s10 =	ssub.s32 s7, s8;
	s6 =	sadd.s32 s6, s4  }
0xc: {  	v9 =	vor.u32 $0x9, v0;
	v10 =	vor.u32 $0xA, v0;
	v11 =	vor.u32 $0xB, v0;
	[tilespmem:$0x1FFF0] =	vst v0;
	s4 =	sadd.s32 s0, s5;
	s5 =	sadd.s32 s1, s5;
	s7 =	sadd.s32 $0xF4D000, s9  }
0xd: {  	v12 =	vor.u32 $0xC, v0;
	v13 =	vor.u32 $0xD, v0;
	[tilespmem:$0x1FFD0] =	vst v1;
	v1 =	vor.u32 $0x2, v0;
	s8 =	sadd.s32 $0xF4D800, s9;
	s9 =	smax.u32 s10, $0x1;
	s10 =	simm.s32 $0x3  }
0xe: {  	v8 =	vor.u32 $0x8, v0;
	v14 =	vor.u32 $0xE, v0;
	v15 =	vor.u32 $0xF, v0;
	[tilespmem:$0x1FFE0] =	vst v1;
	s1 =	simm.s32 $0x18C00;
	s0 =	simm.s32 $0x18D00;
	s6 =	sadd.s32 $0xC00, s6  }
.LBB2_1:
0xf: {  	[tilespmem:s2], [sflag:$0x3] =	stream.linear.gather [hbm4b:s4+s2], $0x200, $0x38;
	[tilespmem:$0x19200] =	vst v63  }
0x10: {  	_ =	swait.ge [sflag:s10], $0x200  }
0x11: {  	[sflag:s10] =	ssyncset.done $0x0  }
0x12: {  	s11 =	simm.s32 $0x200;
	[sflag:s10] =	ssyncadd.s32 $0xFFFFFE00  }
0x13: {  	[tilespmem:s11], [sflag:$0x3] =	stream.linear.gather [hbm4b:s5+s2], $0x200, $0x38;
	[tilespmem:$0x19200] =	vst v63  }
0x14: {  	_ =	swait.ge [sflag:s10], $0x200  }
0x15: {  	[sflag:s10] =	ssyncset.done $0x0  }
0x16: {  	s12 =	simm.s32 $0x400;
	[sflag:s10] =	ssyncadd.s32 $0xFFFFFE00  }
0x17: {  	[tilespmem:s12], [sflag:$0x3] =	stream.linear.gather [hbm4b:s6+s2], $0x2800, $0x38;
	[tilespmem:$0x19200] =	vst v63  }
0x18: {  	_ =	swait.ge [sflag:s10], $0x2800  }
0x19: {  	[sflag:s10] =	ssyncset.done $0x0  }
0x1a: {  	s15 =	simm.s32 $0x2C00;
	[sflag:s10] =	ssyncadd.s32 $0xFFFFD800  }
0x1b: {  	[tilespmem:s15], [sflag:$0x1] =	stream.indirect.gather [hbm4b:s3+s13], $0x80, s2, s13, $0xb8;
	[tilespmem:$0x19200] =	vst v63  }
0x1c: {  	s23 =	simm.s32 $0x3C00  }
0x1d: {  	[tilespmem:s23], [sflag:$0x1] =	stream.indirect.gather [hbm4b:s3+s13], $0x80, s11, s13, $0xb8;
	[tilespmem:$0x19200] =	vst v63  }
0x1e: {  	s15 =	simm.s32 $0x4C00  }
0x1f: {  	[tilespmem:s15], [sflag:$0x1] =	stream.indirect.gather [hbm4b:s3+s16], $0x80, s12, s16, $0xb8;
	[tilespmem:$0x19200] =	vst v63  }
0x20: {  	s17 =	simm.s32 $0x450;
	s19 =	simm.s32 $0x7400  }
0x21: {  	[tilespmem:s19], [sflag:$0x1] =	stream.indirect.gather [hbm4b:s3+s16], $0x80, s17, s16, $0xb8;
	[tilespmem:$0x19200] =	vst v63  }
0x22: {  	s20 =	simm.s32 $0x4A0;
	s21 =	simm.s32 $0x9C00  }
0x23: {  	[tilespmem:s21], [sflag:$0x1] =	stream.indirect.gather [hbm4b:s3+s16], $0x80, s20, s16, $0xb8;
	[tilespmem:$0x19200] =	vst v63  }
0x24: {  	s22 =	simm.s32 $0x4F0;
	s23 =	simm.s32 $0xC400;
	s19 =	simm.s32 $0x0  }
0x25: {  	[tilespmem:s23], [sflag:$0x1] =	stream.indirect.gather [hbm4b:s3+s16], $0x80, s22, s16, $0xb8;
	[tilespmem:$0x19200] =	vst v63  }
.LBB2_2:
0x26: {  	s11 =	sshllo.u32 s19, $0x1  }
0x27: {  	s20 =	sshll.u32 s11, $0x4;
	s11 =	smul.u32 $0x500, s11  }
0x28: {  	[tilespmem:s24], [sflag:$0x2] =	stream.indirect.gather [hbm4b:s3+s13], $0x80, s20, s13, $0xb8;
	[tilespmem:$0x19200] =	vst v63  }
0x29: {  	s12 =	sadd.s32 $0x200, s20;
	s11 =	sshra.s32 s11, $0x2  }
0x2a: {  	[tilespmem:s25], [sflag:$0x2] =	stream.indirect.gather [hbm4b:s3+s13], $0x80, s12, s13, $0xb8;
	[tilespmem:$0x19200] =	vst v63  }
0x2b: {  	s21 =	sadd.s32 $0x400, s11  }
0x2c: {  	[tilespmem:s26], [sflag:$0x2] =	stream.indirect.gather [hbm4b:s3+s16], $0x80, s21, s16, $0xb8;
	[tilespmem:$0x19200] =	vst v63  }
0x2d: {  	s22 =	sadd.s32 $0x450, s11  }
0x2e: {  	[tilespmem:s28], [sflag:$0x2] =	stream.indirect.gather [hbm4b:s3+s16], $0x80, s22, s16, $0xb8;
	[tilespmem:$0x19200] =	vst v63  }
0x2f: {  	s23 =	sadd.s32 $0x4A0, s11  }
0x30: {  	[tilespmem:s29], [sflag:$0x2] =	stream.indirect.gather [hbm4b:s3+s16], $0x80, s23, s16, $0xb8;
	[tilespmem:$0x19200] =	vst v63  }
0x31: {  	s11 =	sadd.s32 $0x4F0, s11  }
0x32: {  	[tilespmem:s30], [sflag:$0x2] =	stream.indirect.gather [hbm4b:s3+s16], $0x80, s11, s16, $0xb8;
	[tilespmem:$0x19200] =	vst v63  }
0x33: {  	_ =	swait.ge [sflag:s31], $0x800  }
0x34: {  	[sflag:s31] =	ssyncset.done $0x0  }
0x35: {  	[sflag:s31] =	ssyncadd.s32 $0xFFFFF800  }
0x36: {  	_ =	swait.ge [sflag:s31], $0x800  }
0x37: {  	[sflag:s31] =	ssyncset.done $0x0  }
0x38: {  	[sflag:s31] =	ssyncadd.s32 $0xFFFFF800  }
0x39: {  	_ =	swait.ge [sflag:s31], $0x2800  }
0x3a: {  	[sflag:s31] =	ssyncset.done $0x0  }
0x3b: {  	[sflag:s31] =	ssyncadd.s32 $0xFFFFD800  }
0x3c: {  	_ =	swait.ge [sflag:s31], $0x2800  }
0x3d: {  	[sflag:s31] =	ssyncset.done $0x0  }
0x3e: {  	[sflag:s31] =	ssyncadd.s32 $0xFFFFD800  }
0x3f: {  	_ =	swait.ge [sflag:s31], $0x2800  }
0x40: {  	[sflag:s31] =	ssyncset.done $0x0  }
0x41: {  	[sflag:s31] =	ssyncadd.s32 $0xFFFFD800  }
0x42: {  	s15 =	simm.s32 $0x5140;
	_ =	swait.ge [sflag:s31], $0x2800  }
0x43: {  	s17 =	simm.s32 $0x2C20;
	s12 =	simm.s32 $0x0;
	[sflag:s31] =	ssyncset.done $0x0  }
0x44: {  	s21 =	simm.s32 $0x3C70;
	s11 =	sshll.u32 s19, $0x1;
	[sflag:s31] =	ssyncadd.s32 $0xFFFFD800  }
.LBB2_3:
0x45: {  	v18 =	vld [tilespmem:s17+$0xFFFFFFE0]  }
0x46: {  	v19 =	vld [tilespmem:s17+$0xFFFFFFF0]  }
0x47: {  	v17 =	vld [tilespmem:s17+$0x0]  }
0x48: {  	v16 =	vld [tilespmem:s17+$0x10]  }
0x49: {  	v20 =	vld [tilespmem:s21+$0xFFFFFFD0]  }
0x4a: {  	v21 =	vld [tilespmem:s21+$0xFFFFFFE0]  }
0x4b: {  	v22 =	vld [tilespmem:s15+$0xFFFFFB00]  }
0x4c: {  	v23 =	vld [tilespmem:s15+$0xFFFFFB10]  }
0x4d: {  	v24 =	vld [tilespmem:s15+$0xFFFFFB20]  }
0x4e: {  	v25 =	vld [tilespmem:s15+$0xFFFFFB30]  }
0x4f: {  	v26 =	vld [tilespmem:s15+$0xFFFFFB80]  }
0x50: {  	v27 =	vld [tilespmem:s15+$0xFFFFFB90]  }
0x51: {  	v28 =	vld [tilespmem:s15+$0xFFFFFBA0]  }
0x52: {  	v29 =	vld [tilespmem:s15+$0xFFFFFBB0]  }
0x53: {  	v30 =	vld [tilespmem:s15+$0xFFFFFC00]  }
0x54: {  	v31 =	vld [tilespmem:s15+$0xFFFFFC10]  }
0x55: {  	v32 =	vld [tilespmem:s15+$0xFFFFFC20]  }
0x56: {  	v33 =	vld [tilespmem:s15+$0xFFFFFC30]  }
0x57: {  	v34 =	vld [tilespmem:s15+$0xFFFFFC80]  }
0x58: {  	v35 =	vld [tilespmem:s15+$0xFFFFFC90]  }
0x59: {  	v36 =	vld [tilespmem:s15+$0xFFFFFCA0]  }
0x5a: {  	v37 =	vld [tilespmem:s15+$0xFFFFFCB0]  }
0x5b: {  	v38 =	vld [tilespmem:s15+$0xFFFFFD00]  }
0x5c: {  	v39 =	vld [tilespmem:s15+$0xFFFFFD10]  }
0x5d: {  	v40 =	vld [tilespmem:s15+$0xFFFFFD20]  }
0x5e: {  	v41 =	vld [tilespmem:s15+$0xFFFFFD30]  }
0x5f: {  	v42 =	vld [tilespmem:s15+$0xFFFFFD80]  }
0x60: {  	v43 =	vld [tilespmem:s15+$0xFFFFFD90]  }
0x61: {  	v44 =	vld [tilespmem:s15+$0xFFFFFDA0]  }
0x62: {  	v45 =	vld [tilespmem:s15+$0xFFFFFDB0]  }
0x63: {  	v46 =	vld [tilespmem:s15+$0xFFFFFE00]  }
0x64: {  	v47 =	vld [tilespmem:s15+$0xFFFFFE10]  }
0x65: {  	v48 =	vld [tilespmem:s15+$0xFFFFFE20]  }
0x66: {  	v49 =	vld [tilespmem:s15+$0xFFFFFE30]  }
0x67: {  	v50 =	vld [tilespmem:s15+$0xFFFFFE80]  }
0x68: {  	v51 =	vld [tilespmem:s15+$0xFFFFFE90]  }
0x69: {  	v52 =	vld [tilespmem:s15+$0xFFFFFEA0]  }
0x6a: {  	v53 =	vld [tilespmem:s15+$0xFFFFFEB0]  }
0x6b: {  	v54 =	vld [tilespmem:s15+$0xFFFFFF00]  }
0x6c: {  	v55 =	vld [tilespmem:s15+$0xFFFFFF10]  }
0x6d: {  	v56 =	vld [tilespmem:s15+$0xFFFFFF20]  }
0x6e: {  	v57 =	vld [tilespmem:s15+$0xFFFFFF30]  }
0x6f: {  	v58 =	vld [tilespmem:s15+$0xFFFFFF80]  }
0x70: {  	v59 =	vld [tilespmem:s15+$0xFFFFFF90]  }
0x71: {  	v60 =	vld [tilespmem:s15+$0xFFFFFFA0]  }
0x72: {  	v61 =	vld [tilespmem:s15+$0xFFFFFFB0]  }
0x73: {  	v62 =	vld [tilespmem:s15+$0x0]  }
0x74: {  	v63 =	vld [tilespmem:s15+$0x10]  }
0x75: {  	v0 =	vld [tilespmem:s15+$0x20]  }
0x76: {  	v1 =	vld [tilespmem:s15+$0x30]  }
0x77: {  	v2 =	vld [tilespmem:s15+$0x80]  }
0x78: {  	v22 =	vadd.f32 v26, v22;
	v23 =	vadd.f32 v27, v23;
	v26 =	vld [tilespmem:s15+$0x90]  }
0x79: {  	v24 =	vadd.f32 v28, v24;
	v27 =	vld [tilespmem:s15+$0xA0]  }
0x7a: {  	v28 =	vld [tilespmem:s15+$0xB0];
	v22 =	vadd.f32 v30, v22;
	v23 =	vadd.f32 v31, v23  }
0x7b: {  	v25 =	vadd.f32 v29, v25;
	v29 =	vld [tilespmem:s15+$0x100];
	v24 =	vadd.f32 v32, v24  }
0x7c: {  	v30 =	vld [tilespmem:s15+$0x110];
	v22 =	vadd.f32 v34, v22;
	v23 =	vadd.f32 v35, v23  }
0x7d: {  	v25 =	vadd.f32 v33, v25;
	v31 =	vld [tilespmem:s15+$0x120];
	v24 =	vadd.f32 v36, v24  }
0x7e: {  	v32 =	vld [tilespmem:s15+$0x130];
	v22 =	vadd.f32 v38, v22;
	v23 =	vadd.f32 v39, v23  }
0x7f: {  	v33 =	vld [tilespmem:s15+$0x180];
	v25 =	vadd.f32 v37, v25;
	v24 =	vadd.f32 v40, v24  }
0x80: {  	v34 =	vld [tilespmem:s15+$0x190];
	v22 =	vadd.f32 v42, v22;
	v23 =	vadd.f32 v43, v23  }
0x81: {  	v35 =	vld [tilespmem:s15+$0x1A0];
	v25 =	vadd.f32 v41, v25;
	v24 =	vadd.f32 v44, v24  }
0x82: {  	v36 =	vld [tilespmem:s15+$0x1B0];
	v22 =	vadd.f32 v46, v22;
	v23 =	vadd.f32 v47, v23  }
0x83: {  	v37 =	vld [tilespmem:s15+$0x200];
	v25 =	vadd.f32 v45, v25;
	v24 =	vadd.f32 v48, v24  }
0x84: {  	v45 =	vld [tilespmem:s15+$0x330];
	v22 =	vadd.f32 v50, v22;
	v23 =	vadd.f32 v51, v23  }
0x85: {  	v25 =	vadd.f32 v49, v25;
	v46 =	vld [tilespmem:s15+$0x380];
	v24 =	vadd.f32 v52, v24  }
0x86: {  	v47 =	vld [tilespmem:s15+$0x390];
	v22 =	vadd.f32 v54, v22;
	v23 =	vadd.f32 v55, v23  }
0x87: {  	v48 =	vld [tilespmem:s15+$0x3A0];
	v25 =	vadd.f32 v53, v25;
	v24 =	vadd.f32 v56, v24  }
0x88: {  	v49 =	vld [tilespmem:s15+$0x3B0];
	v22 =	vadd.f32 v58, v22;
	v23 =	vadd.f32 v59, v23  }
0x89: {  	v51 =	vld [tilespmem:s15+$0x210];
	v25 =	vadd.f32 v57, v25;
	v24 =	vadd.f32 v60, v24  }
0x8a: {  	v52 =	vld [tilespmem:s15+$0x220];
	v22 =	vadd.f32 v62, v22;
	v23 =	vadd.f32 v63, v23  }
0x8b: {  	v54 =	vld [tilespmem:s15+$0x230];
	v25 =	vadd.f32 v61, v25;
	v0 =	vadd.f32 v0, v24  }
0x8c: {  	v55 =	vld [tilespmem:s15+$0x280];
	v2 =	vadd.f32 v2, v22;
	v61 =	vadd.f32 v26, v23  }
0x8d: {  	v56 =	vld [tilespmem:s15+$0x290];
	v1 =	vadd.f32 v1, v25;
	v0 =	vadd.f32 v27, v0  }
0x8e: {  	v58 =	vld [tilespmem:s15+$0x2A0];
	v2 =	vadd.f32 v29, v2;
	v22 =	vadd.f32 v30, v61  }
0x8f: {  	v59 =	vld [tilespmem:s15+$0x2B0];
	v1 =	vadd.f32 v28, v1;
	v0 =	vadd.f32 v31, v0  }
0x90: {  	v60 =	vld [tilespmem:s15+$0x300];
	v2 =	vadd.f32 v33, v2;
	v22 =	vadd.f32 v34, v22  }
0x91: {  	v62 =	vld [tilespmem:s15+$0x310];
	v1 =	vadd.f32 v32, v1;
	v0 =	vadd.f32 v35, v0  }
0x92: {  	v63 =	vld [tilespmem:s15+$0x320];
	v2 =	vadd.f32 v37, v2;
	v22 =	vadd.f32 v51, v22  }
0x93: {  	v50 =	vld [tilespmem:s15+$0x400];
	v1 =	vadd.f32 v36, v1;
	v0 =	vadd.f32 v52, v0  }
0x94: {  	v53 =	vld [tilespmem:s15+$0x480];
	v2 =	vadd.f32 v55, v2;
	v22 =	vadd.f32 v56, v22  }
0x95: {  	v51 =	vld [tilespmem:s15+$0x410];
	v1 =	vadd.f32 v54, v1;
	v0 =	vadd.f32 v58, v0  }
0x96: {  	v52 =	vld [tilespmem:s15+$0x420];
	v2 =	vadd.f32 v60, v2;
	v22 =	vadd.f32 v62, v22  }
0x97: {  	v54 =	vld [tilespmem:s15+$0x490];
	v1 =	vadd.f32 v59, v1;
	v0 =	vadd.f32 v63, v0  }
0x98: {  	v55 =	vld [tilespmem:s15+$0x430];
	v2 =	vadd.f32 v46, v2;
	v22 =	vadd.f32 v47, v22  }
0x99: {  	v56 =	vld [tilespmem:s15+$0x4A0];
	v1 =	vadd.f32 v45, v1;
	v0 =	vadd.f32 v48, v0  }
0x9a: {  	v57 =	vld [tilespmem:s21+$0xFFFFFFF0];
	v2 =	vadd.f32 v50, v2;
	v22 =	vadd.f32 v51, v22  }
0x9b: {  	v58 =	vld [tilespmem:s15+$0x4B0];
	v1 =	vadd.f32 v49, v1;
	v0 =	vadd.f32 v52, v0  }
0x9c: {  	v59 =	vld [tilespmem:s21+$0x0];
	v2 =	vadd.f32 v53, v2;
	v22 =	vadd.f32 v54, v22  }
0x9d: {  	v20 =	vmul.f32 v20, v18;
	v21 =	vmul.f32 v21, v19;
	v1 =	vadd.f32 v55, v1  }
0x9e: {  	v0 =	vadd.f32 v56, v0;
	v2 =	vmul.f32 v2, v18;
	v60 =	vmul.f32 v22, v19  }
0x9f: {  	v61 =	vadd.f32 v21, v20;
	v62 =	vmul.f32 v57, v17  }
0xa0: {  	v1 =	vadd.f32 v58, v1;
	v0 =	vmul.f32 v0, v17;
	v2 =	vadd.f32 v60, v2  }
0xa1: {  	p0 =	sne.s32 s12, $0x3C0;
	v63 =	vmul.f32 v59, v16;
	v17 =	vadd.f32 v62, v61  }
.Ltmp0:
0xa2: {  	v1 =	vmul.f32 v1, v16;
	v0 =	vadd.f32 v0, v2;
	(pc) =	sbr.rel @p0 .LBB2_3-.Ltmp0, $4  }
0xa3: {  	v2 =	vadd.f32 v63, v17  }
0xa4: {  	s22 =	sshra.s32 s12, $0x2;
	v0 =	vadd.f32 v1, v0  }
0xa5: {  	s17 =	sadd.s32 $0x80, s17;
	[tilespmem:s22+$0x18C00] =	vst v2  }
0xa6: {  	s12 =	sadd.s32 $0x40, s12;
	s15 =	sadd.s32 $0xA00, s15;
	s21 =	sadd.s32 $0x80, s21;
	[tilespmem:s22+$0x18D00] =	vst v0  }
0xa7: {  	v1 =	vld [tilespmem:$0x1FFF0];
	_ =	sdelay $0x1  }
0xa8: {  	v16 =	vld [tilespmem:$0x1FFD0];
	_ =	sdelay $0x1  }
0xa9: {  	v18 =	vld [tilespmem:$0x1FFE0];
	_ =	sdelay $0x3  }
0xaa: {  	v0 =	vld.idx.msk [tilespmem:v1+s1+$0x0], $0xffff  }
0xab: {  	v1 =	vld.idx.msk [tilespmem:v1+s0+$0x0], $0xffff  }
0xac: {  	v2 =	vld.idx.msk [tilespmem:v16+s1+$0x0], $0xffff  }
0xad: {  	v16 =	vld.idx.msk [tilespmem:v16+s0+$0x0], $0xffff  }
0xae: {  	v17 =	vld.idx.msk [tilespmem:v18+s1+$0x0], $0xffff  }
0xaf: {  	v18 =	vld.idx.msk [tilespmem:v18+s0+$0x0], $0xffff;
	v0 =	vadd.f32 $0.0e+00, v0  }
0xb0: {  	v19 =	vld.idx.msk [tilespmem:v3+s1+$0x0], $0xffff;
	v1 =	vadd.f32 $0.0e+00, v1  }
0xb1: {  	v0 =	vadd.f32 v2, v0;
	v2 =	vld.idx.msk [tilespmem:v3+s0+$0x0], $0xffff  }
0xb2: {  	v1 =	vadd.f32 v16, v1;
	v16 =	vld.idx.msk [tilespmem:v4+s1+$0x0], $0xffff  }
0xb3: {  	v0 =	vadd.f32 v17, v0;
	v17 =	vld.idx.msk [tilespmem:v4+s0+$0x0], $0xffff  }
0xb4: {  	v1 =	vadd.f32 v18, v1;
	v18 =	vld.idx.msk [tilespmem:v5+s1+$0x0], $0xffff  }
0xb5: {  	v0 =	vadd.f32 v19, v0;
	v19 =	vld.idx.msk [tilespmem:v5+s0+$0x0], $0xffff  }
0xb6: {  	v1 =	vadd.f32 v2, v1;
	v2 =	vld.idx.msk [tilespmem:v6+s1+$0x0], $0xffff  }
0xb7: {  	v0 =	vadd.f32 v16, v0;
	v16 =	vld.idx.msk [tilespmem:v6+s0+$0x0], $0xffff  }
0xb8: {  	v1 =	vadd.f32 v17, v1;
	v17 =	vld.idx.msk [tilespmem:v7+s1+$0x0], $0xffff  }
0xb9: {  	v0 =	vadd.f32 v18, v0;
	v18 =	vld.idx.msk [tilespmem:v7+s0+$0x0], $0xffff  }
0xba: {  	v1 =	vadd.f32 v19, v1;
	v19 =	vld.idx.msk [tilespmem:v8+s1+$0x0], $0xffff  }
0xbb: {  	v0 =	vadd.f32 v2, v0;
	v2 =	vld.idx.msk [tilespmem:v8+s0+$0x0], $0xffff  }
0xbc: {  	v1 =	vadd.f32 v16, v1;
	v16 =	vld.idx.msk [tilespmem:v9+s1+$0x0], $0xffff  }
0xbd: {  	v0 =	vadd.f32 v17, v0;
	v17 =	vld.idx.msk [tilespmem:v9+s0+$0x0], $0xffff  }
0xbe: {  	v1 =	vadd.f32 v18, v1;
	v18 =	vld.idx.msk [tilespmem:v10+s1+$0x0], $0xffff  }
0xbf: {  	v0 =	vadd.f32 v19, v0;
	v19 =	vld.idx.msk [tilespmem:v10+s0+$0x0], $0xffff  }
0xc0: {  	v1 =	vadd.f32 v2, v1;
	v2 =	vld.idx.msk [tilespmem:v11+s1+$0x0], $0xffff  }
0xc1: {  	v0 =	vadd.f32 v16, v0;
	v16 =	vld.idx.msk [tilespmem:v11+s0+$0x0], $0xffff  }
0xc2: {  	v1 =	vadd.f32 v17, v1;
	v17 =	vld.idx.msk [tilespmem:v12+s1+$0x0], $0xffff  }
0xc3: {  	v0 =	vadd.f32 v18, v0;
	v18 =	vld.idx.msk [tilespmem:v12+s0+$0x0], $0xffff  }
0xc4: {  	v1 =	vadd.f32 v19, v1;
	v19 =	vld.idx.msk [tilespmem:v13+s1+$0x0], $0xffff  }
0xc5: {  	v0 =	vadd.f32 v2, v0;
	v2 =	vld.idx.msk [tilespmem:v13+s0+$0x0], $0xffff  }
0xc6: {  	v1 =	vadd.f32 v16, v1;
	v16 =	vld.idx.msk [tilespmem:v14+s1+$0x0], $0xffff  }
0xc7: {  	v0 =	vadd.f32 v17, v0;
	v17 =	vld.idx.msk [tilespmem:v14+s0+$0x0], $0xffff  }
0xc8: {  	v1 =	vadd.f32 v18, v1;
	v18 =	vld.idx.msk [tilespmem:v15+s1+$0x0], $0xffff  }
0xc9: {  	v0 =	vadd.f32 v19, v0;
	v19 =	vld.idx.msk [tilespmem:v15+s0+$0x0], $0xffff  }
0xca: {  	v1 =	vadd.f32 v2, v1  }
0xcb: {  	v0 =	vadd.f32 v16, v0  }
0xcc: {  	v1 =	vadd.f32 v17, v1  }
0xcd: {  	v0 =	vadd.f32 v18, v0  }
0xce: {  	s12 =	sshll.u32 s19, $0x5;
	p0 =	seq.s32 s19, $0xF;
	v1 =	vadd.f32 v19, v1  }
0xcf: {  	s11 =	sadd.s32 @!p0 $0x2, s11;
	s17 =	simm.s32 @!p0 $0x10;
	[tilespmem:s12+$0x18E00] =	vst v0  }
0xd0: {  	s21 =	simm.s32 @!p0 $0x2C00;
	s15 =	sshll.u32 @!p0 s11, $0x4;
	s11 =	smul.u32 @!p0 $0x500, s11;
	[tilespmem:s12+$0x19000] =	vst v1  }
0xd1: {  	[tilespmem:s21], [sflag:$0x1] =	stream.indirect.gather @!p0 [hbm4b:s3+s17], $0x80, s15, s17, $0xb8;
	[tilespmem:$0x19200] =	vst v63  }
0xd2: {  	s11 =	sshra.s32 @!p0 s11, $0x2;
	s15 =	sadd.s32 @!p0 $0x200, s15;
	s21 =	simm.s32 @!p0 $0x3C00  }
0xd3: {  	[tilespmem:s21], [sflag:$0x1] =	stream.indirect.gather @!p0 [hbm4b:s3+s17], $0x80, s15, s17, $0xb8;
	[tilespmem:$0x19200] =	vst v63  }
0xd4: {  	s15 =	sadd.s32 @!p0 $0x400, s11;
	s17 =	simm.s32 @!p0 $0x50;
	s21 =	simm.s32 @!p0 $0x4C00  }
0xd5: {  	[tilespmem:s21], [sflag:$0x1] =	stream.indirect.gather @!p0 [hbm4b:s3+s17], $0x80, s15, s17, $0xb8;
	[tilespmem:$0x19200] =	vst v63  }
0xd6: {  	s15 =	sadd.s32 @!p0 $0x450, s11;
	s21 =	simm.s32 @!p0 $0x7400  }
0xd7: {  	[tilespmem:s21], [sflag:$0x1] =	stream.indirect.gather @!p0 [hbm4b:s3+s17], $0x80, s15, s17, $0xb8;
	[tilespmem:$0x19200] =	vst v63  }
0xd8: {  	s15 =	sadd.s32 @!p0 $0x4A0, s11;
	s21 =	simm.s32 @!p0 $0x9C00  }
0xd9: {  	[tilespmem:s21], [sflag:$0x1] =	stream.indirect.gather @!p0 [hbm4b:s3+s17], $0x80, s15, s17, $0xb8;
	[tilespmem:$0x19200] =	vst v63  }
0xda: {  	s11 =	sadd.s32 @!p0 $0x4F0, s11;
	s15 =	simm.s32 @!p0 $0xC400  }
0xdb: {  	[tilespmem:s15], [sflag:$0x1] =	stream.indirect.gather @!p0 [hbm4b:s3+s17], $0x80, s11, s17, $0xb8;
	[tilespmem:$0x19200] =	vst v63  }
0xdc: {  	_ =	swait.ge [sflag:s14], $0x800  }
0xdd: {  	[sflag:s14] =	ssyncset.done $0x0  }
0xde: {  	[sflag:s14] =	ssyncadd.s32 $0xFFFFF800  }
0xdf: {  	_ =	swait.ge [sflag:s14], $0x800  }
0xe0: {  	[sflag:s14] =	ssyncset.done $0x0  }
0xe1: {  	[sflag:s14] =	ssyncadd.s32 $0xFFFFF800  }
0xe2: {  	_ =	swait.ge [sflag:s14], $0x2800  }
0xe3: {  	[sflag:s14] =	ssyncset.done $0x0  }
0xe4: {  	[sflag:s14] =	ssyncadd.s32 $0xFFFFD800  }
0xe5: {  	_ =	swait.ge [sflag:s14], $0x2800  }
0xe6: {  	[sflag:s14] =	ssyncset.done $0x0  }
0xe7: {  	[sflag:s14] =	ssyncadd.s32 $0xFFFFD800  }
0xe8: {  	_ =	swait.ge [sflag:s14], $0x2800  }
0xe9: {  	[sflag:s14] =	ssyncset.done $0x0  }
0xea: {  	[sflag:s14] =	ssyncadd.s32 $0xFFFFD800  }
0xeb: {  	_ =	swait.ge [sflag:s14], $0x2800  }
0xec: {  	[sflag:s14] =	ssyncset.done $0x0  }
0xed: {  	s22 =	simm.s32 $0x4470;
	[sflag:s14] =	ssyncadd.s32 $0xFFFFD800  }
0xee: {  	v16 =	vld [tilespmem:s22+$0x0]  }
0xef: {  	s23 =	simm.s32 $0x0;
	v17 =	vld [tilespmem:s22+$0xFFFFFFF0]  }
0xf0: {  	v18 =	vld [tilespmem:s23+$0xF570]  }
0xf1: {  	v19 =	vld [tilespmem:s22+$0xFFFFFFD0]  }
0xf2: {  	v20 =	vld [tilespmem:s22+$0xFFFFFFE0]  }
0xf3: {  	v21 =	vld [tilespmem:s23+$0xF5C0]  }
0xf4: {  	v22 =	vld [tilespmem:s23+$0xF5D0]  }
0xf5: {  	v23 =	vld [tilespmem:s23+$0xF560]  }
0xf6: {  	v24 =	vld [tilespmem:s23+$0xF540]  }
0xf7: {  	v25 =	vld [tilespmem:s23+$0xF4E0]  }
0xf8: {  	v26 =	vld [tilespmem:s23+$0xF4C0]  }
0xf9: {  	v27 =	vld [tilespmem:s23+$0xF460]  }
0xfa: {  	v28 =	vld [tilespmem:s23+$0xF440]  }
0xfb: {  	v0 =	vld [tilespmem:s23+$0xF3E0]  }
0xfc: {  	v1 =	vld [tilespmem:s23+$0xF3C0]  }
0xfd: {  	v2 =	vld [tilespmem:s23+$0xF360]  }
0xfe: {  	v29 =	vld [tilespmem:s23+$0xF340]  }
0xff: {  	v30 =	vld [tilespmem:s23+$0xF2E0]  }
0x100: {  	v31 =	vld [tilespmem:s23+$0xF2C0]  }
0x101: {  	v32 =	vld [tilespmem:s23+$0xF260]  }
0x102: {  	v33 =	vld [tilespmem:s23+$0xF240]  }
0x103: {  	v34 =	vld [tilespmem:s23+$0xF1E0]  }
0x104: {  	v35 =	vld [tilespmem:s23+$0xF1C0]  }
0x105: {  	v36 =	vld [tilespmem:s23+$0xF160]  }
0x106: {  	v37 =	vld [tilespmem:s23+$0xF140]  }
0x107: {  	v38 =	vld [tilespmem:s23+$0xF0E0]  }
0x108: {  	v39 =	vld [tilespmem:s23+$0xF0C0]  }
0x109: {  	v40 =	vld [tilespmem:s23+$0xF060]  }
0x10a: {  	v41 =	vld [tilespmem:s23+$0xF040]  }
0x10b: {  	v42 =	vld [tilespmem:s23+$0xEFE0]  }
0x10c: {  	v43 =	vld [tilespmem:s23+$0xEFC0]  }
0x10d: {  	v44 =	vld [tilespmem:s23+$0xEF60]  }
0x10e: {  	v45 =	vld [tilespmem:s23+$0xEF40]  }
0x10f: {  	v46 =	vld [tilespmem:s23+$0xEEE0]  }
0x110: {  	v47 =	vld [tilespmem:s23+$0xEEC0]  }
0x111: {  	v48 =	vld [tilespmem:s23+$0xEE60]  }
0x112: {  	v49 =	vld [tilespmem:s23+$0xEE40]  }
0x113: {  	v50 =	vld [tilespmem:s23+$0xEDE0]  }
0x114: {  	v51 =	vld [tilespmem:s23+$0xEDC0]  }
0x115: {  	v52 =	vld [tilespmem:s23+$0xED60]  }
0x116: {  	v53 =	vld [tilespmem:s23+$0xECF0]  }
0x117: {  	v54 =	vld [tilespmem:s23+$0xED40]  }
0x118: {  	v55 =	vld [tilespmem:s23+$0xECE0]  }
0x119: {  	v56 =	vld [tilespmem:s23+$0xECC0]  }
0x11a: {  	v57 =	vld [tilespmem:s23+$0xEC40]  }
0x11b: {  	v58 =	vld [tilespmem:s23+$0xECD0]  }
0x11c: {  	v59 =	vld [tilespmem:s23+$0xEC50]  }
0x11d: {  	v60 =	vld [tilespmem:s23+$0xEC60]  }
0x11e: {  	v61 =	vld [tilespmem:s23+$0xED50]  }
0x11f: {  	v62 =	vld [tilespmem:s23+$0xEC70]  }
0x120: {  	v63 =	vld [tilespmem:s23+$0xEDD0]  }
0x121: {  	v56 =	vadd.f32 v56, v57;
	v57 =	vadd.f32 v58, v59;
	v58 =	vld [tilespmem:s23+$0xED70]  }
0x122: {  	v55 =	vadd.f32 v55, v60;
	v59 =	vld [tilespmem:s23+$0xEE50]  }
0x123: {  	v54 =	vadd.f32 v54, v56;
	v60 =	vadd.f32 v61, v57;
	v61 =	vld [tilespmem:s23+$0xEDF0]  }
0x124: {  	v53 =	vadd.f32 v53, v62;
	v62 =	vld [tilespmem:s23+$0xEED0];
	v52 =	vadd.f32 v52, v55  }
0x125: {  	v56 =	vld [tilespmem:s23+$0xEE70];
	v51 =	vadd.f32 v51, v54;
	v63 =	vadd.f32 v63, v60  }
0x126: {  	v50 =	vadd.f32 v50, v52;
	v53 =	vadd.f32 v58, v53;
	v58 =	vld [tilespmem:s23+$0xEF50]  }
0x127: {  	v60 =	vld [tilespmem:s23+$0xEEF0];
	v49 =	vadd.f32 v49, v51;
	v59 =	vadd.f32 v59, v63  }
0x128: {  	v48 =	vadd.f32 v48, v50;
	v53 =	vadd.f32 v61, v53;
	v61 =	vld [tilespmem:s23+$0xEFD0]  }
0x129: {  	v63 =	vld [tilespmem:s23+$0xEF70];
	v47 =	vadd.f32 v47, v49;
	v62 =	vadd.f32 v62, v59  }
0x12a: {  	v46 =	vadd.f32 v46, v48;
	v53 =	vadd.f32 v56, v53;
	v56 =	vld [tilespmem:s23+$0xF050]  }
0x12b: {  	v45 =	vadd.f32 v45, v47;
	v57 =	vadd.f32 v58, v62;
	v58 =	vld [tilespmem:s23+$0xEFF0]  }
0x12c: {  	v44 =	vadd.f32 v44, v46;
	v59 =	vadd.f32 v60, v53;
	v60 =	vld [tilespmem:s23+$0xF0D0]  }
0x12d: {  	v62 =	vld [tilespmem:s23+$0xF070];
	v43 =	vadd.f32 v43, v45;
	v61 =	vadd.f32 v61, v57  }
0x12e: {  	v52 =	vld [tilespmem:s23+$0xF150];
	v42 =	vadd.f32 v42, v44;
	v63 =	vadd.f32 v63, v59  }
0x12f: {  	v54 =	vld [tilespmem:s23+$0xF0F0];
	v41 =	vadd.f32 v41, v43;
	v53 =	vadd.f32 v56, v61  }
0x130: {  	v40 =	vadd.f32 v40, v42;
	v56 =	vld [tilespmem:s23+$0xF1D0];
	v55 =	vadd.f32 v58, v63  }
0x131: {  	v58 =	vld [tilespmem:s23+$0xF170];
	v39 =	vadd.f32 v39, v41;
	v57 =	vadd.f32 v60, v53  }
0x132: {  	v38 =	vadd.f32 v38, v40;
	v60 =	vld [tilespmem:s23+$0xF250];
	v59 =	vadd.f32 v62, v55  }
0x133: {  	v62 =	vld [tilespmem:s23+$0xF1F0];
	v37 =	vadd.f32 v37, v39;
	v61 =	vadd.f32 v52, v57  }
0x134: {  	v47 =	vld [tilespmem:s23+$0xF2D0];
	v36 =	vadd.f32 v36, v38;
	v63 =	vadd.f32 v54, v59  }
0x135: {  	v49 =	vld [tilespmem:s23+$0xF270];
	v35 =	vadd.f32 v35, v37;
	v48 =	vadd.f32 v56, v61  }
0x136: {  	v51 =	vld [tilespmem:s23+$0xF350];
	v34 =	vadd.f32 v34, v36;
	v50 =	vadd.f32 v58, v63  }
0x137: {  	v53 =	vld [tilespmem:s23+$0xF2F0];
	v33 =	vadd.f32 v33, v35;
	v52 =	vadd.f32 v60, v48  }
0x138: {  	v55 =	vld [tilespmem:s23+$0xF3D0];
	v32 =	vadd.f32 v32, v34;
	v54 =	vadd.f32 v62, v50  }
0x139: {  	v57 =	vld [tilespmem:s23+$0xF370];
	v31 =	vadd.f32 v31, v33;
	v56 =	vadd.f32 v47, v52  }
0x13a: {  	v59 =	vld [tilespmem:s23+$0xF450];
	v30 =	vadd.f32 v30, v32;
	v58 =	vadd.f32 v49, v54  }
0x13b: {  	v60 =	vld [tilespmem:s23+$0xF3F0];
	v29 =	vadd.f32 v29, v31;
	v31 =	vadd.f32 v51, v56  }
0x13c: {  	v2 =	vadd.f32 v2, v30;
	v30 =	vld [tilespmem:s23+$0xF4D0];
	v61 =	vadd.f32 v53, v58  }
0x13d: {  	v1 =	vadd.f32 v1, v29;
	v29 =	vadd.f32 v55, v31;
	v31 =	vld [tilespmem:s23+$0xF470]  }
0x13e: {  	v0 =	vadd.f32 v0, v2;
	v2 =	vld [tilespmem:s23+$0xF550];
	v62 =	vadd.f32 v57, v61  }
0x13f: {  	s22 =	simm.s32 $0x3430;
	v1 =	vadd.f32 v28, v1;
	v28 =	vadd.f32 v59, v29;
	v29 =	vld [tilespmem:s23+$0xF4F0]  }
0x140: {  	v63 =	vld [tilespmem:s22+$0xFFFFFFD0];
	v0 =	vadd.f32 v27, v0;
	v33 =	vadd.f32 v60, v62  }
0x141: {  	v27 =	vld [tilespmem:s22+$0xFFFFFFE0];
	v1 =	vadd.f32 v26, v1;
	v26 =	vadd.f32 v30, v28  }
0x142: {  	v0 =	vadd.f32 v25, v0;
	v25 =	vld [tilespmem:s23+$0xF5E0];
	v28 =	vadd.f32 v31, v33  }
0x143: {  	v30 =	vld [tilespmem:s22+$0xFFFFFFF0];
	v1 =	vadd.f32 v24, v1;
	v2 =	vadd.f32 v2, v26  }
0x144: {  	v0 =	vadd.f32 v23, v0;
	v23 =	vld [tilespmem:s23+$0xF5F0];
	v24 =	vadd.f32 v29, v28  }
0x145: {  	v26 =	vld [tilespmem:s22+$0x0];
	v1 =	vadd.f32 v21, v1;
	v2 =	vadd.f32 v22, v2  }
0x146: {  	v19 =	vmul.f32 v19, v63;
	v20 =	vmul.f32 v20, v27;
	v18 =	vadd.f32 v18, v24  }
0x147: {  	v0 =	vadd.f32 v25, v0;
	v1 =	vmul.f32 v1, v63;
	v2 =	vmul.f32 v2, v27  }
0x148: {  	v19 =	vadd.f32 v20, v19;
	v17 =	vmul.f32 v17, v30  }
0x149: {  	v18 =	vadd.f32 v23, v18;
	v0 =	vmul.f32 v0, v30;
	v1 =	vadd.f32 v2, v1  }
0x14a: {  	v16 =	vmul.f32 v16, v26;
	v2 =	vadd.f32 v17, v19  }
0x14b: {  	v0 =	vadd.f32 v0, v1;
	v1 =	vmul.f32 v18, v26  }
0x14c: {  	v2 =	vadd.f32 v16, v2  }
0x14d: {  	s23 =	simm.s32 $0x18C00;
	v0 =	vadd.f32 v1, v0  }
0x14e: {  	s15 =	simm.s32 $0x18D00;
	[tilespmem:s23+$0x0] =	vst v2  }
0x14f: {  	s11 =	simm.s32 $0x44F0;
	[tilespmem:s15+$0x0] =	vst v0  }
0x150: {  	v16 =	vld [tilespmem:s11+$0x0]  }
0x151: {  	s17 =	simm.s32 $0xA00;
	v17 =	vld [tilespmem:s11+$0xFFFFFFF0]  }
0x152: {  	v18 =	vld [tilespmem:s17+$0xF570]  }
0x153: {  	v19 =	vld [tilespmem:s11+$0xFFFFFFD0]  }
0x154: {  	v20 =	vld [tilespmem:s11+$0xFFFFFFE0]  }
0x155: {  	v21 =	vld [tilespmem:s17+$0xF5C0]  }
0x156: {  	v22 =	vld [tilespmem:s17+$0xF5D0]  }
0x157: {  	v23 =	vld [tilespmem:s17+$0xF560]  }
0x158: {  	v24 =	vld [tilespmem:s17+$0xF540]  }
0x159: {  	v25 =	vld [tilespmem:s17+$0xF4E0]  }
0x15a: {  	v26 =	vld [tilespmem:s17+$0xF4C0]  }
0x15b: {  	v27 =	vld [tilespmem:s17+$0xF460]  }
0x15c: {  	v28 =	vld [tilespmem:s17+$0xF440]  }
0x15d: {  	v29 =	vld [tilespmem:s17+$0xF3E0]  }
0x15e: {  	v30 =	vld [tilespmem:s17+$0xF3C0]  }
0x15f: {  	v31 =	vld [tilespmem:s17+$0xF360]  }
0x160: {  	v32 =	vld [tilespmem:s17+$0xF340]  }
0x161: {  	v33 =	vld [tilespmem:s17+$0xF2E0]  }
0x162: {  	v34 =	vld [tilespmem:s17+$0xF2C0]  }
0x163: {  	v35 =	vld [tilespmem:s17+$0xF260]  }
0x164: {  	v36 =	vld [tilespmem:s17+$0xF240]  }
0x165: {  	v37 =	vld [tilespmem:s17+$0xF1E0]  }
0x166: {  	v38 =	vld [tilespmem:s17+$0xF1C0]  }
0x167: {  	v39 =	vld [tilespmem:s17+$0xF160]  }
0x168: {  	v40 =	vld [tilespmem:s17+$0xF140]  }
0x169: {  	v41 =	vld [tilespmem:s17+$0xF0E0]  }
0x16a: {  	v42 =	vld [tilespmem:s17+$0xF0C0]  }
0x16b: {  	v43 =	vld [tilespmem:s17+$0xF060]  }
0x16c: {  	v44 =	vld [tilespmem:s17+$0xF040]  }
0x16d: {  	v45 =	vld [tilespmem:s17+$0xEFE0]  }
0x16e: {  	v46 =	vld [tilespmem:s17+$0xEFC0]  }
0x16f: {  	v47 =	vld [tilespmem:s17+$0xEF60]  }
0x170: {  	v48 =	vld [tilespmem:s17+$0xEF40]  }
0x171: {  	v49 =	vld [tilespmem:s17+$0xEEE0]  }
0x172: {  	v50 =	vld [tilespmem:s17+$0xEEC0]  }
0x173: {  	v51 =	vld [tilespmem:s17+$0xEE60]  }
0x174: {  	v52 =	vld [tilespmem:s17+$0xEE40]  }
0x175: {  	v53 =	vld [tilespmem:s17+$0xEDE0]  }
0x176: {  	v54 =	vld [tilespmem:s17+$0xEDC0]  }
0x177: {  	v55 =	vld [tilespmem:s17+$0xED60]  }
0x178: {  	v56 =	vld [tilespmem:s17+$0xECF0]  }
0x179: {  	v57 =	vld [tilespmem:s17+$0xED40]  }
0x17a: {  	v58 =	vld [tilespmem:s17+$0xECE0]  }
0x17b: {  	v59 =	vld [tilespmem:s17+$0xECC0]  }
0x17c: {  	v60 =	vld [tilespmem:s17+$0xEC40]  }
0x17d: {  	s21 =	sand.u32 $0x180, s12;
	s12 =	simm.s32 $0x5000;
	v61 =	vld [tilespmem:s17+$0xECD0]  }
.LBB2_5:
0x17e: {  	p0 =	sne.s32 s12, $0x25800;
	v0 =	vld [tilespmem:s17+$0xEC50]  }
0x17f: {  	v1 =	vld [tilespmem:s17+$0xEC60]  }
0x180: {  	v2 =	vld [tilespmem:s17+$0xED50]  }
0x181: {  	v62 =	vld [tilespmem:s17+$0xEC70]  }
0x182: {  	v63 =	vld [tilespmem:s17+$0xEDD0]  }
0x183: {  	v59 =	vadd.f32 v59, v60;
	v0 =	vadd.f32 v61, v0;
	v60 =	vld [tilespmem:s17+$0xED70]  }
0x184: {  	v1 =	vadd.f32 v58, v1;
	v58 =	vld [tilespmem:s17+$0xEE50]  }
0x185: {  	v57 =	vadd.f32 v57, v59;
	v0 =	vadd.f32 v2, v0;
	v2 =	vld [tilespmem:s17+$0xEDF0]  }
0x186: {  	v56 =	vadd.f32 v56, v62;
	v1 =	vadd.f32 v55, v1;
	v55 =	vld [tilespmem:s17+$0xEED0]  }
0x187: {  	v54 =	vadd.f32 v54, v57;
	v0 =	vadd.f32 v63, v0;
	v57 =	vld [tilespmem:s17+$0xEE70]  }
0x188: {  	v56 =	vadd.f32 v60, v56;
	v1 =	vadd.f32 v53, v1;
	v53 =	vld [tilespmem:s17+$0xEF50]  }
0x189: {  	v52 =	vadd.f32 v52, v54;
	v0 =	vadd.f32 v58, v0;
	v54 =	vld [tilespmem:s17+$0xEEF0]  }
0x18a: {  	v2 =	vadd.f32 v2, v56;
	v1 =	vadd.f32 v51, v1;
	v51 =	vld [tilespmem:s17+$0xEFD0]  }
0x18b: {  	v50 =	vadd.f32 v50, v52;
	v0 =	vadd.f32 v55, v0;
	v52 =	vld [tilespmem:s17+$0xEF70]  }
0x18c: {  	v2 =	vadd.f32 v57, v2;
	v1 =	vadd.f32 v49, v1;
	v49 =	vld [tilespmem:s17+$0xF050]  }
0x18d: {  	v48 =	vadd.f32 v48, v50;
	v0 =	vadd.f32 v53, v0;
	v50 =	vld [tilespmem:s17+$0xEFF0]  }
0x18e: {  	v2 =	vadd.f32 v54, v2;
	v1 =	vadd.f32 v47, v1;
	v47 =	vld [tilespmem:s17+$0xF0D0]  }
0x18f: {  	v46 =	vadd.f32 v46, v48;
	v0 =	vadd.f32 v51, v0;
	v48 =	vld [tilespmem:s17+$0xF070]  }
0x190: {  	v2 =	vadd.f32 v52, v2;
	v1 =	vadd.f32 v45, v1;
	v45 =	vld [tilespmem:s17+$0xF150]  }
0x191: {  	v44 =	vadd.f32 v44, v46;
	v0 =	vadd.f32 v49, v0;
	v46 =	vld [tilespmem:s17+$0xF0F0]  }
0x192: {  	v2 =	vadd.f32 v50, v2;
	v1 =	vadd.f32 v43, v1;
	v43 =	vld [tilespmem:s17+$0xF1D0]  }
0x193: {  	v42 =	vadd.f32 v42, v44;
	v0 =	vadd.f32 v47, v0;
	v44 =	vld [tilespmem:s17+$0xF170]  }
0x194: {  	v2 =	vadd.f32 v48, v2;
	v1 =	vadd.f32 v41, v1;
	v41 =	vld [tilespmem:s17+$0xF250]  }
0x195: {  	v40 =	vadd.f32 v40, v42;
	v0 =	vadd.f32 v45, v0;
	v42 =	vld [tilespmem:s17+$0xF1F0]  }
0x196: {  	v2 =	vadd.f32 v46, v2;
	v1 =	vadd.f32 v39, v1;
	v39 =	vld [tilespmem:s17+$0xF2D0]  }
0x197: {  	v38 =	vadd.f32 v38, v40;
	v0 =	vadd.f32 v43, v0;
	v40 =	vld [tilespmem:s17+$0xF270]  }
0x198: {  	v2 =	vadd.f32 v44, v2;
	v1 =	vadd.f32 v37, v1;
	v37 =	vld [tilespmem:s17+$0xF350]  }
0x199: {  	v36 =	vadd.f32 v36, v38;
	v0 =	vadd.f32 v41, v0;
	v38 =	vld [tilespmem:s17+$0xF2F0]  }
0x19a: {  	v2 =	vadd.f32 v42, v2;
	v1 =	vadd.f32 v35, v1;
	v35 =	vld [tilespmem:s17+$0xF3D0]  }
0x19b: {  	v34 =	vadd.f32 v34, v36;
	v0 =	vadd.f32 v39, v0;
	v36 =	vld [tilespmem:s17+$0xF370]  }
0x19c: {  	v2 =	vadd.f32 v40, v2;
	v1 =	vadd.f32 v33, v1;
	v33 =	vld [tilespmem:s17+$0xF450]  }
0x19d: {  	v32 =	vadd.f32 v32, v34;
	v0 =	vadd.f32 v37, v0;
	v34 =	vld [tilespmem:s17+$0xF3F0]  }
0x19e: {  	v2 =	vadd.f32 v38, v2;
	v1 =	vadd.f32 v31, v1;
	v31 =	vld [tilespmem:s17+$0xF4D0]  }
0x19f: {  	v30 =	vadd.f32 v30, v32;
	v0 =	vadd.f32 v35, v0;
	v32 =	vld [tilespmem:s17+$0xF470]  }
0x1a0: {  	v2 =	vadd.f32 v36, v2;
	v1 =	vadd.f32 v29, v1;
	v29 =	vld [tilespmem:s17+$0xF550]  }
0x1a1: {  	s22 =	sadd.s32 $0x80, s22;
	v28 =	vadd.f32 v28, v30;
	v0 =	vadd.f32 v33, v0;
	v30 =	vld [tilespmem:s17+$0xF4F0]  }
0x1a2: {  	v33 =	vld [tilespmem:s22+$0xFFFFFFD0];
	v2 =	vadd.f32 v34, v2;
	v1 =	vadd.f32 v27, v1  }
0x1a3: {  	v26 =	vadd.f32 v26, v28;
	v27 =	vld [tilespmem:s22+$0xFFFFFFE0];
	v0 =	vadd.f32 v31, v0  }
0x1a4: {  	v2 =	vadd.f32 v32, v2;
	v1 =	vadd.f32 v25, v1;
	v25 =	vld [tilespmem:s17+$0xF5E0]  }
0x1a5: {  	v24 =	vadd.f32 v24, v26;
	v28 =	vld [tilespmem:s22+$0xFFFFFFF0];
	v0 =	vadd.f32 v29, v0  }
0x1a6: {  	v2 =	vadd.f32 v30, v2;
	v1 =	vadd.f32 v23, v1;
	v23 =	vld [tilespmem:s17+$0xF5F0]  }
0x1a7: {  	v21 =	vadd.f32 v21, v24;
	v26 =	vld [tilespmem:s22+$0x0];
	v0 =	vadd.f32 v22, v0  }
0x1a8: {  	v19 =	vmul.f32 v19, v33;
	v20 =	vmul.f32 v20, v27;
	v2 =	vadd.f32 v18, v2  }
0x1a9: {  	v18 =	vmul.f32 v21, v33;
	v1 =	vadd.f32 v25, v1;
	v0 =	vmul.f32 v0, v27  }
0x1aa: {  	v19 =	vadd.f32 v20, v19;
	v17 =	vmul.f32 v17, v28  }
0x1ab: {  	v2 =	vadd.f32 v23, v2;
	v0 =	vadd.f32 v0, v18;
	v1 =	vmul.f32 v1, v28  }
0x1ac: {  	v17 =	vadd.f32 v17, v19;
	v16 =	vmul.f32 v16, v26  }
0x1ad: {  	v0 =	vadd.f32 v1, v0;
	v1 =	vmul.f32 v2, v26  }
0x1ae: {  	v2 =	vadd.f32 v16, v17  }
0x1af: {  	s23 =	sadd.s32 $0x10, s23;
	v0 =	vadd.f32 v1, v0  }
0x1b0: {  	s15 =	sadd.s32 $0x10, s15;
	[tilespmem:s23+$0x0] =	vst v2  }
0x1b1: {  	s11 =	sadd.s32 $0x80, s11;
	[tilespmem:s15+$0x0] =	vst v0  }
0x1b2: {  	v16 =	vld [tilespmem:s11+$0x0]  }
0x1b3: {  	s17 =	sshra.s32 s12, $0x2;
	v17 =	vld [tilespmem:s11+$0xFFFFFFF0]  }
0x1b4: {  	v18 =	vld [tilespmem:s17+$0xF570]  }
0x1b5: {  	v19 =	vld [tilespmem:s11+$0xFFFFFFD0]  }
0x1b6: {  	v20 =	vld [tilespmem:s11+$0xFFFFFFE0]  }
0x1b7: {  	v21 =	vld [tilespmem:s17+$0xF5C0]  }
0x1b8: {  	v22 =	vld [tilespmem:s17+$0xF5D0]  }
0x1b9: {  	v23 =	vld [tilespmem:s17+$0xF560]  }
0x1ba: {  	v24 =	vld [tilespmem:s17+$0xF540]  }
0x1bb: {  	v25 =	vld [tilespmem:s17+$0xF4E0]  }
0x1bc: {  	v26 =	vld [tilespmem:s17+$0xF4C0]  }
0x1bd: {  	v27 =	vld [tilespmem:s17+$0xF460]  }
0x1be: {  	v28 =	vld [tilespmem:s17+$0xF440]  }
0x1bf: {  	v29 =	vld [tilespmem:s17+$0xF3E0]  }
0x1c0: {  	v30 =	vld [tilespmem:s17+$0xF3C0]  }
0x1c1: {  	v31 =	vld [tilespmem:s17+$0xF360]  }
0x1c2: {  	v32 =	vld [tilespmem:s17+$0xF340]  }
0x1c3: {  	v33 =	vld [tilespmem:s17+$0xF2E0]  }
0x1c4: {  	v34 =	vld [tilespmem:s17+$0xF2C0]  }
0x1c5: {  	v35 =	vld [tilespmem:s17+$0xF260]  }
0x1c6: {  	v36 =	vld [tilespmem:s17+$0xF240]  }
0x1c7: {  	v37 =	vld [tilespmem:s17+$0xF1E0]  }
0x1c8: {  	v38 =	vld [tilespmem:s17+$0xF1C0]  }
0x1c9: {  	v39 =	vld [tilespmem:s17+$0xF160]  }
0x1ca: {  	v40 =	vld [tilespmem:s17+$0xF140]  }
0x1cb: {  	v41 =	vld [tilespmem:s17+$0xF0E0]  }
0x1cc: {  	v42 =	vld [tilespmem:s17+$0xF0C0]  }
0x1cd: {  	v43 =	vld [tilespmem:s17+$0xF060]  }
0x1ce: {  	v44 =	vld [tilespmem:s17+$0xF040]  }
0x1cf: {  	v45 =	vld [tilespmem:s17+$0xEFE0]  }
0x1d0: {  	v46 =	vld [tilespmem:s17+$0xEFC0]  }
0x1d1: {  	v47 =	vld [tilespmem:s17+$0xEF60]  }
0x1d2: {  	v48 =	vld [tilespmem:s17+$0xEF40]  }
0x1d3: {  	v49 =	vld [tilespmem:s17+$0xEEE0]  }
0x1d4: {  	v50 =	vld [tilespmem:s17+$0xEEC0]  }
0x1d5: {  	v51 =	vld [tilespmem:s17+$0xEE60]  }
0x1d6: {  	v52 =	vld [tilespmem:s17+$0xEE40]  }
0x1d7: {  	v53 =	vld [tilespmem:s17+$0xEDE0]  }
0x1d8: {  	v54 =	vld [tilespmem:s17+$0xEDC0]  }
0x1d9: {  	v55 =	vld [tilespmem:s17+$0xED60]  }
0x1da: {  	v56 =	vld [tilespmem:s17+$0xECF0]  }
.Ltmp1:
0x1db: {  	v57 =	vld [tilespmem:s17+$0xED40];
	(pc) =	sbr.rel @p0 .LBB2_5-.Ltmp1, $4  }
0x1dc: {  	v58 =	vld [tilespmem:s17+$0xECE0]  }
0x1dd: {  	v59 =	vld [tilespmem:s17+$0xECC0]  }
0x1de: {  	v60 =	vld [tilespmem:s17+$0xEC40]  }
0x1df: {  	s12 =	sadd.s32 $0x2800, s12;
	v61 =	vld [tilespmem:s17+$0xECD0]  }
0x1e0: {  	v0 =	vld [tilespmem:s17+$0xEC50]  }
0x1e1: {  	v1 =	vld [tilespmem:s17+$0xEC60]  }
0x1e2: {  	v2 =	vld [tilespmem:s17+$0xED50]  }
0x1e3: {  	v62 =	vld [tilespmem:s17+$0xEC70]  }
0x1e4: {  	v63 =	vld [tilespmem:s17+$0xEDD0];
	v59 =	vadd.f32 v59, v60  }
0x1e5: {  	v60 =	vld [tilespmem:s17+$0xED70];
	v0 =	vadd.f32 v61, v0  }
0x1e6: {  	v1 =	vadd.f32 v58, v1;
	v58 =	vld [tilespmem:s17+$0xEE50];
	v57 =	vadd.f32 v57, v59  }
0x1e7: {  	v0 =	vadd.f32 v2, v0;
	v2 =	vld [tilespmem:s17+$0xEDF0]  }
0x1e8: {  	v1 =	vadd.f32 v55, v1;
	v55 =	vld [tilespmem:s17+$0xEED0];
	v54 =	vadd.f32 v54, v57  }
0x1e9: {  	v56 =	vadd.f32 v56, v62;
	v61 =	vld [tilespmem:s17+$0xEE70];
	v0 =	vadd.f32 v63, v0  }
0x1ea: {  	v62 =	vld [tilespmem:s17+$0xEF50];
	v1 =	vadd.f32 v53, v1;
	v52 =	vadd.f32 v52, v54  }
0x1eb: {  	v56 =	vadd.f32 v60, v56;
	v63 =	vld [tilespmem:s17+$0xEEF0];
	v0 =	vadd.f32 v58, v0  }
0x1ec: {  	v1 =	vadd.f32 v51, v1;
	v58 =	vld [tilespmem:s17+$0xEFD0];
	v50 =	vadd.f32 v50, v52  }
0x1ed: {  	v59 =	vld [tilespmem:s17+$0xEF70];
	v2 =	vadd.f32 v2, v56;
	v0 =	vadd.f32 v55, v0  }
0x1ee: {  	v60 =	vld [tilespmem:s17+$0xF050];
	v1 =	vadd.f32 v49, v1;
	v48 =	vadd.f32 v48, v50  }
0x1ef: {  	v2 =	vadd.f32 v61, v2;
	v61 =	vld [tilespmem:s17+$0xEFF0];
	v0 =	vadd.f32 v62, v0  }
0x1f0: {  	v1 =	vadd.f32 v47, v1;
	v62 =	vld [tilespmem:s17+$0xF0D0];
	v46 =	vadd.f32 v46, v48  }
0x1f1: {  	v51 =	vld [tilespmem:s17+$0xF150];
	v2 =	vadd.f32 v63, v2;
	v0 =	vadd.f32 v58, v0  }
0x1f2: {  	v63 =	vld [tilespmem:s17+$0xF070];
	v1 =	vadd.f32 v45, v1;
	v44 =	vadd.f32 v44, v46  }
0x1f3: {  	v53 =	vld [tilespmem:s17+$0xF1D0];
	v2 =	vadd.f32 v59, v2;
	v0 =	vadd.f32 v60, v0  }
0x1f4: {  	v52 =	vld [tilespmem:s17+$0xF0F0];
	v1 =	vadd.f32 v43, v1;
	v42 =	vadd.f32 v42, v44  }
0x1f5: {  	v54 =	vld [tilespmem:s17+$0xF170];
	v2 =	vadd.f32 v61, v2;
	v0 =	vadd.f32 v62, v0  }
0x1f6: {  	v55 =	vld [tilespmem:s17+$0xF250];
	v1 =	vadd.f32 v41, v1;
	v40 =	vadd.f32 v40, v42  }
0x1f7: {  	v57 =	vld [tilespmem:s17+$0xF2D0];
	v2 =	vadd.f32 v63, v2;
	v0 =	vadd.f32 v51, v0  }
0x1f8: {  	v56 =	vld [tilespmem:s17+$0xF1F0];
	v1 =	vadd.f32 v39, v1;
	v38 =	vadd.f32 v38, v40  }
0x1f9: {  	v58 =	vld [tilespmem:s17+$0xF270];
	v2 =	vadd.f32 v52, v2;
	v0 =	vadd.f32 v53, v0  }
0x1fa: {  	v59 =	vld [tilespmem:s17+$0xF350];
	v1 =	vadd.f32 v37, v1;
	v36 =	vadd.f32 v36, v38  }
0x1fb: {  	v60 =	vld [tilespmem:s17+$0xF2F0];
	v2 =	vadd.f32 v54, v2;
	v0 =	vadd.f32 v55, v0  }
0x1fc: {  	v61 =	vld [tilespmem:s17+$0xF3D0];
	v1 =	vadd.f32 v35, v1;
	v34 =	vadd.f32 v34, v36  }
0x1fd: {  	v62 =	vld [tilespmem:s17+$0xF370];
	v2 =	vadd.f32 v56, v2;
	v0 =	vadd.f32 v57, v0  }
0x1fe: {  	v63 =	vld [tilespmem:s17+$0xF450];
	v1 =	vadd.f32 v33, v1;
	v32 =	vadd.f32 v32, v34  }
0x1ff: {  	v39 =	vld [tilespmem:s17+$0xF4D0];
	v2 =	vadd.f32 v58, v2;
	v0 =	vadd.f32 v59, v0  }
0x200: {  	v37 =	vld [tilespmem:s17+$0xF3F0];
	v1 =	vadd.f32 v31, v1;
	v30 =	vadd.f32 v30, v32  }
0x201: {  	v41 =	vld [tilespmem:s17+$0xF550];
	v2 =	vadd.f32 v60, v2;
	v0 =	vadd.f32 v61, v0  }
0x202: {  	v40 =	vld [tilespmem:s17+$0xF470];
	v1 =	vadd.f32 v29, v1;
	v28 =	vadd.f32 v28, v30  }
0x203: {  	v45 =	vld [tilespmem:s17+$0xF5E0];
	v2 =	vadd.f32 v62, v2;
	v0 =	vadd.f32 v63, v0  }
0x204: {  	s11 =	sadd.s32 $0x80, s22;
	v42 =	vld [tilespmem:s17+$0xF4F0];
	v1 =	vadd.f32 v27, v1;
	v26 =	vadd.f32 v26, v28  }
0x205: {  	v43 =	vld [tilespmem:s11+$0xFFFFFFD0];
	v2 =	vadd.f32 v37, v2;
	v0 =	vadd.f32 v39, v0  }
0x206: {  	v44 =	vld [tilespmem:s11+$0xFFFFFFE0];
	v1 =	vadd.f32 v25, v1;
	v24 =	vadd.f32 v24, v26  }
0x207: {  	v47 =	vld [tilespmem:s17+$0xF5F0];
	v2 =	vadd.f32 v40, v2;
	v0 =	vadd.f32 v41, v0  }
0x208: {  	v46 =	vld [tilespmem:s11+$0xFFFFFFF0];
	v1 =	vadd.f32 v23, v1;
	v21 =	vadd.f32 v21, v24  }
0x209: {  	v2 =	vadd.f32 v42, v2;
	v0 =	vadd.f32 v22, v0  }
0x20a: {  	v48 =	vld [tilespmem:s11+$0x0];
	v1 =	vadd.f32 v45, v1  }
0x20b: {  	v51 =	vmul.f32 v21, v43;
	v2 =	vadd.f32 v18, v2;
	v0 =	vmul.f32 v0, v44  }
0x20c: {  	v49 =	vmul.f32 v19, v43;
	v50 =	vmul.f32 v20, v44  }
0x20d: {  	v1 =	vmul.f32 v1, v46;
	v2 =	vadd.f32 v47, v2;
	v0 =	vadd.f32 v0, v51  }
0x20e: {  	v17 =	vmul.f32 v17, v46  }
0x20f: {  	v18 =	vadd.f32 v50, v49;
	v0 =	vadd.f32 v1, v0;
	v1 =	vmul.f32 v2, v48;
	_ =	sdelay $0x1  }
0x210: {  	v16 =	vmul.f32 v16, v48;
	v17 =	vadd.f32 v17, v18;
	v0 =	vadd.f32 v1, v0;
	v1 =	vld [tilespmem:$0x1FFF0];
	_ =	sdelay $0x1  }
0x211: {  	v2 =	vadd.f32 v16, v17;
	v16 =	vld [tilespmem:$0x1FFD0];
	_ =	sdelay $0x1  }
0x212: {  	v52 =	vld [tilespmem:$0x1FFE0]  }
0x213: {  	s17 =	sadd.s32 $0x10, s23  }
0x214: {  	s22 =	sadd.s32 $0x10, s15;
	[tilespmem:s17+$0x0] =	vst v2  }
0x215: {  	[tilespmem:s22+$0x0] =	vst v0  }
0x216: {  	v0 =	vld.idx.msk [tilespmem:v1+s1+$0x0], $0xffff  }
0x217: {  	v1 =	vld.idx.msk [tilespmem:v1+s0+$0x0], $0xffff  }
0x218: {  	v2 =	vld.idx.msk [tilespmem:v16+s1+$0x0], $0xffff  }
0x219: {  	v16 =	vld.idx.msk [tilespmem:v16+s0+$0x0], $0xffff  }
0x21a: {  	v17 =	vld.idx.msk [tilespmem:v52+s1+$0x0], $0xffff  }
0x21b: {  	v18 =	vld.idx.msk [tilespmem:v52+s0+$0x0], $0xffff;
	v0 =	vadd.f32 $0.0e+00, v0  }
0x21c: {  	v53 =	vld.idx.msk [tilespmem:v3+s1+$0x0], $0xffff;
	v1 =	vadd.f32 $0.0e+00, v1  }
0x21d: {  	v0 =	vadd.f32 v2, v0;
	v2 =	vld.idx.msk [tilespmem:v3+s0+$0x0], $0xffff  }
0x21e: {  	v1 =	vadd.f32 v16, v1;
	v16 =	vld.idx.msk [tilespmem:v4+s1+$0x0], $0xffff  }
0x21f: {  	v0 =	vadd.f32 v17, v0;
	v17 =	vld.idx.msk [tilespmem:v4+s0+$0x0], $0xffff  }
0x220: {  	v54 =	vld.idx.msk [tilespmem:v5+s1+$0x0], $0xffff;
	v1 =	vadd.f32 v18, v1  }
0x221: {  	v55 =	vld.idx.msk [tilespmem:v5+s0+$0x0], $0xffff;
	v0 =	vadd.f32 v53, v0  }
0x222: {  	v1 =	vadd.f32 v2, v1;
	v2 =	vld.idx.msk [tilespmem:v6+s1+$0x0], $0xffff  }
0x223: {  	v0 =	vadd.f32 v16, v0;
	v16 =	vld.idx.msk [tilespmem:v6+s0+$0x0], $0xffff  }
0x224: {  	v1 =	vadd.f32 v17, v1;
	v17 =	vld.idx.msk [tilespmem:v7+s1+$0x0], $0xffff  }
0x225: {  	v56 =	vld.idx.msk [tilespmem:v7+s0+$0x0], $0xffff;
	v0 =	vadd.f32 v54, v0  }
0x226: {  	v57 =	vld.idx.msk [tilespmem:v8+s1+$0x0], $0xffff;
	v1 =	vadd.f32 v55, v1  }
0x227: {  	v0 =	vadd.f32 v2, v0;
	v2 =	vld.idx.msk [tilespmem:v8+s0+$0x0], $0xffff  }
0x228: {  	v1 =	vadd.f32 v16, v1;
	v16 =	vld.idx.msk [tilespmem:v9+s1+$0x0], $0xffff  }
0x229: {  	v0 =	vadd.f32 v17, v0;
	v17 =	vld.idx.msk [tilespmem:v9+s0+$0x0], $0xffff  }
0x22a: {  	v58 =	vld.idx.msk [tilespmem:v10+s1+$0x0], $0xffff;
	v1 =	vadd.f32 v56, v1  }
0x22b: {  	v59 =	vld.idx.msk [tilespmem:v10+s0+$0x0], $0xffff;
	v0 =	vadd.f32 v57, v0  }
0x22c: {  	v1 =	vadd.f32 v2, v1;
	v2 =	vld.idx.msk [tilespmem:v11+s1+$0x0], $0xffff  }
0x22d: {  	v0 =	vadd.f32 v16, v0;
	v16 =	vld.idx.msk [tilespmem:v11+s0+$0x0], $0xffff  }
0x22e: {  	v1 =	vadd.f32 v17, v1;
	v17 =	vld.idx.msk [tilespmem:v12+s1+$0x0], $0xffff  }
0x22f: {  	v60 =	vld.idx.msk [tilespmem:v12+s0+$0x0], $0xffff;
	v0 =	vadd.f32 v58, v0  }
0x230: {  	v61 =	vld.idx.msk [tilespmem:v13+s1+$0x0], $0xffff;
	v1 =	vadd.f32 v59, v1  }
0x231: {  	v0 =	vadd.f32 v2, v0;
	v2 =	vld.idx.msk [tilespmem:v13+s0+$0x0], $0xffff  }
0x232: {  	v1 =	vadd.f32 v16, v1;
	v16 =	vld.idx.msk [tilespmem:v14+s1+$0x0], $0xffff  }
0x233: {  	v0 =	vadd.f32 v17, v0;
	v17 =	vld.idx.msk [tilespmem:v14+s0+$0x0], $0xffff  }
0x234: {  	v62 =	vld.idx.msk [tilespmem:v15+s1+$0x0], $0xffff;
	v1 =	vadd.f32 v60, v1  }
0x235: {  	v63 =	vld.idx.msk [tilespmem:v15+s0+$0x0], $0xffff;
	v0 =	vadd.f32 v61, v0  }
0x236: {  	s19 =	sadd.s32 $0x1, s19;
	v1 =	vadd.f32 v2, v1  }
0x237: {  	p0 =	sne.s32 s19, $0x10;
	v0 =	vadd.f32 v16, v0  }
.Ltmp2:
0x238: {  	v1 =	vadd.f32 v17, v1;
	(pc) =	sbr.rel @p0 .LBB2_2-.Ltmp2, $4  }
0x239: {  	s23 =	sand.u32 $0x70, s20;
	v0 =	vadd.f32 v62, v0  }
0x23a: {  	s11 =	sor.u32 s21, s23;
	v1 =	vadd.f32 v63, v1  }
0x23b: {  	[tilespmem:s11+$0x18E00] =	vst v0  }
0x23c: {  	[tilespmem:s11+$0x19000] =	vst v1  }
0x23d: {  	s11 =	simm.s32 $0x18E00  }
0x23e: {  	[hbm4b:s7+s2] =	stream.linear.scatter [tilespmem:s11], [sflag:$0x3], $0x200, $0x38;
	[tilespmem:$0x19200] =	vst v63  }
0x23f: {  	s18 =	sadd.s32 $0x1, s18;
	_ =	swait.ge [sflag:s10], $0x200  }
0x240: {  	p0 =	sne.s32 s18, s9;
	[sflag:s10] =	ssyncset.done $0x0  }
.Ltmp3:
0x241: {  	s23 =	simm.s32 $0x19000;
	[sflag:s10] =	ssyncadd.s32 $0xFFFFFE00;
	(pc) =	sbr.rel @p0 .LBB2_1-.Ltmp3, $4  }
0x242: {  	[hbm4b:s8+s2] =	stream.linear.scatter [tilespmem:s23], [sflag:$0x3], $0x200, $0x38;
	[tilespmem:$0x19200] =	vst v63  }
0x243: {  	_ =	swait.ge [sflag:s10], $0x200  }
0x244: {  	[sflag:s10] =	ssyncset.done $0x0  }
0x245: {  	[sflag:s10] =	ssyncadd.s32 $0xFFFFFE00  }
0x246: {  	_ =	sfence.sel $0x180000  }
0x247: {  	[bflag:$0x0] =	sbarrier.arrive $0xFFFF  }
0x248: {  	_ =	strace $0x90000047  }
0x249: {  	s0 =	stileid.u32;
	[bflag:$0x2] =	sbarrier.arrive $0xFFFF  }
0x24a: {  	p0 =	sne.s32 s0, $0x0;
	s0 =	rddreg [dreg:$0x3]  }
0x24b: {  	s0 =	sadd.s32 @!p0 $0x100000, s0  }
0x24c: {  	[sflag:s0] =	ssyncadd.tile.s32 @!p0 $0x1;
	_ =	shalt  }
.Lfunc_end2:
_tile_overlayer_lowered:
.L_overlay_start_2:
0x24d: {  	(tag) =	ssettag $0x2  }
0x24e: {  	s0 =	rddreg [dreg:$0x0];
	s2 =	stileid.u32  }
0x24f: {  	s1 =	rddreg [dreg:$0x1];
	p0 =	sne.s32 s2, $0x0  }
0x250: {  	s3 =	rddreg [dreg:$0x2];
	[bflag:$0x3] =	sbarrier.arrive $0xFFFF;
	s2 =	simm.s32 @!p0 $0x1C03  }
0x251: {  	[timem:s3], [sflag:s2] =	dma.local @!p0 [hbm:s0], s1  }
0x252: {  	s0 =	simm.s32 @!p0 $0x3  }
0x253: {  	_ =	swait.ge @!p0 [sflag:s0], s1  }
0x254: {  	s1 =	ssub.s32 @!p0 $0x0, s1;
	[sflag:s0] =	ssyncset.done @!p0 $0x0  }
0x255: {  	[sflag:s0] =	ssyncadd.s32 @!p0 s1  }
0x256: {  	[bflag:$0x3] =	sbarrier.arrive $0xFFFF  }
0x257: {  	_ =	shalt  }

</sc_bundles>
